<compile_context>
chip_gen: v7x
topology: tpu7x:2x2x1
jax: 0.10.2.dev20260603
libtpu: 0.0.44.dev20260713+nightly
codegen_flags: <defaults>
</compile_context>

<pallas_src>
import functools

import jax
import jax.numpy as jnp
from jax import lax
from jax.experimental import pallas as pl
from jax.experimental.pallas import tpu as pltpu
from jax.experimental.pallas import tpu_sc as plsc

TOPK = 8
SEASON = (1, 24)
NEG_INF = float("-inf")


def _rownorm(x):
    n2 = jnp.sum(x * x, axis=-1, keepdims=True)
    return x / jnp.maximum(jnp.sqrt(n2), 1e-12)


def _topk_idx_body(xk_ref, o_ref, *, tm, l, topk, season):
    assert l == 2 * tm
    k = _rownorm(xk_ref[0])
    first = jnp.full((tm, 1), pl.program_id(1) == 0)
    q = jnp.where(first, k[:tm], k[tm:])
    sim = jax.lax.dot_general(
        q, k, (((1,), (1,)), ((), ())), preferred_element_type=jnp.float32)

    colf = jax.lax.broadcasted_iota(jnp.int32, (tm, l), 1).astype(jnp.float32)

    simw = sim
    cols = []
    for _ in range(topk):
        m = jnp.max(simw, axis=1, keepdims=True)
        cand = jnp.where(simw == m, colf, float(l))
        j0 = jnp.min(cand, axis=1, keepdims=True)
        simw = jnp.where(cand == j0, NEG_INF, simw)
        cols.append(j0.astype(jnp.int32))

    i = pl.program_id(1)
    r = i * tm + jax.lax.broadcasted_iota(jnp.int32, (tm, 1), 0)
    deltas = sorted({0, *season, *(-s for s in season)})
    for dlt in deltas:
        c = r + dlt
        cols.append(jnp.where((c >= 0) & (c < l), c, r))
    while len(cols) < 16:
        cols.append(r)
    o_ref[0] = jnp.concatenate(cols, axis=1)


def _make_sc_scatter(nrows, l):
    info = plsc.get_sparse_core_info()
    nworkers = info.num_cores * info.num_subcores
    ch = 16
    rows_per_worker = nrows // nworkers
    nchunk = rows_per_worker // ch
    mesh = plsc.VectorSubcoreMesh(core_axis_name="c", subcore_axis_name="s")

    nbuf = 3
    @functools.partial(
        pl.kernel, mesh=mesh,
        compiler_params=pltpu.CompilerParams(needs_layout_passes=False),
        out_type=jax.ShapeDtypeStruct((nrows, l), jnp.float32),
        scratch_types=[
            *[pltpu.VMEM((ch, l), jnp.float32) for _ in range(nbuf)],
            pltpu.VMEM((rows_per_worker, 16), jnp.int32),
            *[pltpu.SemaphoreType.DMA for _ in range(nbuf)],
        ])
    def sc_scatter(neg_hbm, idx_hbm, out_hbm, *refs):
        bufs, (idx_all,), sems = refs[:nbuf], refs[nbuf:nbuf + 1], refs[nbuf + 1:]
        wid = lax.axis_index("s") * info.num_cores + lax.axis_index("c")
        base = wid * rows_per_worker

        neg = jnp.full((16,), NEG_INF, dtype=jnp.float32)
        zero = jnp.zeros((16,), dtype=jnp.float32)

        pltpu.sync_copy(idx_hbm.at[pl.ds(base, rows_per_worker)], idx_all)
        for bf in bufs:
            pltpu.sync_copy(neg_hbm, bf)

        dmas = [None] * nchunk
        for c in range(nchunk):
            p = c % nbuf
            buf, sem = bufs[p], sems[p]
            row0 = base + c * ch
            if c >= nbuf:
                dmas[c - nbuf].wait()
                for rr in range(ch):
                    plsc.store_scatter(
                        buf,
                        [jnp.full((16,), rr, jnp.int32),
                         idx_all[(c - nbuf) * ch + rr, :]],
                        neg)
            for rr in range(ch):
                plsc.store_scatter(
                    buf,
                    [jnp.full((16,), rr, jnp.int32), idx_all[c * ch + rr, :]],
                    zero)
            dmas[c] = pltpu.async_copy(buf, out_hbm.at[pl.ds(row0, ch)], sem)
        for c in range(nchunk - nbuf, nchunk):
            dmas[c].wait()

    return sc_scatter


@jax.jit
def kernel(tokens):
    b, l, d = tokens.shape
    tm = l // 2

    body = functools.partial(_topk_idx_body, tm=tm, l=l, topk=min(TOPK, l),
                             season=SEASON)
    idx16 = pl.pallas_call(
        body,
        grid=(b, l // tm),
        in_specs=[pl.BlockSpec((1, l, d), lambda bi, i: (bi, 0, 0))],
        out_specs=pl.BlockSpec((1, tm, 16), lambda bi, i: (bi, i, 0)),
        out_shape=jax.ShapeDtypeStruct((b, l, 16), jnp.int32),
        compiler_params=pltpu.CompilerParams(
            dimension_semantics=("parallel", "parallel")),
    )(tokens)

    sc_scatter = _make_sc_scatter(b * l, l)
    neg_chunk = jnp.full((16, l), NEG_INF, dtype=jnp.float32)
    out = sc_scatter(neg_chunk, idx16.reshape(b * l, 16))
    return out.reshape(b, 1, l, l)

# --- scband reference (transcript-rebuilt; emitter-appended) ---
"""Pipeline reference for scband-patch-filter-29781303231202 (READ-ONLY COPY).

The authoritative reference and input builder live on the scoring server;
editing this copy changes nothing except your own understanding.
"""

import jax, jax.numpy as jnp
import numpy as np

TOPK = 8
SEASON = [1, 24]
B, L, D = 2, 2048, 1024


def setup_inputs(seed: int = 0) -> dict:
    key = jax.random.key(seed)
    tokens = jax.random.normal(key, (B, L, D), dtype=jnp.float32)
    return {"tokens": tokens}


def reference(tokens):
    B_, L_, D_ = tokens.shape
    # torch.nn.functional.normalize(tokens, dim=-1): x / max(||x||_2, eps)
    norm = jnp.linalg.norm(tokens, axis=-1, keepdims=True)
    x = tokens / jnp.maximum(norm, 1e-12)
    # pairwise cosine similarity: [B, L, L]
    sim = jnp.einsum('bid,bjd->bij', x, x)
    k = min(TOPK, L_)
    _, idx = jax.lax.top_k(sim, k)  # idx: [B, L, k]
    # scatter True at topk positions (torch mask.scatter_(dim=-1, index=idx, value=True))
    bb = jnp.arange(B_)[:, None, None]
    ll = jnp.arange(L_)[None, :, None]
    mask = jnp.zeros((B_, L_, L_), dtype=bool).at[bb, ll, idx].set(True)
    # seasonal candidate mask: cand[i, j] True iff j == i or |i - j| in SEASON
    ii = jnp.arange(L_)[:, None]
    jj = jnp.arange(L_)[None, :]
    diff = ii - jj
    cand = diff == 0
    for d in SEASON:
        cand = cand | (diff == d) | (diff == -d)
    if SEASON:
        mask = mask | cand[None, :, :]
    drop = jnp.logical_not(mask)
    attn_mask = jnp.where(drop[:, None, :, :], float('-inf'), 0.0).astype(jnp.float32)
    return attn_mask

if __name__ == "__main__":
    import jax
    _d = setup_inputs()
    print(jax.jit(kernel)(*tuple(_d.values())))

</pallas_src>

<mosaic_0001>
#map = affine_map<(d0, d1) -> (0, 0)>
module attributes {stable_mosaic.version = 14 : i64} {
  func.func @sc_scatter(%arg0: i32, %arg1: i32, %arg2: memref<16x2048xf32, #tpu.memory_space<hbm>>, %arg3: memref<4096x16xi32, #tpu.memory_space<hbm>>, %arg4: memref<4096x2048xf32, #tpu.memory_space<hbm>>, %arg5: memref<16x2048xf32, #tpu.memory_space<vmem>>, %arg6: memref<16x2048xf32, #tpu.memory_space<vmem>>, %arg7: memref<16x2048xf32, #tpu.memory_space<vmem>>, %arg8: memref<128x16xi32, #tpu.memory_space<vmem>>, %arg9: memref<!tpu.dma_semaphore, #tpu.memory_space<semaphore_mem>>, %arg10: memref<!tpu.dma_semaphore, #tpu.memory_space<semaphore_mem>>, %arg11: memref<!tpu.dma_semaphore, #tpu.memory_space<semaphore_mem>>) attributes {dimension_semantics = [#tpu.dimension_semantics<core_parallel>, #tpu.dimension_semantics<subcore_parallel>], iteration_bounds = array<i64: 2, 16>, scalar_prefetch = 0 : i64, scratch_operands = 7 : i64, tpu.core_type = #tpu.core_type<sc_vector_subcore>, window_params = [{transform_indices = #map}, {transform_indices = #map}, {transform_indices = #map}]} {
    %mul3A = arith.constant 2 : i32
    %mul3A_0 = arith.muli %arg1, %mul3A : i32
    %add3A = arith.addi %mul3A_0, %arg0 : i32
    %mul3A_1 = arith.constant 128 : i32
    %mul3A_2 = arith.muli %add3A, %mul3A_1 : i32
    %broadcast_in_dim3A = arith.constant 0xFF800000 : f32
    %broadcast_in_dim3A_3 = vector.broadcast %broadcast_in_dim3A : f32 to vector<16xf32>
    %broadcast_in_dim3A_4 = arith.constant 0.000000e+00 : f32
    %broadcast_in_dim3A_5 = vector.broadcast %broadcast_in_dim3A_4 : f32 to vector<16xf32>
    "tpu.region"() ({
      %run_scoped3A = tpu.sem_alloc : memref<!tpu.dma_semaphore, #tpu.memory_space<semaphore_mem>>
      %dma_start3A_1331 = arith.constant 0 : i32
      %dma_start3A_1332 = tpu.memref_slice %arg3[%mul3A_2, %dma_start3A_1331] : memref<4096x16xi32, #tpu.memory_space<hbm>> -> memref<128x16xi32, #tpu.memory_space<hbm>>
      %dma_start3A_1333 = arith.constant 0 : i32
      %dma_start3A_1334 = tpu.memref_slice %arg3[%mul3A_2, %dma_start3A_1333] : memref<4096x16xi32, #tpu.memory_space<hbm>> -> memref<128x16xi32, #tpu.memory_space<hbm>>
      tpu.enqueue_dma source(%dma_start3A_1334 : memref<128x16xi32, #tpu.memory_space<hbm>>) target(%arg8 : memref<128x16xi32, #tpu.memory_space<vmem>>) target_semaphore(%run_scoped3A : memref<!tpu.dma_semaphore, #tpu.memory_space<semaphore_mem>>)
      %dma_wait3A_1335 = arith.constant 0 : i32
      %dma_wait3A_1336 = tpu.memref_slice %arg3[%mul3A_2, %dma_wait3A_1335] : memref<4096x16xi32, #tpu.memory_space<hbm>> -> memref<128x16xi32, #tpu.memory_space<hbm>>
      %dma_wait3A_1337 = arith.constant 0 : i32
      %dma_wait3A_1338 = tpu.memref_slice %arg3[%mul3A_2, %dma_wait3A_1337] : memref<4096x16xi32, #tpu.memory_space<hbm>> -> memref<128x16xi32, #tpu.memory_space<hbm>>
      tpu.wait_dma2 semaphore(%run_scoped3A : memref<!tpu.dma_semaphore, #tpu.memory_space<semaphore_mem>>) src(%dma_wait3A_1338 : memref<128x16xi32, #tpu.memory_space<hbm>>) dst(%arg8 : memref<128x16xi32, #tpu.memory_space<vmem>>)
      tpu.yield
    }) : () -> ()
    "tpu.region"() ({
      %run_scoped3A = tpu.sem_alloc : memref<!tpu.dma_semaphore, #tpu.memory_space<semaphore_mem>>
      tpu.enqueue_dma source(%arg2 : memref<16x2048xf32, #tpu.memory_space<hbm>>) target(%arg5 : memref<16x2048xf32, #tpu.memory_space<vmem>>) target_semaphore(%run_scoped3A : memref<!tpu.dma_semaphore, #tpu.memory_space<semaphore_mem>>)
      tpu.wait_dma2 semaphore(%run_scoped3A : memref<!tpu.dma_semaphore, #tpu.memory_space<semaphore_mem>>) src(%arg2 : memref<16x2048xf32, #tpu.memory_space<hbm>>) dst(%arg5 : memref<16x2048xf32, #tpu.memory_space<vmem>>)
      tpu.yield
    }) : () -> ()
    "tpu.region"() ({
      %run_scoped3A = tpu.sem_alloc : memref<!tpu.dma_semaphore, #tpu.memory_space<semaphore_mem>>
      tpu.enqueue_dma source(%arg2 : memref<16x2048xf32, #tpu.memory_space<hbm>>) target(%arg6 : memref<16x2048xf32, #tpu.memory_space<vmem>>) target_semaphore(%run_scoped3A : memref<!tpu.dma_semaphore, #tpu.memory_space<semaphore_mem>>)
      tpu.wait_dma2 semaphore(%run_scoped3A : memref<!tpu.dma_semaphore, #tpu.memory_space<semaphore_mem>>) src(%arg2 : memref<16x2048xf32, #tpu.memory_space<hbm>>) dst(%arg6 : memref<16x2048xf32, #tpu.memory_space<vmem>>)
      tpu.yield
    }) : () -> ()
    "tpu.region"() ({
      %run_scoped3A = tpu.sem_alloc : memref<!tpu.dma_semaphore, #tpu.memory_space<semaphore_mem>>
      tpu.enqueue_dma source(%arg2 : memref<16x2048xf32, #tpu.memory_space<hbm>>) target(%arg7 : memref<16x2048xf32, #tpu.memory_space<vmem>>) target_semaphore(%run_scoped3A : memref<!tpu.dma_semaphore, #tpu.memory_space<semaphore_mem>>)
      tpu.wait_dma2 semaphore(%run_scoped3A : memref<!tpu.dma_semaphore, #tpu.memory_space<semaphore_mem>>) src(%arg2 : memref<16x2048xf32, #tpu.memory_space<hbm>>) dst(%arg7 : memref<16x2048xf32, #tpu.memory_space<vmem>>)
      tpu.yield
    }) : () -> ()
    %add3A_6 = arith.constant 0 : i32
    %add3A_7 = arith.addi %mul3A_2, %add3A_6 : i32
    %broadcast_in_dim3A_8 = arith.constant 0 : i32
    %broadcast_in_dim3A_9 = vector.broadcast %broadcast_in_dim3A_8 : i32 to vector<16xi32>
    %get3A = arith.constant 0 : i32
    %get3A_10 = arith.index_cast %get3A : i32 to index
    %get3A_11 = arith.constant 0 : index
    %get3A_12 = tpu.vector_load %arg8[%get3A_10, %get3A_11] {strides = array<i32>} : memref<128x16xi32, #tpu.memory_space<vmem>>, vector<16xi32>,
    tpu.vector_store_idx %arg5[%broadcast_in_dim3A_9, %get3A_12], %broadcast_in_dim3A_5 : memref<16x2048xf32, #tpu.memory_space<vmem>>[vector<16xi32>, vector<16xi32>], vector<16xf32>,
    %broadcast_in_dim3A_13 = arith.constant 1 : i32
    %broadcast_in_dim3A_14 = vector.broadcast %broadcast_in_dim3A_13 : i32 to vector<16xi32>
    %get3A_15 = arith.constant 1 : i32
    %get3A_16 = arith.index_cast %get3A_15 : i32 to index
    %get3A_17 = arith.constant 0 : index
    %get3A_18 = tpu.vector_load %arg8[%get3A_16, %get3A_17] {strides = array<i32>} : memref<128x16xi32, #tpu.memory_space<vmem>>, vector<16xi32>,
    tpu.vector_store_idx %arg5[%broadcast_in_dim3A_14, %get3A_18], %broadcast_in_dim3A_5 : memref<16x2048xf32, #tpu.memory_space<vmem>>[vector<16xi32>, vector<16xi32>], vector<16xf32>,
    %broadcast_in_dim3A_19 = arith.constant 2 : i32
    %broadcast_in_dim3A_20 = vector.broadcast %broadcast_in_dim3A_19 : i32 to vector<16xi32>
    %get3A_21 = arith.constant 2 : i32
    %get3A_22 = arith.index_cast %get3A_21 : i32 to index
    %get3A_23 = arith.constant 0 : index
    %get3A_24 = tpu.vector_load %arg8[%get3A_22, %get3A_23] {strides = array<i32>} : memref<128x16xi32, #tpu.memory_space<vmem>>, vector<16xi32>,
    tpu.vector_store_idx %arg5[%broadcast_in_dim3A_20, %get3A_24], %broadcast_in_dim3A_5 : memref<16x2048xf32, #tpu.memory_space<vmem>>[vector<16xi32>, vector<16xi32>], vector<16xf32>,
    %broadcast_in_dim3A_25 = arith.constant 3 : i32
    %broadcast_in_dim3A_26 = vector.broadcast %broadcast_in_dim3A_25 : i32 to vector<16xi32>
    %get3A_27 = arith.constant 3 : i32
    %get3A_28 = arith.index_cast %get3A_27 : i32 to index
    %get3A_29 = arith.constant 0 : index
    %get3A_30 = tpu.vector_load %arg8[%get3A_28, %get3A_29] {strides = array<i32>} : memref<128x16xi32, #tpu.memory_space<vmem>>, vector<16xi32>,
    tpu.vector_store_idx %arg5[%broadcast_in_dim3A_26, %get3A_30], %broadcast_in_dim3A_5 : memref<16x2048xf32, #tpu.memory_space<vmem>>[vector<16xi32>, vector<16xi32>], vector<16xf32>,
    %broadcast_in_dim3A_31 = arith.constant 4 : i32
    %broadcast_in_dim3A_32 = vector.broadcast %broadcast_in_dim3A_31 : i32 to vector<16xi32>
    %get3A_33 = arith.constant 4 : i32
    %get3A_34 = arith.index_cast %get3A_33 : i32 to index
    %get3A_35 = arith.constant 0 : index
    %get3A_36 = tpu.vector_load %arg8[%get3A_34, %get3A_35] {strides = array<i32>} : memref<128x16xi32, #tpu.memory_space<vmem>>, vector<16xi32>,
    tpu.vector_store_idx %arg5[%broadcast_in_dim3A_32, %get3A_36], %broadcast_in_dim3A_5 : memref<16x2048xf32, #tpu.memory_space<vmem>>[vector<16xi32>, vector<16xi32>], vector<16xf32>,
    %broadcast_in_dim3A_37 = arith.constant 5 : i32
    %broadcast_in_dim3A_38 = vector.broadcast %broadcast_in_dim3A_37 : i32 to vector<16xi32>
    %get3A_39 = arith.constant 5 : i32
    %get3A_40 = arith.index_cast %get3A_39 : i32 to index
    %get3A_41 = arith.constant 0 : index
    %get3A_42 = tpu.vector_load %arg8[%get3A_40, %get3A_41] {strides = array<i32>} : memref<128x16xi32, #tpu.memory_space<vmem>>, vector<16xi32>,
    tpu.vector_store_idx %arg5[%broadcast_in_dim3A_38, %get3A_42], %broadcast_in_dim3A_5 : memref<16x2048xf32, #tpu.memory_space<vmem>>[vector<16xi32>, vector<16xi32>], vector<16xf32>,
    %broadcast_in_dim3A_43 = arith.constant 6 : i32
    %broadcast_in_dim3A_44 = vector.broadcast %broadcast_in_dim3A_43 : i32 to vector<16xi32>
    %get3A_45 = arith.constant 6 : i32
    %get3A_46 = arith.index_cast %get3A_45 : i32 to index
    %get3A_47 = arith.constant 0 : index
    %get3A_48 = tpu.vector_load %arg8[%get3A_46, %get3A_47] {strides = array<i32>} : memref<128x16xi32, #tpu.memory_space<vmem>>, vector<16xi32>,
    tpu.vector_store_idx %arg5[%broadcast_in_dim3A_44, %get3A_48], %broadcast_in_dim3A_5 : memref<16x2048xf32, #tpu.memory_space<vmem>>[vector<16xi32>, vector<16xi32>], vector<16xf32>,
    %broadcast_in_dim3A_49 = arith.constant 7 : i32
    %broadcast_in_dim3A_50 = vector.broadcast %broadcast_in_dim3A_49 : i32 to vector<16xi32>
    %get3A_51 = arith.constant 7 : i32
    %get3A_52 = arith.index_cast %get3A_51 : i32 to index
    %get3A_53 = arith.constant 0 : index
    %get3A_54 = tpu.vector_load %arg8[%get3A_52, %get3A_53] {strides = array<i32>} : memref<128x16xi32, #tpu.memory_space<vmem>>, vector<16xi32>,
    tpu.vector_store_idx %arg5[%broadcast_in_dim3A_50, %get3A_54], %broadcast_in_dim3A_5 : memref<16x2048xf32, #tpu.memory_space<vmem>>[vector<16xi32>, vector<16xi32>], vector<16xf32>,
    %broadcast_in_dim3A_55 = arith.constant 8 : i32
    %broadcast_in_dim3A_56 = vector.broadcast %broadcast_in_dim3A_55 : i32 to vector<16xi32>
    %get3A_57 = arith.constant 8 : i32
    %get3A_58 = arith.index_cast %get3A_57 : i32 to index
    %get3A_59 = arith.constant 0 : index
    %get3A_60 = tpu.vector_load %arg8[%get3A_58, %get3A_59] {strides = array<i32>} : memref<128x16xi32, #tpu.memory_space<vmem>>, vector<16xi32>,
    tpu.vector_store_idx %arg5[%broadcast_in_dim3A_56, %get3A_60], %broadcast_in_dim3A_5 : memref<16x2048xf32, #tpu.memory_space<vmem>>[vector<16xi32>, vector<16xi32>], vector<16xf32>,
    %broadcast_in_dim3A_61 = arith.constant 9 : i32
    %broadcast_in_dim3A_62 = vector.broadcast %broadcast_in_dim3A_61 : i32 to vector<16xi32>
    %get3A_63 = arith.constant 9 : i32
    %get3A_64 = arith.index_cast %get3A_63 : i32 to index
    %get3A_65 = arith.constant 0 : index
    %get3A_66 = tpu.vector_load %arg8[%get3A_64, %get3A_65] {strides = array<i32>} : memref<128x16xi32, #tpu.memory_space<vmem>>, vector<16xi32>,
    tpu.vector_store_idx %arg5[%broadcast_in_dim3A_62, %get3A_66], %broadcast_in_dim3A_5 : memref<16x2048xf32, #tpu.memory_space<vmem>>[vector<16xi32>, vector<16xi32>], vector<16xf32>,
    %broadcast_in_dim3A_67 = arith.constant 10 : i32
    %broadcast_in_dim3A_68 = vector.broadcast %broadcast_in_dim3A_67 : i32 to vector<16xi32>
    %get3A_69 = arith.constant 10 : i32
    %get3A_70 = arith.index_cast %get3A_69 : i32 to index
    %get3A_71 = arith.constant 0 : index
    %get3A_72 = tpu.vector_load %arg8[%get3A_70, %get3A_71] {strides = array<i32>} : memref<128x16xi32, #tpu.memory_space<vmem>>, vector<16xi32>,
    tpu.vector_store_idx %arg5[%broadcast_in_dim3A_68, %get3A_72], %broadcast_in_dim3A_5 : memref<16x2048xf32, #tpu.memory_space<vmem>>[vector<16xi32>, vector<16xi32>], vector<16xf32>,
    %broadcast_in_dim3A_73 = arith.constant 11 : i32
    %broadcast_in_dim3A_74 = vector.broadcast %broadcast_in_dim3A_73 : i32 to vector<16xi32>
    %get3A_75 = arith.constant 11 : i32
    %get3A_76 = arith.index_cast %get3A_75 : i32 to index
    %get3A_77 = arith.constant 0 : index
    %get3A_78 = tpu.vector_load %arg8[%get3A_76, %get3A_77] {strides = array<i32>} : memref<128x16xi32, #tpu.memory_space<vmem>>, vector<16xi32>,
    tpu.vector_store_idx %arg5[%broadcast_in_dim3A_74, %get3A_78], %broadcast_in_dim3A_5 : memref<16x2048xf32, #tpu.memory_space<vmem>>[vector<16xi32>, vector<16xi32>], vector<16xf32>,
    %broadcast_in_dim3A_79 = arith.constant 12 : i32
    %broadcast_in_dim3A_80 = vector.broadcast %broadcast_in_dim3A_79 : i32 to vector<16xi32>
    %get3A_81 = arith.constant 12 : i32
    %get3A_82 = arith.index_cast %get3A_81 : i32 to index
    %get3A_83 = arith.constant 0 : index
    %get3A_84 = tpu.vector_load %arg8[%get3A_82, %get3A_83] {strides = array<i32>} : memref<128x16xi32, #tpu.memory_space<vmem>>, vector<16xi32>,
    tpu.vector_store_idx %arg5[%broadcast_in_dim3A_80, %get3A_84], %broadcast_in_dim3A_5 : memref<16x2048xf32, #tpu.memory_space<vmem>>[vector<16xi32>, vector<16xi32>], vector<16xf32>,
    %broadcast_in_dim3A_85 = arith.constant 13 : i32
    %broadcast_in_dim3A_86 = vector.broadcast %broadcast_in_dim3A_85 : i32 to vector<16xi32>
    %get3A_87 = arith.constant 13 : i32
    %get3A_88 = arith.index_cast %get3A_87 : i32 to index
    %get3A_89 = arith.constant 0 : index
    %get3A_90 = tpu.vector_load %arg8[%get3A_88, %get3A_89] {strides = array<i32>} : memref<128x16xi32, #tpu.memory_space<vmem>>, vector<16xi32>,
    tpu.vector_store_idx %arg5[%broadcast_in_dim3A_86, %get3A_90], %broadcast_in_dim3A_5 : memref<16x2048xf32, #tpu.memory_space<vmem>>[vector<16xi32>, vector<16xi32>], vector<16xf32>,
    %broadcast_in_dim3A_91 = arith.constant 14 : i32
    %broadcast_in_dim3A_92 = vector.broadcast %broadcast_in_dim3A_91 : i32 to vector<16xi32>
    %get3A_93 = arith.constant 14 : i32
    %get3A_94 = arith.index_cast %get3A_93 : i32 to index
    %get3A_95 = arith.constant 0 : index
    %get3A_96 = tpu.vector_load %arg8[%get3A_94, %get3A_95] {strides = array<i32>} : memref<128x16xi32, #tpu.memory_space<vmem>>, vector<16xi32>,
    tpu.vector_store_idx %arg5[%broadcast_in_dim3A_92, %get3A_96], %broadcast_in_dim3A_5 : memref<16x2048xf32, #tpu.memory_space<vmem>>[vector<16xi32>, vector<16xi32>], vector<16xf32>,
    %broadcast_in_dim3A_97 = arith.constant 15 : i32
    %broadcast_in_dim3A_98 = vector.broadcast %broadcast_in_dim3A_97 : i32 to vector<16xi32>
    %get3A_99 = arith.constant 15 : i32
    %get3A_100 = arith.index_cast %get3A_99 : i32 to index
    %get3A_101 = arith.constant 0 : index
    %get3A_102 = tpu.vector_load %arg8[%get3A_100, %get3A_101] {strides = array<i32>} : memref<128x16xi32, #tpu.memory_space<vmem>>, vector<16xi32>,
    tpu.vector_store_idx %arg5[%broadcast_in_dim3A_98, %get3A_102], %broadcast_in_dim3A_5 : memref<16x2048xf32, #tpu.memory_space<vmem>>[vector<16xi32>, vector<16xi32>], vector<16xf32>,
    %dma_start3A = arith.constant 0 : i32
    %dma_start3A_103 = tpu.memref_slice %arg4[%add3A_7, %dma_start3A] : memref<4096x2048xf32, #tpu.memory_space<hbm>> -> memref<16x2048xf32, #tpu.memory_space<hbm>>
    %dma_start3A_104 = arith.constant 0 : i32
    %dma_start3A_105 = tpu.memref_slice %arg4[%add3A_7, %dma_start3A_104] : memref<4096x2048xf32, #tpu.memory_space<hbm>> -> memref<16x2048xf32, #tpu.memory_space<hbm>>
    tpu.enqueue_dma source(%arg5 : memref<16x2048xf32, #tpu.memory_space<vmem>>) target(%dma_start3A_105 : memref<16x2048xf32, #tpu.memory_space<hbm>>) target_semaphore(%arg9 : memref<!tpu.dma_semaphore, #tpu.memory_space<semaphore_mem>>)
    %add3A_106 = arith.constant 16 : i32
    %add3A_107 = arith.addi %mul3A_2, %add3A_106 : i32
    %broadcast_in_dim3A_108 = arith.constant 0 : i32
    %broadcast_in_dim3A_109 = vector.broadcast %broadcast_in_dim3A_108 : i32 to vector<16xi32>
    %get3A_110 = arith.constant 16 : i32
    %get3A_111 = arith.index_cast %get3A_110 : i32 to index
    %get3A_112 = arith.constant 0 : index
    %get3A_113 = tpu.vector_load %arg8[%get3A_111, %get3A_112] {strides = array<i32>} : memref<128x16xi32, #tpu.memory_space<vmem>>, vector<16xi32>,
    tpu.vector_store_idx %arg6[%broadcast_in_dim3A_109, %get3A_113], %broadcast_in_dim3A_5 : memref<16x2048xf32, #tpu.memory_space<vmem>>[vector<16xi32>, vector<16xi32>], vector<16xf32>,
    %broadcast_in_dim3A_114 = arith.constant 1 : i32
    %broadcast_in_dim3A_115 = vector.broadcast %broadcast_in_dim3A_114 : i32 to vector<16xi32>
    %get3A_116 = arith.constant 17 : i32
    %get3A_117 = arith.index_cast %get3A_116 : i32 to index
    %get3A_118 = arith.constant 0 : index
    %get3A_119 = tpu.vector_load %arg8[%get3A_117, %get3A_118] {strides = array<i32>} : memref<128x16xi32, #tpu.memory_space<vmem>>, vector<16xi32>,
    tpu.vector_store_idx %arg6[%broadcast_in_dim3A_115, %get3A_119], %broadcast_in_dim3A_5 : memref<16x2048xf32, #tpu.memory_space<vmem>>[vector<16xi32>, vector<16xi32>], vector<16xf32>,
    %broadcast_in_dim3A_120 = arith.constant 2 : i32
    %broadcast_in_dim3A_121 = vector.broadcast %broadcast_in_dim3A_120 : i32 to vector<16xi32>
    %get3A_122 = arith.constant 18 : i32
    %get3A_123 = arith.index_cast %get3A_122 : i32 to index
    %get3A_124 = arith.constant 0 : index
    %get3A_125 = tpu.vector_load %arg8[%get3A_123, %get3A_124] {strides = array<i32>} : memref<128x16xi32, #tpu.memory_space<vmem>>, vector<16xi32>,
    tpu.vector_store_idx %arg6[%broadcast_in_dim3A_121, %get3A_125], %broadcast_in_dim3A_5 : memref<16x2048xf32, #tpu.memory_space<vmem>>[vector<16xi32>, vector<16xi32>], vector<16xf32>,
    %broadcast_in_dim3A_126 = arith.constant 3 : i32
    %broadcast_in_dim3A_127 = vector.broadcast %broadcast_in_dim3A_126 : i32 to vector<16xi32>
    %get3A_128 = arith.constant 19 : i32
    %get3A_129 = arith.index_cast %get3A_128 : i32 to index
    %get3A_130 = arith.constant 0 : index
    %get3A_131 = tpu.vector_load %arg8[%get3A_129, %get3A_130] {strides = array<i32>} : memref<128x16xi32, #tpu.memory_space<vmem>>, vector<16xi32>,
    tpu.vector_store_idx %arg6[%broadcast_in_dim3A_127, %get3A_131], %broadcast_in_dim3A_5 : memref<16x2048xf32, #tpu.memory_space<vmem>>[vector<16xi32>, vector<16xi32>], vector<16xf32>,
    %broadcast_in_dim3A_132 = arith.constant 4 : i32
    %broadcast_in_dim3A_133 = vector.broadcast %broadcast_in_dim3A_132 : i32 to vector<16xi32>
    %get3A_134 = arith.constant 20 : i32
    %get3A_135 = arith.index_cast %get3A_134 : i32 to index
    %get3A_136 = arith.constant 0 : index
    %get3A_137 = tpu.vector_load %arg8[%get3A_135, %get3A_136] {strides = array<i32>} : memref<128x16xi32, #tpu.memory_space<vmem>>, vector<16xi32>,
    tpu.vector_store_idx %arg6[%broadcast_in_dim3A_133, %get3A_137], %broadcast_in_dim3A_5 : memref<16x2048xf32, #tpu.memory_space<vmem>>[vector<16xi32>, vector<16xi32>], vector<16xf32>,
    %broadcast_in_dim3A_138 = arith.constant 5 : i32
    %broadcast_in_dim3A_139 = vector.broadcast %broadcast_in_dim3A_138 : i32 to vector<16xi32>
    %get3A_140 = arith.constant 21 : i32
    %get3A_141 = arith.index_cast %get3A_140 : i32 to index
    %get3A_142 = arith.constant 0 : index
    %get3A_143 = tpu.vector_load %arg8[%get3A_141, %get3A_142] {strides = array<i32>} : memref<128x16xi32, #tpu.memory_space<vmem>>, vector<16xi32>,
    tpu.vector_store_idx %arg6[%broadcast_in_dim3A_139, %get3A_143], %broadcast_in_dim3A_5 : memref<16x2048xf32, #tpu.memory_space<vmem>>[vector<16xi32>, vector<16xi32>], vector<16xf32>,
    %broadcast_in_dim3A_144 = arith.constant 6 : i32
    %broadcast_in_dim3A_145 = vector.broadcast %broadcast_in_dim3A_144 : i32 to vector<16xi32>
    %get3A_146 = arith.constant 22 : i32
    %get3A_147 = arith.index_cast %get3A_146 : i32 to index
    %get3A_148 = arith.constant 0 : index
    %get3A_149 = tpu.vector_load %arg8[%get3A_147, %get3A_148] {strides = array<i32>} : memref<128x16xi32, #tpu.memory_space<vmem>>, vector<16xi32>,
    tpu.vector_store_idx %arg6[%broadcast_in_dim3A_145, %get3A_149], %broadcast_in_dim3A_5 : memref<16x2048xf32, #tpu.memory_space<vmem>>[vector<16xi32>, vector<16xi32>], vector<16xf32>,
    %broadcast_in_dim3A_150 = arith.constant 7 : i32
    %broadcast_in_dim3A_151 = vector.broadcast %broadcast_in_dim3A_150 : i32 to vector<16xi32>
    %get3A_152 = arith.constant 23 : i32
    %get3A_153 = arith.index_cast %get3A_152 : i32 to index
    %get3A_154 = arith.constant 0 : index
    %get3A_155 = tpu.vector_load %arg8[%get3A_153, %get3A_154] {strides = array<i32>} : memref<128x16xi32, #tpu.memory_space<vmem>>, vector<16xi32>,
    tpu.vector_store_idx %arg6[%broadcast_in_dim3A_151, %get3A_155], %broadcast_in_dim3A_5 : memref<16x2048xf32, #tpu.memory_space<vmem>>[vector<16xi32>, vector<16xi32>], vector<16xf32>,
    %broadcast_in_dim3A_156 = arith.constant 8 : i32
    %broadcast_in_dim3A_157 = vector.broadcast %broadcast_in_dim3A_156 : i32 to vector<16xi32>
    %get3A_158 = arith.constant 24 : i32
    %get3A_159 = arith.index_cast %get3A_158 : i32 to index
    %get3A_160 = arith.constant 0 : index
    %get3A_161 = tpu.vector_load %arg8[%get3A_159, %get3A_160] {strides = array<i32>} : memref<128x16xi32, #tpu.memory_space<vmem>>, vector<16xi32>,
    tpu.vector_store_idx %arg6[%broadcast_in_dim3A_157, %get3A_161], %broadcast_in_dim3A_5 : memref<16x2048xf32, #tpu.memory_space<vmem>>[vector<16xi32>, vector<16xi32>], vector<16xf32>,
    %broadcast_in_dim3A_162 = arith.constant 9 : i32
    %broadcast_in_dim3A_163 = vector.broadcast %broadcast_in_dim3A_162 : i32 to vector<16xi32>
    %get3A_164 = arith.constant 25 : i32
    %get3A_165 = arith.index_cast %get3A_164 : i32 to index
    %get3A_166 = arith.constant 0 : index
    %get3A_167 = tpu.vector_load %arg8[%get3A_165, %get3A_166] {strides = array<i32>} : memref<128x16xi32, #tpu.memory_space<vmem>>, vector<16xi32>,
    tpu.vector_store_idx %arg6[%broadcast_in_dim3A_163, %get3A_167], %broadcast_in_dim3A_5 : memref<16x2048xf32, #tpu.memory_space<vmem>>[vector<16xi32>, vector<16xi32>], vector<16xf32>,
    %broadcast_in_dim3A_168 = arith.constant 10 : i32
    %broadcast_in_dim3A_169 = vector.broadcast %broadcast_in_dim3A_168 : i32 to vector<16xi32>
    %get3A_170 = arith.constant 26 : i32
    %get3A_171 = arith.index_cast %get3A_170 : i32 to index
    %get3A_172 = arith.constant 0 : index
    %get3A_173 = tpu.vector_load %arg8[%get3A_171, %get3A_172] {strides = array<i32>} : memref<128x16xi32, #tpu.memory_space<vmem>>, vector<16xi32>,
    tpu.vector_store_idx %arg6[%broadcast_in_dim3A_169, %get3A_173], %broadcast_in_dim3A_5 : memref<16x2048xf32, #tpu.memory_space<vmem>>[vector<16xi32>, vector<16xi32>], vector<16xf32>,
    %broadcast_in_dim3A_174 = arith.constant 11 : i32
    %broadcast_in_dim3A_175 = vector.broadcast %broadcast_in_dim3A_174 : i32 to vector<16xi32>
    %get3A_176 = arith.constant 27 : i32
    %get3A_177 = arith.index_cast %get3A_176 : i32 to index
    %get3A_178 = arith.constant 0 : index
    %get3A_179 = tpu.vector_load %arg8[%get3A_177, %get3A_178] {strides = array<i32>} : memref<128x16xi32, #tpu.memory_space<vmem>>, vector<16xi32>,
    tpu.vector_store_idx %arg6[%broadcast_in_dim3A_175, %get3A_179], %broadcast_in_dim3A_5 : memref<16x2048xf32, #tpu.memory_space<vmem>>[vector<16xi32>, vector<16xi32>], vector<16xf32>,
    %broadcast_in_dim3A_180 = arith.constant 12 : i32
    %broadcast_in_dim3A_181 = vector.broadcast %broadcast_in_dim3A_180 : i32 to vector<16xi32>
    %get3A_182 = arith.constant 28 : i32
    %get3A_183 = arith.index_cast %get3A_182 : i32 to index
    %get3A_184 = arith.constant 0 : index
    %get3A_185 = tpu.vector_load %arg8[%get3A_183, %get3A_184] {strides = array<i32>} : memref<128x16xi32, #tpu.memory_space<vmem>>, vector<16xi32>,
    tpu.vector_store_idx %arg6[%broadcast_in_dim3A_181, %get3A_185], %broadcast_in_dim3A_5 : memref<16x2048xf32, #tpu.memory_space<vmem>>[vector<16xi32>, vector<16xi32>], vector<16xf32>,
    %broadcast_in_dim3A_186 = arith.constant 13 : i32
    %broadcast_in_dim3A_187 = vector.broadcast %broadcast_in_dim3A_186 : i32 to vector<16xi32>
    %get3A_188 = arith.constant 29 : i32
    %get3A_189 = arith.index_cast %get3A_188 : i32 to index
    %get3A_190 = arith.constant 0 : index
    %get3A_191 = tpu.vector_load %arg8[%get3A_189, %get3A_190] {strides = array<i32>} : memref<128x16xi32, #tpu.memory_space<vmem>>, vector<16xi32>,
    tpu.vector_store_idx %arg6[%broadcast_in_dim3A_187, %get3A_191], %broadcast_in_dim3A_5 : memref<16x2048xf32, #tpu.memory_space<vmem>>[vector<16xi32>, vector<16xi32>], vector<16xf32>,
    %broadcast_in_dim3A_192 = arith.constant 14 : i32
    %broadcast_in_dim3A_193 = vector.broadcast %broadcast_in_dim3A_192 : i32 to vector<16xi32>
    %get3A_194 = arith.constant 30 : i32
    %get3A_195 = arith.index_cast %get3A_194 : i32 to index
    %get3A_196 = arith.constant 0 : index
    %get3A_197 = tpu.vector_load %arg8[%get3A_195, %get3A_196] {strides = array<i32>} : memref<128x16xi32, #tpu.memory_space<vmem>>, vector<16xi32>,
    tpu.vector_store_idx %arg6[%broadcast_in_dim3A_193, %get3A_197], %broadcast_in_dim3A_5 : memref<16x2048xf32, #tpu.memory_space<vmem>>[vector<16xi32>, vector<16xi32>], vector<16xf32>,
    %broadcast_in_dim3A_198 = arith.constant 15 : i32
    %broadcast_in_dim3A_199 = vector.broadcast %broadcast_in_dim3A_198 : i32 to vector<16xi32>
    %get3A_200 = arith.constant 31 : i32
    %get3A_201 = arith.index_cast %get3A_200 : i32 to index
    %get3A_202 = arith.constant 0 : index
    %get3A_203 = tpu.vector_load %arg8[%get3A_201, %get3A_202] {strides = array<i32>} : memref<128x16xi32, #tpu.memory_space<vmem>>, vector<16xi32>,
    tpu.vector_store_idx %arg6[%broadcast_in_dim3A_199, %get3A_203], %broadcast_in_dim3A_5 : memref<16x2048xf32, #tpu.memory_space<vmem>>[vector<16xi32>, vector<16xi32>], vector<16xf32>,
    %dma_start3A_204 = arith.constant 0 : i32
    %dma_start3A_205 = tpu.memref_slice %arg4[%add3A_107, %dma_start3A_204] : memref<4096x2048xf32, #tpu.memory_space<hbm>> -> memref<16x2048xf32, #tpu.memory_space<hbm>>
    %dma_start3A_206 = arith.constant 0 : i32
    %dma_start3A_207 = tpu.memref_slice %arg4[%add3A_107, %dma_start3A_206] : memref<4096x2048xf32, #tpu.memory_space<hbm>> -> memref<16x2048xf32, #tpu.memory_space<hbm>>
    tpu.enqueue_dma source(%arg6 : memref<16x2048xf32, #tpu.memory_space<vmem>>) target(%dma_start3A_207 : memref<16x2048xf32, #tpu.memory_space<hbm>>) target_semaphore(%arg10 : memref<!tpu.dma_semaphore, #tpu.memory_space<semaphore_mem>>)
    %add3A_208 = arith.constant 32 : i32
    %add3A_209 = arith.addi %mul3A_2, %add3A_208 : i32
    %broadcast_in_dim3A_210 = arith.constant 0 : i32
    %broadcast_in_dim3A_211 = vector.broadcast %broadcast_in_dim3A_210 : i32 to vector<16xi32>
    %get3A_212 = arith.constant 32 : i32
    %get3A_213 = arith.index_cast %get3A_212 : i32 to index
    %get3A_214 = arith.constant 0 : index
    %get3A_215 = tpu.vector_load %arg8[%get3A_213, %get3A_214] {strides = array<i32>} : memref<128x16xi32, #tpu.memory_space<vmem>>, vector<16xi32>,
    tpu.vector_store_idx %arg7[%broadcast_in_dim3A_211, %get3A_215], %broadcast_in_dim3A_5 : memref<16x2048xf32, #tpu.memory_space<vmem>>[vector<16xi32>, vector<16xi32>], vector<16xf32>,
    %broadcast_in_dim3A_216 = arith.constant 1 : i32
    %broadcast_in_dim3A_217 = vector.broadcast %broadcast_in_dim3A_216 : i32 to vector<16xi32>
    %get3A_218 = arith.constant 33 : i32
    %get3A_219 = arith.index_cast %get3A_218 : i32 to index
    %get3A_220 = arith.constant 0 : index
    %get3A_221 = tpu.vector_load %arg8[%get3A_219, %get3A_220] {strides = array<i32>} : memref<128x16xi32, #tpu.memory_space<vmem>>, vector<16xi32>,
    tpu.vector_store_idx %arg7[%broadcast_in_dim3A_217, %get3A_221], %broadcast_in_dim3A_5 : memref<16x2048xf32, #tpu.memory_space<vmem>>[vector<16xi32>, vector<16xi32>], vector<16xf32>,
    %broadcast_in_dim3A_222 = arith.constant 2 : i32
    %broadcast_in_dim3A_223 = vector.broadcast %broadcast_in_dim3A_222 : i32 to vector<16xi32>
    %get3A_224 = arith.constant 34 : i32
    %get3A_225 = arith.index_cast %get3A_224 : i32 to index
    %get3A_226 = arith.constant 0 : index
    %get3A_227 = tpu.vector_load %arg8[%get3A_225, %get3A_226] {strides = array<i32>} : memref<128x16xi32, #tpu.memory_space<vmem>>, vector<16xi32>,
    tpu.vector_store_idx %arg7[%broadcast_in_dim3A_223, %get3A_227], %broadcast_in_dim3A_5 : memref<16x2048xf32, #tpu.memory_space<vmem>>[vector<16xi32>, vector<16xi32>], vector<16xf32>,
    %broadcast_in_dim3A_228 = arith.constant 3 : i32
    %broadcast_in_dim3A_229 = vector.broadcast %broadcast_in_dim3A_228 : i32 to vector<16xi32>
    %get3A_230 = arith.constant 35 : i32
    %get3A_231 = arith.index_cast %get3A_230 : i32 to index
    %get3A_232 = arith.constant 0 : index
    %get3A_233 = tpu.vector_load %arg8[%get3A_231, %get3A_232] {strides = array<i32>} : memref<128x16xi32, #tpu.memory_space<vmem>>, vector<16xi32>,
    tpu.vector_store_idx %arg7[%broadcast_in_dim3A_229, %get3A_233], %broadcast_in_dim3A_5 : memref<16x2048xf32, #tpu.memory_space<vmem>>[vector<16xi32>, vector<16xi32>], vector<16xf32>,
    %broadcast_in_dim3A_234 = arith.constant 4 : i32
    %broadcast_in_dim3A_235 = vector.broadcast %broadcast_in_dim3A_234 : i32 to vector<16xi32>
    %get3A_236 = arith.constant 36 : i32
    %get3A_237 = arith.index_cast %get3A_236 : i32 to index
    %get3A_238 = arith.constant 0 : index
    %get3A_239 = tpu.vector_load %arg8[%get3A_237, %get3A_238] {strides = array<i32>} : memref<128x16xi32, #tpu.memory_space<vmem>>, vector<16xi32>,
    tpu.vector_store_idx %arg7[%broadcast_in_dim3A_235, %get3A_239], %broadcast_in_dim3A_5 : memref<16x2048xf32, #tpu.memory_space<vmem>>[vector<16xi32>, vector<16xi32>], vector<16xf32>,
    %broadcast_in_dim3A_240 = arith.constant 5 : i32
    %broadcast_in_dim3A_241 = vector.broadcast %broadcast_in_dim3A_240 : i32 to vector<16xi32>
    %get3A_242 = arith.constant 37 : i32
    %get3A_243 = arith.index_cast %get3A_242 : i32 to index
    %get3A_244 = arith.constant 0 : index
    %get3A_245 = tpu.vector_load %arg8[%get3A_243, %get3A_244] {strides = array<i32>} : memref<128x16xi32, #tpu.memory_space<vmem>>, vector<16xi32>,
    tpu.vector_store_idx %arg7[%broadcast_in_dim3A_241, %get3A_245], %broadcast_in_dim3A_5 : memref<16x2048xf32, #tpu.memory_space<vmem>>[vector<16xi32>, vector<16xi32>], vector<16xf32>,
    %broadcast_in_dim3A_246 = arith.constant 6 : i32
    %broadcast_in_dim3A_247 = vector.broadcast %broadcast_in_dim3A_246 : i32 to vector<16xi32>
    %get3A_248 = arith.constant 38 : i32
    %get3A_249 = arith.index_cast %get3A_248 : i32 to index
    %get3A_250 = arith.constant 0 : index
    %get3A_251 = tpu.vector_load %arg8[%get3A_249, %get3A_250] {strides = array<i32>} : memref<128x16xi32, #tpu.memory_space<vmem>>, vector<16xi32>,
    tpu.vector_store_idx %arg7[%broadcast_in_dim3A_247, %get3A_251], %broadcast_in_dim3A_5 : memref<16x2048xf32, #tpu.memory_space<vmem>>[vector<16xi32>, vector<16xi32>], vector<16xf32>,
    %broadcast_in_dim3A_252 = arith.constant 7 : i32
    %broadcast_in_dim3A_253 = vector.broadcast %broadcast_in_dim3A_252 : i32 to vector<16xi32>
    %get3A_254 = arith.constant 39 : i32
    %get3A_255 = arith.index_cast %get3A_254 : i32 to index
    %get3A_256 = arith.constant 0 : index
    %get3A_257 = tpu.vector_load %arg8[%get3A_255, %get3A_256] {strides = array<i32>} : memref<128x16xi32, #tpu.memory_space<vmem>>, vector<16xi32>,
    tpu.vector_store_idx %arg7[%broadcast_in_dim3A_253, %get3A_257], %broadcast_in_dim3A_5 : memref<16x2048xf32, #tpu.memory_space<vmem>>[vector<16xi32>, vector<16xi32>], vector<16xf32>,
    %broadcast_in_dim3A_258 = arith.constant 8 : i32
    %broadcast_in_dim3A_259 = vector.broadcast %broadcast_in_dim3A_258 : i32 to vector<16xi32>
    %get3A_260 = arith.constant 40 : i32
    %get3A_261 = arith.index_cast %get3A_260 : i32 to index
    %get3A_262 = arith.constant 0 : index
    %get3A_263 = tpu.vector_load %arg8[%get3A_261, %get3A_262] {strides = array<i32>} : memref<128x16xi32, #tpu.memory_space<vmem>>, vector<16xi32>,
    tpu.vector_store_idx %arg7[%broadcast_in_dim3A_259, %get3A_263], %broadcast_in_dim3A_5 : memref<16x2048xf32, #tpu.memory_space<vmem>>[vector<16xi32>, vector<16xi32>], vector<16xf32>,
    %broadcast_in_dim3A_264 = arith.constant 9 : i32
    %broadcast_in_dim3A_265 = vector.broadcast %broadcast_in_dim3A_264 : i32 to vector<16xi32>
    %get3A_266 = arith.constant 41 : i32
    %get3A_267 = arith.index_cast %get3A_266 : i32 to index
    %get3A_268 = arith.constant 0 : index
    %get3A_269 = tpu.vector_load %arg8[%get3A_267, %get3A_268] {strides = array<i32>} : memref<128x16xi32, #tpu.memory_space<vmem>>, vector<16xi32>,
    tpu.vector_store_idx %arg7[%broadcast_in_dim3A_265, %get3A_269], %broadcast_in_dim3A_5 : memref<16x2048xf32, #tpu.memory_space<vmem>>[vector<16xi32>, vector<16xi32>], vector<16xf32>,
    %broadcast_in_dim3A_270 = arith.constant 10 : i32
    %broadcast_in_dim3A_271 = vector.broadcast %broadcast_in_dim3A_270 : i32 to vector<16xi32>
    %get3A_272 = arith.constant 42 : i32
    %get3A_273 = arith.index_cast %get3A_272 : i32 to index
    %get3A_274 = arith.constant 0 : index
    %get3A_275 = tpu.vector_load %arg8[%get3A_273, %get3A_274] {strides = array<i32>} : memref<128x16xi32, #tpu.memory_space<vmem>>, vector<16xi32>,
    tpu.vector_store_idx %arg7[%broadcast_in_dim3A_271, %get3A_275], %broadcast_in_dim3A_5 : memref<16x2048xf32, #tpu.memory_space<vmem>>[vector<16xi32>, vector<16xi32>], vector<16xf32>,
    %broadcast_in_dim3A_276 = arith.constant 11 : i32
    %broadcast_in_dim3A_277 = vector.broadcast %broadcast_in_dim3A_276 : i32 to vector<16xi32>
    %get3A_278 = arith.constant 43 : i32
    %get3A_279 = arith.index_cast %get3A_278 : i32 to index
    %get3A_280 = arith.constant 0 : index
    %get3A_281 = tpu.vector_load %arg8[%get3A_279, %get3A_280] {strides = array<i32>} : memref<128x16xi32, #tpu.memory_space<vmem>>, vector<16xi32>,
    tpu.vector_store_idx %arg7[%broadcast_in_dim3A_277, %get3A_281], %broadcast_in_dim3A_5 : memref<16x2048xf32, #tpu.memory_space<vmem>>[vector<16xi32>, vector<16xi32>], vector<16xf32>,
    %broadcast_in_dim3A_282 = arith.constant 12 : i32
    %broadcast_in_dim3A_283 = vector.broadcast %broadcast_in_dim3A_282 : i32 to vector<16xi32>
    %get3A_284 = arith.constant 44 : i32
    %get3A_285 = arith.index_cast %get3A_284 : i32 to index
    %get3A_286 = arith.constant 0 : index
    %get3A_287 = tpu.vector_load %arg8[%get3A_285, %get3A_286] {strides = array<i32>} : memref<128x16xi32, #tpu.memory_space<vmem>>, vector<16xi32>,
    tpu.vector_store_idx %arg7[%broadcast_in_dim3A_283, %get3A_287], %broadcast_in_dim3A_5 : memref<16x2048xf32, #tpu.memory_space<vmem>>[vector<16xi32>, vector<16xi32>], vector<16xf32>,
    %broadcast_in_dim3A_288 = arith.constant 13 : i32
    %broadcast_in_dim3A_289 = vector.broadcast %broadcast_in_dim3A_288 : i32 to vector<16xi32>
    %get3A_290 = arith.constant 45 : i32
    %get3A_291 = arith.index_cast %get3A_290 : i32 to index
    %get3A_292 = arith.constant 0 : index
    %get3A_293 = tpu.vector_load %arg8[%get3A_291, %get3A_292] {strides = array<i32>} : memref<128x16xi32, #tpu.memory_space<vmem>>, vector<16xi32>,
    tpu.vector_store_idx %arg7[%broadcast_in_dim3A_289, %get3A_293], %broadcast_in_dim3A_5 : memref<16x2048xf32, #tpu.memory_space<vmem>>[vector<16xi32>, vector<16xi32>], vector<16xf32>,
    %broadcast_in_dim3A_294 = arith.constant 14 : i32
    %broadcast_in_dim3A_295 = vector.broadcast %broadcast_in_dim3A_294 : i32 to vector<16xi32>
    %get3A_296 = arith.constant 46 : i32
    %get3A_297 = arith.index_cast %get3A_296 : i32 to index
    %get3A_298 = arith.constant 0 : index
    %get3A_299 = tpu.vector_load %arg8[%get3A_297, %get3A_298] {strides = array<i32>} : memref<128x16xi32, #tpu.memory_space<vmem>>, vector<16xi32>,
    tpu.vector_store_idx %arg7[%broadcast_in_dim3A_295, %get3A_299], %broadcast_in_dim3A_5 : memref<16x2048xf32, #tpu.memory_space<vmem>>[vector<16xi32>, vector<16xi32>], vector<16xf32>,
    %broadcast_in_dim3A_300 = arith.constant 15 : i32
    %broadcast_in_dim3A_301 = vector.broadcast %broadcast_in_dim3A_300 : i32 to vector<16xi32>
    %get3A_302 = arith.constant 47 : i32
    %get3A_303 = arith.index_cast %get3A_302 : i32 to index
    %get3A_304 = arith.constant 0 : index
    %get3A_305 = tpu.vector_load %arg8[%get3A_303, %get3A_304] {strides = array<i32>} : memref<128x16xi32, #tpu.memory_space<vmem>>, vector<16xi32>,
    tpu.vector_store_idx %arg7[%broadcast_in_dim3A_301, %get3A_305], %broadcast_in_dim3A_5 : memref<16x2048xf32, #tpu.memory_space<vmem>>[vector<16xi32>, vector<16xi32>], vector<16xf32>,
    %dma_start3A_306 = arith.constant 0 : i32
    %dma_start3A_307 = tpu.memref_slice %arg4[%add3A_209, %dma_start3A_306] : memref<4096x2048xf32, #tpu.memory_space<hbm>> -> memref<16x2048xf32, #tpu.memory_space<hbm>>
    %dma_start3A_308 = arith.constant 0 : i32
    %dma_start3A_309 = tpu.memref_slice %arg4[%add3A_209, %dma_start3A_308] : memref<4096x2048xf32, #tpu.memory_space<hbm>> -> memref<16x2048xf32, #tpu.memory_space<hbm>>
    tpu.enqueue_dma source(%arg7 : memref<16x2048xf32, #tpu.memory_space<vmem>>) target(%dma_start3A_309 : memref<16x2048xf32, #tpu.memory_space<hbm>>) target_semaphore(%arg11 : memref<!tpu.dma_semaphore, #tpu.memory_space<semaphore_mem>>)
    %add3A_310 = arith.constant 48 : i32
    %add3A_311 = arith.addi %mul3A_2, %add3A_310 : i32
    %dma_wait3A = arith.constant 0 : i32
    %dma_wait3A_312 = tpu.memref_slice %arg4[%add3A_7, %dma_wait3A] : memref<4096x2048xf32, #tpu.memory_space<hbm>> -> memref<16x2048xf32, #tpu.memory_space<hbm>>
    %dma_wait3A_313 = arith.constant 0 : i32
    %dma_wait3A_314 = tpu.memref_slice %arg4[%add3A_7, %dma_wait3A_313] : memref<4096x2048xf32, #tpu.memory_space<hbm>> -> memref<16x2048xf32, #tpu.memory_space<hbm>>
    tpu.wait_dma2 semaphore(%arg9 : memref<!tpu.dma_semaphore, #tpu.memory_space<semaphore_mem>>) src(%arg5 : memref<16x2048xf32, #tpu.memory_space<vmem>>) dst(%dma_wait3A_314 : memref<16x2048xf32, #tpu.memory_space<hbm>>)
    %broadcast_in_dim3A_315 = arith.constant 0 : i32
    %broadcast_in_dim3A_316 = vector.broadcast %broadcast_in_dim3A_315 : i32 to vector<16xi32>
    %get3A_317 = arith.constant 0 : i32
    %get3A_318 = arith.index_cast %get3A_317 : i32 to index
    %get3A_319 = arith.constant 0 : index
    %get3A_320 = tpu.vector_load %arg8[%get3A_318, %get3A_319] {strides = array<i32>} : memref<128x16xi32, #tpu.memory_space<vmem>>, vector<16xi32>,
    tpu.vector_store_idx %arg5[%broadcast_in_dim3A_316, %get3A_320], %broadcast_in_dim3A_3 : memref<16x2048xf32, #tpu.memory_space<vmem>>[vector<16xi32>, vector<16xi32>], vector<16xf32>,
    %broadcast_in_dim3A_321 = arith.constant 1 : i32
    %broadcast_in_dim3A_322 = vector.broadcast %broadcast_in_dim3A_321 : i32 to vector<16xi32>
    %get3A_323 = arith.constant 1 : i32
    %get3A_324 = arith.index_cast %get3A_323 : i32 to index
    %get3A_325 = arith.constant 0 : index
    %get3A_326 = tpu.vector_load %arg8[%get3A_324, %get3A_325] {strides = array<i32>} : memref<128x16xi32, #tpu.memory_space<vmem>>, vector<16xi32>,
    tpu.vector_store_idx %arg5[%broadcast_in_dim3A_322, %get3A_326], %broadcast_in_dim3A_3 : memref<16x2048xf32, #tpu.memory_space<vmem>>[vector<16xi32>, vector<16xi32>], vector<16xf32>,
    %broadcast_in_dim3A_327 = arith.constant 2 : i32
    %broadcast_in_dim3A_328 = vector.broadcast %broadcast_in_dim3A_327 : i32 to vector<16xi32>
    %get3A_329 = arith.constant 2 : i32
    %get3A_330 = arith.index_cast %get3A_329 : i32 to index
    %get3A_331 = arith.constant 0 : index
    %get3A_332 = tpu.vector_load %arg8[%get3A_330, %get3A_331] {strides = array<i32>} : memref<128x16xi32, #tpu.memory_space<vmem>>, vector<16xi32>,
    tpu.vector_store_idx %arg5[%broadcast_in_dim3A_328, %get3A_332], %broadcast_in_dim3A_3 : memref<16x2048xf32, #tpu.memory_space<vmem>>[vector<16xi32>, vector<16xi32>], vector<16xf32>,
    %broadcast_in_dim3A_333 = arith.constant 3 : i32
    %broadcast_in_dim3A_334 = vector.broadcast %broadcast_in_dim3A_333 : i32 to vector<16xi32>
    %get3A_335 = arith.constant 3 : i32
    %get3A_336 = arith.index_cast %get3A_335 : i32 to index
    %get3A_337 = arith.constant 0 : index
    %get3A_338 = tpu.vector_load %arg8[%get3A_336, %get3A_337] {strides = array<i32>} : memref<128x16xi32, #tpu.memory_space<vmem>>, vector<16xi32>,
    tpu.vector_store_idx %arg5[%broadcast_in_dim3A_334, %get3A_338], %broadcast_in_dim3A_3 : memref<16x2048xf32, #tpu.memory_space<vmem>>[vector<16xi32>, vector<16xi32>], vector<16xf32>,
    %broadcast_in_dim3A_339 = arith.constant 4 : i32
    %broadcast_in_dim3A_340 = vector.broadcast %broadcast_in_dim3A_339 : i32 to vector<16xi32>
    %get3A_341 = arith.constant 4 : i32
    %get3A_342 = arith.index_cast %get3A_341 : i32 to index
    %get3A_343 = arith.constant 0 : index
    %get3A_344 = tpu.vector_load %arg8[%get3A_342, %get3A_343] {strides = array<i32>} : memref<128x16xi32, #tpu.memory_space<vmem>>, vector<16xi32>,
    tpu.vector_store_idx %arg5[%broadcast_in_dim3A_340, %get3A_344], %broadcast_in_dim3A_3 : memref<16x2048xf32, #tpu.memory_space<vmem>>[vector<16xi32>, vector<16xi32>], vector<16xf32>,
    %broadcast_in_dim3A_345 = arith.constant 5 : i32
    %broadcast_in_dim3A_346 = vector.broadcast %broadcast_in_dim3A_345 : i32 to vector<16xi32>
    %get3A_347 = arith.constant 5 : i32
    %get3A_348 = arith.index_cast %get3A_347 : i32 to index
    %get3A_349 = arith.constant 0 : index
    %get3A_350 = tpu.vector_load %arg8[%get3A_348, %get3A_349] {strides = array<i32>} : memref<128x16xi32, #tpu.memory_space<vmem>>, vector<16xi32>,
    tpu.vector_store_idx %arg5[%broadcast_in_dim3A_346, %get3A_350], %broadcast_in_dim3A_3 : memref<16x2048xf32, #tpu.memory_space<vmem>>[vector<16xi32>, vector<16xi32>], vector<16xf32>,
    %broadcast_in_dim3A_351 = arith.constant 6 : i32
    %broadcast_in_dim3A_352 = vector.broadcast %broadcast_in_dim3A_351 : i32 to vector<16xi32>
    %get3A_353 = arith.constant 6 : i32
    %get3A_354 = arith.index_cast %get3A_353 : i32 to index
    %get3A_355 = arith.constant 0 : index
    %get3A_356 = tpu.vector_load %arg8[%get3A_354, %get3A_355] {strides = array<i32>} : memref<128x16xi32, #tpu.memory_space<vmem>>, vector<16xi32>,
    tpu.vector_store_idx %arg5[%broadcast_in_dim3A_352, %get3A_356], %broadcast_in_dim3A_3 : memref<16x2048xf32, #tpu.memory_space<vmem>>[vector<16xi32>, vector<16xi32>], vector<16xf32>,
    %broadcast_in_dim3A_357 = arith.constant 7 : i32
    %broadcast_in_dim3A_358 = vector.broadcast %broadcast_in_dim3A_357 : i32 to vector<16xi32>
    %get3A_359 = arith.constant 7 : i32
    %get3A_360 = arith.index_cast %get3A_359 : i32 to index
    %get3A_361 = arith.constant 0 : index
    %get3A_362 = tpu.vector_load %arg8[%get3A_360, %get3A_361] {strides = array<i32>} : memref<128x16xi32, #tpu.memory_space<vmem>>, vector<16xi32>,
    tpu.vector_store_idx %arg5[%broadcast_in_dim3A_358, %get3A_362], %broadcast_in_dim3A_3 : memref<16x2048xf32, #tpu.memory_space<vmem>>[vector<16xi32>, vector<16xi32>], vector<16xf32>,
    %broadcast_in_dim3A_363 = arith.constant 8 : i32
    %broadcast_in_dim3A_364 = vector.broadcast %broadcast_in_dim3A_363 : i32 to vector<16xi32>
    %get3A_365 = arith.constant 8 : i32
    %get3A_366 = arith.index_cast %get3A_365 : i32 to index
    %get3A_367 = arith.constant 0 : index
    %get3A_368 = tpu.vector_load %arg8[%get3A_366, %get3A_367] {strides = array<i32>} : memref<128x16xi32, #tpu.memory_space<vmem>>, vector<16xi32>,
    tpu.vector_store_idx %arg5[%broadcast_in_dim3A_364, %get3A_368], %broadcast_in_dim3A_3 : memref<16x2048xf32, #tpu.memory_space<vmem>>[vector<16xi32>, vector<16xi32>], vector<16xf32>,
    %broadcast_in_dim3A_369 = arith.constant 9 : i32
    %broadcast_in_dim3A_370 = vector.broadcast %broadcast_in_dim3A_369 : i32 to vector<16xi32>
    %get3A_371 = arith.constant 9 : i32
    %get3A_372 = arith.index_cast %get3A_371 : i32 to index
    %get3A_373 = arith.constant 0 : index
    %get3A_374 = tpu.vector_load %arg8[%get3A_372, %get3A_373] {strides = array<i32>} : memref<128x16xi32, #tpu.memory_space<vmem>>, vector<16xi32>,
    tpu.vector_store_idx %arg5[%broadcast_in_dim3A_370, %get3A_374], %broadcast_in_dim3A_3 : memref<16x2048xf32, #tpu.memory_space<vmem>>[vector<16xi32>, vector<16xi32>], vector<16xf32>,
    %broadcast_in_dim3A_375 = arith.constant 10 : i32
    %broadcast_in_dim3A_376 = vector.broadcast %broadcast_in_dim3A_375 : i32 to vector<16xi32>
    %get3A_377 = arith.constant 10 : i32
    %get3A_378 = arith.index_cast %get3A_377 : i32 to index
    %get3A_379 = arith.constant 0 : index
    %get3A_380 = tpu.vector_load %arg8[%get3A_378, %get3A_379] {strides = array<i32>} : memref<128x16xi32, #tpu.memory_space<vmem>>, vector<16xi32>,
    tpu.vector_store_idx %arg5[%broadcast_in_dim3A_376, %get3A_380], %broadcast_in_dim3A_3 : memref<16x2048xf32, #tpu.memory_space<vmem>>[vector<16xi32>, vector<16xi32>], vector<16xf32>,
    %broadcast_in_dim3A_381 = arith.constant 11 : i32
    %broadcast_in_dim3A_382 = vector.broadcast %broadcast_in_dim3A_381 : i32 to vector<16xi32>
    %get3A_383 = arith.constant 11 : i32
    %get3A_384 = arith.index_cast %get3A_383 : i32 to index
    %get3A_385 = arith.constant 0 : index
    %get3A_386 = tpu.vector_load %arg8[%get3A_384, %get3A_385] {strides = array<i32>} : memref<128x16xi32, #tpu.memory_space<vmem>>, vector<16xi32>,
    tpu.vector_store_idx %arg5[%broadcast_in_dim3A_382, %get3A_386], %broadcast_in_dim3A_3 : memref<16x2048xf32, #tpu.memory_space<vmem>>[vector<16xi32>, vector<16xi32>], vector<16xf32>,
    %broadcast_in_dim3A_387 = arith.constant 12 : i32
    %broadcast_in_dim3A_388 = vector.broadcast %broadcast_in_dim3A_387 : i32 to vector<16xi32>
    %get3A_389 = arith.constant 12 : i32
    %get3A_390 = arith.index_cast %get3A_389 : i32 to index
    %get3A_391 = arith.constant 0 : index
    %get3A_392 = tpu.vector_load %arg8[%get3A_390, %get3A_391] {strides = array<i32>} : memref<128x16xi32, #tpu.memory_space<vmem>>, vector<16xi32>,
    tpu.vector_store_idx %arg5[%broadcast_in_dim3A_388, %get3A_392], %broadcast_in_dim3A_3 : memref<16x2048xf32, #tpu.memory_space<vmem>>[vector<16xi32>, vector<16xi32>], vector<16xf32>,
    %broadcast_in_dim3A_393 = arith.constant 13 : i32
    %broadcast_in_dim3A_394 = vector.broadcast %broadcast_in_dim3A_393 : i32 to vector<16xi32>
    %get3A_395 = arith.constant 13 : i32
    %get3A_396 = arith.index_cast %get3A_395 : i32 to index
    %get3A_397 = arith.constant 0 : index
    %get3A_398 = tpu.vector_load %arg8[%get3A_396, %get3A_397] {strides = array<i32>} : memref<128x16xi32, #tpu.memory_space<vmem>>, vector<16xi32>,
    tpu.vector_store_idx %arg5[%broadcast_in_dim3A_394, %get3A_398], %broadcast_in_dim3A_3 : memref<16x2048xf32, #tpu.memory_space<vmem>>[vector<16xi32>, vector<16xi32>], vector<16xf32>,
    %broadcast_in_dim3A_399 = arith.constant 14 : i32
    %broadcast_in_dim3A_400 = vector.broadcast %broadcast_in_dim3A_399 : i32 to vector<16xi32>
    %get3A_401 = arith.constant 14 : i32
    %get3A_402 = arith.index_cast %get3A_401 : i32 to index
    %get3A_403 = arith.constant 0 : index
    %get3A_404 = tpu.vector_load %arg8[%get3A_402, %get3A_403] {strides = array<i32>} : memref<128x16xi32, #tpu.memory_space<vmem>>, vector<16xi32>,
    tpu.vector_store_idx %arg5[%broadcast_in_dim3A_400, %get3A_404], %broadcast_in_dim3A_3 : memref<16x2048xf32, #tpu.memory_space<vmem>>[vector<16xi32>, vector<16xi32>], vector<16xf32>,
    %broadcast_in_dim3A_405 = arith.constant 15 : i32
    %broadcast_in_dim3A_406 = vector.broadcast %broadcast_in_dim3A_405 : i32 to vector<16xi32>
    %get3A_407 = arith.constant 15 : i32
    %get3A_408 = arith.index_cast %get3A_407 : i32 to index
    %get3A_409 = arith.constant 0 : index
    %get3A_410 = tpu.vector_load %arg8[%get3A_408, %get3A_409] {strides = array<i32>} : memref<128x16xi32, #tpu.memory_space<vmem>>, vector<16xi32>,
    tpu.vector_store_idx %arg5[%broadcast_in_dim3A_406, %get3A_410], %broadcast_in_dim3A_3 : memref<16x2048xf32, #tpu.memory_space<vmem>>[vector<16xi32>, vector<16xi32>], vector<16xf32>,
    %broadcast_in_dim3A_411 = arith.constant 0 : i32
    %broadcast_in_dim3A_412 = vector.broadcast %broadcast_in_dim3A_411 : i32 to vector<16xi32>
    %get3A_413 = arith.constant 48 : i32
    %get3A_414 = arith.index_cast %get3A_413 : i32 to index
    %get3A_415 = arith.constant 0 : index
    %get3A_416 = tpu.vector_load %arg8[%get3A_414, %get3A_415] {strides = array<i32>} : memref<128x16xi32, #tpu.memory_space<vmem>>, vector<16xi32>,
    tpu.vector_store_idx %arg5[%broadcast_in_dim3A_412, %get3A_416], %broadcast_in_dim3A_5 : memref<16x2048xf32, #tpu.memory_space<vmem>>[vector<16xi32>, vector<16xi32>], vector<16xf32>,
    %broadcast_in_dim3A_417 = arith.constant 1 : i32
    %broadcast_in_dim3A_418 = vector.broadcast %broadcast_in_dim3A_417 : i32 to vector<16xi32>
    %get3A_419 = arith.constant 49 : i32
    %get3A_420 = arith.index_cast %get3A_419 : i32 to index
    %get3A_421 = arith.constant 0 : index
    %get3A_422 = tpu.vector_load %arg8[%get3A_420, %get3A_421] {strides = array<i32>} : memref<128x16xi32, #tpu.memory_space<vmem>>, vector<16xi32>,
    tpu.vector_store_idx %arg5[%broadcast_in_dim3A_418, %get3A_422], %broadcast_in_dim3A_5 : memref<16x2048xf32, #tpu.memory_space<vmem>>[vector<16xi32>, vector<16xi32>], vector<16xf32>,
    %broadcast_in_dim3A_423 = arith.constant 2 : i32
    %broadcast_in_dim3A_424 = vector.broadcast %broadcast_in_dim3A_423 : i32 to vector<16xi32>
    %get3A_425 = arith.constant 50 : i32
    %get3A_426 = arith.index_cast %get3A_425 : i32 to index
    %get3A_427 = arith.constant 0 : index
    %get3A_428 = tpu.vector_load %arg8[%get3A_426, %get3A_427] {strides = array<i32>} : memref<128x16xi32, #tpu.memory_space<vmem>>, vector<16xi32>,
    tpu.vector_store_idx %arg5[%broadcast_in_dim3A_424, %get3A_428], %broadcast_in_dim3A_5 : memref<16x2048xf32, #tpu.memory_space<vmem>>[vector<16xi32>, vector<16xi32>], vector<16xf32>,
    %broadcast_in_dim3A_429 = arith.constant 3 : i32
    %broadcast_in_dim3A_430 = vector.broadcast %broadcast_in_dim3A_429 : i32 to vector<16xi32>
    %get3A_431 = arith.constant 51 : i32
    %get3A_432 = arith.index_cast %get3A_431 : i32 to index
    %get3A_433 = arith.constant 0 : index
    %get3A_434 = tpu.vector_load %arg8[%get3A_432, %get3A_433] {strides = array<i32>} : memref<128x16xi32, #tpu.memory_space<vmem>>, vector<16xi32>,
    tpu.vector_store_idx %arg5[%broadcast_in_dim3A_430, %get3A_434], %broadcast_in_dim3A_5 : memref<16x2048xf32, #tpu.memory_space<vmem>>[vector<16xi32>, vector<16xi32>], vector<16xf32>,
    %broadcast_in_dim3A_435 = arith.constant 4 : i32
    %broadcast_in_dim3A_436 = vector.broadcast %broadcast_in_dim3A_435 : i32 to vector<16xi32>
    %get3A_437 = arith.constant 52 : i32
    %get3A_438 = arith.index_cast %get3A_437 : i32 to index
    %get3A_439 = arith.constant 0 : index
    %get3A_440 = tpu.vector_load %arg8[%get3A_438, %get3A_439] {strides = array<i32>} : memref<128x16xi32, #tpu.memory_space<vmem>>, vector<16xi32>,
    tpu.vector_store_idx %arg5[%broadcast_in_dim3A_436, %get3A_440], %broadcast_in_dim3A_5 : memref<16x2048xf32, #tpu.memory_space<vmem>>[vector<16xi32>, vector<16xi32>], vector<16xf32>,
    %broadcast_in_dim3A_441 = arith.constant 5 : i32
    %broadcast_in_dim3A_442 = vector.broadcast %broadcast_in_dim3A_441 : i32 to vector<16xi32>
    %get3A_443 = arith.constant 53 : i32
    %get3A_444 = arith.index_cast %get3A_443 : i32 to index
    %get3A_445 = arith.constant 0 : index
    %get3A_446 = tpu.vector_load %arg8[%get3A_444, %get3A_445] {strides = array<i32>} : memref<128x16xi32, #tpu.memory_space<vmem>>, vector<16xi32>,
    tpu.vector_store_idx %arg5[%broadcast_in_dim3A_442, %get3A_446], %broadcast_in_dim3A_5 : memref<16x2048xf32, #tpu.memory_space<vmem>>[vector<16xi32>, vector<16xi32>], vector<16xf32>,
    %broadcast_in_dim3A_447 = arith.constant 6 : i32
    %broadcast_in_dim3A_448 = vector.broadcast %broadcast_in_dim3A_447 : i32 to vector<16xi32>
    %get3A_449 = arith.constant 54 : i32
    %get3A_450 = arith.index_cast %get3A_449 : i32 to index
    %get3A_451 = arith.constant 0 : index
    %get3A_452 = tpu.vector_load %arg8[%get3A_450, %get3A_451] {strides = array<i32>} : memref<128x16xi32, #tpu.memory_space<vmem>>, vector<16xi32>,
    tpu.vector_store_idx %arg5[%broadcast_in_dim3A_448, %get3A_452], %broadcast_in_dim3A_5 : memref<16x2048xf32, #tpu.memory_space<vmem>>[vector<16xi32>, vector<16xi32>], vector<16xf32>,
    %broadcast_in_dim3A_453 = arith.constant 7 : i32
    %broadcast_in_dim3A_454 = vector.broadcast %broadcast_in_dim3A_453 : i32 to vector<16xi32>
    %get3A_455 = arith.constant 55 : i32
    %get3A_456 = arith.index_cast %get3A_455 : i32 to index
    %get3A_457 = arith.constant 0 : index
    %get3A_458 = tpu.vector_load %arg8[%get3A_456, %get3A_457] {strides = array<i32>} : memref<128x16xi32, #tpu.memory_space<vmem>>, vector<16xi32>,
    tpu.vector_store_idx %arg5[%broadcast_in_dim3A_454, %get3A_458], %broadcast_in_dim3A_5 : memref<16x2048xf32, #tpu.memory_space<vmem>>[vector<16xi32>, vector<16xi32>], vector<16xf32>,
    %broadcast_in_dim3A_459 = arith.constant 8 : i32
    %broadcast_in_dim3A_460 = vector.broadcast %broadcast_in_dim3A_459 : i32 to vector<16xi32>
    %get3A_461 = arith.constant 56 : i32
    %get3A_462 = arith.index_cast %get3A_461 : i32 to index
    %get3A_463 = arith.constant 0 : index
    %get3A_464 = tpu.vector_load %arg8[%get3A_462, %get3A_463] {strides = array<i32>} : memref<128x16xi32, #tpu.memory_space<vmem>>, vector<16xi32>,
    tpu.vector_store_idx %arg5[%broadcast_in_dim3A_460, %get3A_464], %broadcast_in_dim3A_5 : memref<16x2048xf32, #tpu.memory_space<vmem>>[vector<16xi32>, vector<16xi32>], vector<16xf32>,
    %broadcast_in_dim3A_465 = arith.constant 9 : i32
    %broadcast_in_dim3A_466 = vector.broadcast %broadcast_in_dim3A_465 : i32 to vector<16xi32>
    %get3A_467 = arith.constant 57 : i32
    %get3A_468 = arith.index_cast %get3A_467 : i32 to index
    %get3A_469 = arith.constant 0 : index
    %get3A_470 = tpu.vector_load %arg8[%get3A_468, %get3A_469] {strides = array<i32>} : memref<128x16xi32, #tpu.memory_space<vmem>>, vector<16xi32>,
    tpu.vector_store_idx %arg5[%broadcast_in_dim3A_466, %get3A_470], %broadcast_in_dim3A_5 : memref<16x2048xf32, #tpu.memory_space<vmem>>[vector<16xi32>, vector<16xi32>], vector<16xf32>,
    %broadcast_in_dim3A_471 = arith.constant 10 : i32
    %broadcast_in_dim3A_472 = vector.broadcast %broadcast_in_dim3A_471 : i32 to vector<16xi32>
    %get3A_473 = arith.constant 58 : i32
    %get3A_474 = arith.index_cast %get3A_473 : i32 to index
    %get3A_475 = arith.constant 0 : index
    %get3A_476 = tpu.vector_load %arg8[%get3A_474, %get3A_475] {strides = array<i32>} : memref<128x16xi32, #tpu.memory_space<vmem>>, vector<16xi32>,
    tpu.vector_store_idx %arg5[%broadcast_in_dim3A_472, %get3A_476], %broadcast_in_dim3A_5 : memref<16x2048xf32, #tpu.memory_space<vmem>>[vector<16xi32>, vector<16xi32>], vector<16xf32>,
    %broadcast_in_dim3A_477 = arith.constant 11 : i32
    %broadcast_in_dim3A_478 = vector.broadcast %broadcast_in_dim3A_477 : i32 to vector<16xi32>
    %get3A_479 = arith.constant 59 : i32
    %get3A_480 = arith.index_cast %get3A_479 : i32 to index
    %get3A_481 = arith.constant 0 : index
    %get3A_482 = tpu.vector_load %arg8[%get3A_480, %get3A_481] {strides = array<i32>} : memref<128x16xi32, #tpu.memory_space<vmem>>, vector<16xi32>,
    tpu.vector_store_idx %arg5[%broadcast_in_dim3A_478, %get3A_482], %broadcast_in_dim3A_5 : memref<16x2048xf32, #tpu.memory_space<vmem>>[vector<16xi32>, vector<16xi32>], vector<16xf32>,
    %broadcast_in_dim3A_483 = arith.constant 12 : i32
    %broadcast_in_dim3A_484 = vector.broadcast %broadcast_in_dim3A_483 : i32 to vector<16xi32>
    %get3A_485 = arith.constant 60 : i32
    %get3A_486 = arith.index_cast %get3A_485 : i32 to index
    %get3A_487 = arith.constant 0 : index
    %get3A_488 = tpu.vector_load %arg8[%get3A_486, %get3A_487] {strides = array<i32>} : memref<128x16xi32, #tpu.memory_space<vmem>>, vector<16xi32>,
    tpu.vector_store_idx %arg5[%broadcast_in_dim3A_484, %get3A_488], %broadcast_in_dim3A_5 : memref<16x2048xf32, #tpu.memory_space<vmem>>[vector<16xi32>, vector<16xi32>], vector<16xf32>,
    %broadcast_in_dim3A_489 = arith.constant 13 : i32
    %broadcast_in_dim3A_490 = vector.broadcast %broadcast_in_dim3A_489 : i32 to vector<16xi32>
    %get3A_491 = arith.constant 61 : i32
    %get3A_492 = arith.index_cast %get3A_491 : i32 to index
    %get3A_493 = arith.constant 0 : index
    %get3A_494 = tpu.vector_load %arg8[%get3A_492, %get3A_493] {strides = array<i32>} : memref<128x16xi32, #tpu.memory_space<vmem>>, vector<16xi32>,
    tpu.vector_store_idx %arg5[%broadcast_in_dim3A_490, %get3A_494], %broadcast_in_dim3A_5 : memref<16x2048xf32, #tpu.memory_space<vmem>>[vector<16xi32>, vector<16xi32>], vector<16xf32>,
    %broadcast_in_dim3A_495 = arith.constant 14 : i32
    %broadcast_in_dim3A_496 = vector.broadcast %broadcast_in_dim3A_495 : i32 to vector<16xi32>
    %get3A_497 = arith.constant 62 : i32
    %get3A_498 = arith.index_cast %get3A_497 : i32 to index
    %get3A_499 = arith.constant 0 : index
    %get3A_500 = tpu.vector_load %arg8[%get3A_498, %get3A_499] {strides = array<i32>} : memref<128x16xi32, #tpu.memory_space<vmem>>, vector<16xi32>,
    tpu.vector_store_idx %arg5[%broadcast_in_dim3A_496, %get3A_500], %broadcast_in_dim3A_5 : memref<16x2048xf32, #tpu.memory_space<vmem>>[vector<16xi32>, vector<16xi32>], vector<16xf32>,
    %broadcast_in_dim3A_501 = arith.constant 15 : i32
    %broadcast_in_dim3A_502 = vector.broadcast %broadcast_in_dim3A_501 : i32 to vector<16xi32>
    %get3A_503 = arith.constant 63 : i32
    %get3A_504 = arith.index_cast %get3A_503 : i32 to index
    %get3A_505 = arith.constant 0 : index
    %get3A_506 = tpu.vector_load %arg8[%get3A_504, %get3A_505] {strides = array<i32>} : memref<128x16xi32, #tpu.memory_space<vmem>>, vector<16xi32>,
    tpu.vector_store_idx %arg5[%broadcast_in_dim3A_502, %get3A_506], %broadcast_in_dim3A_5 : memref<16x2048xf32, #tpu.memory_space<vmem>>[vector<16xi32>, vector<16xi32>], vector<16xf32>,
    %dma_start3A_507 = arith.constant 0 : i32
    %dma_start3A_508 = tpu.memref_slice %arg4[%add3A_311, %dma_start3A_507] : memref<4096x2048xf32, #tpu.memory_space<hbm>> -> memref<16x2048xf32, #tpu.memory_space<hbm>>
    %dma_start3A_509 = arith.constant 0 : i32
    %dma_start3A_510 = tpu.memref_slice %arg4[%add3A_311, %dma_start3A_509] : memref<4096x2048xf32, #tpu.memory_space<hbm>> -> memref<16x2048xf32, #tpu.memory_space<hbm>>
    tpu.enqueue_dma source(%arg5 : memref<16x2048xf32, #tpu.memory_space<vmem>>) target(%dma_start3A_510 : memref<16x2048xf32, #tpu.memory_space<hbm>>) target_semaphore(%arg9 : memref<!tpu.dma_semaphore, #tpu.memory_space<semaphore_mem>>)
    %add3A_511 = arith.constant 64 : i32
    %add3A_512 = arith.addi %mul3A_2, %add3A_511 : i32
    %dma_wait3A_513 = arith.constant 0 : i32
    %dma_wait3A_514 = tpu.memref_slice %arg4[%add3A_107, %dma_wait3A_513] : memref<4096x2048xf32, #tpu.memory_space<hbm>> -> memref<16x2048xf32, #tpu.memory_space<hbm>>
    %dma_wait3A_515 = arith.constant 0 : i32
    %dma_wait3A_516 = tpu.memref_slice %arg4[%add3A_107, %dma_wait3A_515] : memref<4096x2048xf32, #tpu.memory_space<hbm>> -> memref<16x2048xf32, #tpu.memory_space<hbm>>
    tpu.wait_dma2 semaphore(%arg10 : memref<!tpu.dma_semaphore, #tpu.memory_space<semaphore_mem>>) src(%arg6 : memref<16x2048xf32, #tpu.memory_space<vmem>>) dst(%dma_wait3A_516 : memref<16x2048xf32, #tpu.memory_space<hbm>>)
    %broadcast_in_dim3A_517 = arith.constant 0 : i32
    %broadcast_in_dim3A_518 = vector.broadcast %broadcast_in_dim3A_517 : i32 to vector<16xi32>
    %get3A_519 = arith.constant 16 : i32
    %get3A_520 = arith.index_cast %get3A_519 : i32 to index
    %get3A_521 = arith.constant 0 : index
    %get3A_522 = tpu.vector_load %arg8[%get3A_520, %get3A_521] {strides = array<i32>} : memref<128x16xi32, #tpu.memory_space<vmem>>, vector<16xi32>,
    tpu.vector_store_idx %arg6[%broadcast_in_dim3A_518, %get3A_522], %broadcast_in_dim3A_3 : memref<16x2048xf32, #tpu.memory_space<vmem>>[vector<16xi32>, vector<16xi32>], vector<16xf32>,
    %broadcast_in_dim3A_523 = arith.constant 1 : i32
    %broadcast_in_dim3A_524 = vector.broadcast %broadcast_in_dim3A_523 : i32 to vector<16xi32>
    %get3A_525 = arith.constant 17 : i32
    %get3A_526 = arith.index_cast %get3A_525 : i32 to index
    %get3A_527 = arith.constant 0 : index
    %get3A_528 = tpu.vector_load %arg8[%get3A_526, %get3A_527] {strides = array<i32>} : memref<128x16xi32, #tpu.memory_space<vmem>>, vector<16xi32>,
    tpu.vector_store_idx %arg6[%broadcast_in_dim3A_524, %get3A_528], %broadcast_in_dim3A_3 : memref<16x2048xf32, #tpu.memory_space<vmem>>[vector<16xi32>, vector<16xi32>], vector<16xf32>,
    %broadcast_in_dim3A_529 = arith.constant 2 : i32
    %broadcast_in_dim3A_530 = vector.broadcast %broadcast_in_dim3A_529 : i32 to vector<16xi32>
    %get3A_531 = arith.constant 18 : i32
    %get3A_532 = arith.index_cast %get3A_531 : i32 to index
    %get3A_533 = arith.constant 0 : index
    %get3A_534 = tpu.vector_load %arg8[%get3A_532, %get3A_533] {strides = array<i32>} : memref<128x16xi32, #tpu.memory_space<vmem>>, vector<16xi32>,
    tpu.vector_store_idx %arg6[%broadcast_in_dim3A_530, %get3A_534], %broadcast_in_dim3A_3 : memref<16x2048xf32, #tpu.memory_space<vmem>>[vector<16xi32>, vector<16xi32>], vector<16xf32>,
    %broadcast_in_dim3A_535 = arith.constant 3 : i32
    %broadcast_in_dim3A_536 = vector.broadcast %broadcast_in_dim3A_535 : i32 to vector<16xi32>
    %get3A_537 = arith.constant 19 : i32
    %get3A_538 = arith.index_cast %get3A_537 : i32 to index
    %get3A_539 = arith.constant 0 : index
    %get3A_540 = tpu.vector_load %arg8[%get3A_538, %get3A_539] {strides = array<i32>} : memref<128x16xi32, #tpu.memory_space<vmem>>, vector<16xi32>,
    tpu.vector_store_idx %arg6[%broadcast_in_dim3A_536, %get3A_540], %broadcast_in_dim3A_3 : memref<16x2048xf32, #tpu.memory_space<vmem>>[vector<16xi32>, vector<16xi32>], vector<16xf32>,
    %broadcast_in_dim3A_541 = arith.constant 4 : i32
    %broadcast_in_dim3A_542 = vector.broadcast %broadcast_in_dim3A_541 : i32 to vector<16xi32>
    %get3A_543 = arith.constant 20 : i32
    %get3A_544 = arith.index_cast %get3A_543 : i32 to index
    %get3A_545 = arith.constant 0 : index
    %get3A_546 = tpu.vector_load %arg8[%get3A_544, %get3A_545] {strides = array<i32>} : memref<128x16xi32, #tpu.memory_space<vmem>>, vector<16xi32>,
    tpu.vector_store_idx %arg6[%broadcast_in_dim3A_542, %get3A_546], %broadcast_in_dim3A_3 : memref<16x2048xf32, #tpu.memory_space<vmem>>[vector<16xi32>, vector<16xi32>], vector<16xf32>,
    %broadcast_in_dim3A_547 = arith.constant 5 : i32
    %broadcast_in_dim3A_548 = vector.broadcast %broadcast_in_dim3A_547 : i32 to vector<16xi32>
    %get3A_549 = arith.constant 21 : i32
    %get3A_550 = arith.index_cast %get3A_549 : i32 to index
    %get3A_551 = arith.constant 0 : index
    %get3A_552 = tpu.vector_load %arg8[%get3A_550, %get3A_551] {strides = array<i32>} : memref<128x16xi32, #tpu.memory_space<vmem>>, vector<16xi32>,
    tpu.vector_store_idx %arg6[%broadcast_in_dim3A_548, %get3A_552], %broadcast_in_dim3A_3 : memref<16x2048xf32, #tpu.memory_space<vmem>>[vector<16xi32>, vector<16xi32>], vector<16xf32>,
    %broadcast_in_dim3A_553 = arith.constant 6 : i32
    %broadcast_in_dim3A_554 = vector.broadcast %broadcast_in_dim3A_553 : i32 to vector<16xi32>
    %get3A_555 = arith.constant 22 : i32
    %get3A_556 = arith.index_cast %get3A_555 : i32 to index
    %get3A_557 = arith.constant 0 : index
    %get3A_558 = tpu.vector_load %arg8[%get3A_556, %get3A_557] {strides = array<i32>} : memref<128x16xi32, #tpu.memory_space<vmem>>, vector<16xi32>,
    tpu.vector_store_idx %arg6[%broadcast_in_dim3A_554, %get3A_558], %broadcast_in_dim3A_3 : memref<16x2048xf32, #tpu.memory_space<vmem>>[vector<16xi32>, vector<16xi32>], vector<16xf32>,
    %broadcast_in_dim3A_559 = arith.constant 7 : i32
    %broadcast_in_dim3A_560 = vector.broadcast %broadcast_in_dim3A_559 : i32 to vector<16xi32>
    %get3A_561 = arith.constant 23 : i32
    %get3A_562 = arith.index_cast %get3A_561 : i32 to index
    %get3A_563 = arith.constant 0 : index
    %get3A_564 = tpu.vector_load %arg8[%get3A_562, %get3A_563] {strides = array<i32>} : memref<128x16xi32, #tpu.memory_space<vmem>>, vector<16xi32>,
    tpu.vector_store_idx %arg6[%broadcast_in_dim3A_560, %get3A_564], %broadcast_in_dim3A_3 : memref<16x2048xf32, #tpu.memory_space<vmem>>[vector<16xi32>, vector<16xi32>], vector<16xf32>,
    %broadcast_in_dim3A_565 = arith.constant 8 : i32
    %broadcast_in_dim3A_566 = vector.broadcast %broadcast_in_dim3A_565 : i32 to vector<16xi32>
    %get3A_567 = arith.constant 24 : i32
    %get3A_568 = arith.index_cast %get3A_567 : i32 to index
    %get3A_569 = arith.constant 0 : index
    %get3A_570 = tpu.vector_load %arg8[%get3A_568, %get3A_569] {strides = array<i32>} : memref<128x16xi32, #tpu.memory_space<vmem>>, vector<16xi32>,
    tpu.vector_store_idx %arg6[%broadcast_in_dim3A_566, %get3A_570], %broadcast_in_dim3A_3 : memref<16x2048xf32, #tpu.memory_space<vmem>>[vector<16xi32>, vector<16xi32>], vector<16xf32>,
    %broadcast_in_dim3A_571 = arith.constant 9 : i32
    %broadcast_in_dim3A_572 = vector.broadcast %broadcast_in_dim3A_571 : i32 to vector<16xi32>
    %get3A_573 = arith.constant 25 : i32
    %get3A_574 = arith.index_cast %get3A_573 : i32 to index
    %get3A_575 = arith.constant 0 : index
    %get3A_576 = tpu.vector_load %arg8[%get3A_574, %get3A_575] {strides = array<i32>} : memref<128x16xi32, #tpu.memory_space<vmem>>, vector<16xi32>,
    tpu.vector_store_idx %arg6[%broadcast_in_dim3A_572, %get3A_576], %broadcast_in_dim3A_3 : memref<16x2048xf32, #tpu.memory_space<vmem>>[vector<16xi32>, vector<16xi32>], vector<16xf32>,
    %broadcast_in_dim3A_577 = arith.constant 10 : i32
    %broadcast_in_dim3A_578 = vector.broadcast %broadcast_in_dim3A_577 : i32 to vector<16xi32>
    %get3A_579 = arith.constant 26 : i32
    %get3A_580 = arith.index_cast %get3A_579 : i32 to index
    %get3A_581 = arith.constant 0 : index
    %get3A_582 = tpu.vector_load %arg8[%get3A_580, %get3A_581] {strides = array<i32>} : memref<128x16xi32, #tpu.memory_space<vmem>>, vector<16xi32>,
    tpu.vector_store_idx %arg6[%broadcast_in_dim3A_578, %get3A_582], %broadcast_in_dim3A_3 : memref<16x2048xf32, #tpu.memory_space<vmem>>[vector<16xi32>, vector<16xi32>], vector<16xf32>,
    %broadcast_in_dim3A_583 = arith.constant 11 : i32
    %broadcast_in_dim3A_584 = vector.broadcast %broadcast_in_dim3A_583 : i32 to vector<16xi32>
    %get3A_585 = arith.constant 27 : i32
    %get3A_586 = arith.index_cast %get3A_585 : i32 to index
    %get3A_587 = arith.constant 0 : index
    %get3A_588 = tpu.vector_load %arg8[%get3A_586, %get3A_587] {strides = array<i32>} : memref<128x16xi32, #tpu.memory_space<vmem>>, vector<16xi32>,
    tpu.vector_store_idx %arg6[%broadcast_in_dim3A_584, %get3A_588], %broadcast_in_dim3A_3 : memref<16x2048xf32, #tpu.memory_space<vmem>>[vector<16xi32>, vector<16xi32>], vector<16xf32>,
    %broadcast_in_dim3A_589 = arith.constant 12 : i32
    %broadcast_in_dim3A_590 = vector.broadcast %broadcast_in_dim3A_589 : i32 to vector<16xi32>
    %get3A_591 = arith.constant 28 : i32
    %get3A_592 = arith.index_cast %get3A_591 : i32 to index
    %get3A_593 = arith.constant 0 : index
    %get3A_594 = tpu.vector_load %arg8[%get3A_592, %get3A_593] {strides = array<i32>} : memref<128x16xi32, #tpu.memory_space<vmem>>, vector<16xi32>,
    tpu.vector_store_idx %arg6[%broadcast_in_dim3A_590, %get3A_594], %broadcast_in_dim3A_3 : memref<16x2048xf32, #tpu.memory_space<vmem>>[vector<16xi32>, vector<16xi32>], vector<16xf32>,
    %broadcast_in_dim3A_595 = arith.constant 13 : i32
    %broadcast_in_dim3A_596 = vector.broadcast %broadcast_in_dim3A_595 : i32 to vector<16xi32>
    %get3A_597 = arith.constant 29 : i32
    %get3A_598 = arith.index_cast %get3A_597 : i32 to index
    %get3A_599 = arith.constant 0 : index
    %get3A_600 = tpu.vector_load %arg8[%get3A_598, %get3A_599] {strides = array<i32>} : memref<128x16xi32, #tpu.memory_space<vmem>>, vector<16xi32>,
    tpu.vector_store_idx %arg6[%broadcast_in_dim3A_596, %get3A_600], %broadcast_in_dim3A_3 : memref<16x2048xf32, #tpu.memory_space<vmem>>[vector<16xi32>, vector<16xi32>], vector<16xf32>,
    %broadcast_in_dim3A_601 = arith.constant 14 : i32
    %broadcast_in_dim3A_602 = vector.broadcast %broadcast_in_dim3A_601 : i32 to vector<16xi32>
    %get3A_603 = arith.constant 30 : i32
    %get3A_604 = arith.index_cast %get3A_603 : i32 to index
    %get3A_605 = arith.constant 0 : index
    %get3A_606 = tpu.vector_load %arg8[%get3A_604, %get3A_605] {strides = array<i32>} : memref<128x16xi32, #tpu.memory_space<vmem>>, vector<16xi32>,
    tpu.vector_store_idx %arg6[%broadcast_in_dim3A_602, %get3A_606], %broadcast_in_dim3A_3 : memref<16x2048xf32, #tpu.memory_space<vmem>>[vector<16xi32>, vector<16xi32>], vector<16xf32>,
    %broadcast_in_dim3A_607 = arith.constant 15 : i32
    %broadcast_in_dim3A_608 = vector.broadcast %broadcast_in_dim3A_607 : i32 to vector<16xi32>
    %get3A_609 = arith.constant 31 : i32
    %get3A_610 = arith.index_cast %get3A_609 : i32 to index
    %get3A_611 = arith.constant 0 : index
    %get3A_612 = tpu.vector_load %arg8[%get3A_610, %get3A_611] {strides = array<i32>} : memref<128x16xi32, #tpu.memory_space<vmem>>, vector<16xi32>,
    tpu.vector_store_idx %arg6[%broadcast_in_dim3A_608, %get3A_612], %broadcast_in_dim3A_3 : memref<16x2048xf32, #tpu.memory_space<vmem>>[vector<16xi32>, vector<16xi32>], vector<16xf32>,
    %broadcast_in_dim3A_613 = arith.constant 0 : i32
    %broadcast_in_dim3A_614 = vector.broadcast %broadcast_in_dim3A_613 : i32 to vector<16xi32>
    %get3A_615 = arith.constant 64 : i32
    %get3A_616 = arith.index_cast %get3A_615 : i32 to index
    %get3A_617 = arith.constant 0 : index
    %get3A_618 = tpu.vector_load %arg8[%get3A_616, %get3A_617] {strides = array<i32>} : memref<128x16xi32, #tpu.memory_space<vmem>>, vector<16xi32>,
    tpu.vector_store_idx %arg6[%broadcast_in_dim3A_614, %get3A_618], %broadcast_in_dim3A_5 : memref<16x2048xf32, #tpu.memory_space<vmem>>[vector<16xi32>, vector<16xi32>], vector<16xf32>,
    %broadcast_in_dim3A_619 = arith.constant 1 : i32
    %broadcast_in_dim3A_620 = vector.broadcast %broadcast_in_dim3A_619 : i32 to vector<16xi32>
    %get3A_621 = arith.constant 65 : i32
    %get3A_622 = arith.index_cast %get3A_621 : i32 to index
    %get3A_623 = arith.constant 0 : index
    %get3A_624 = tpu.vector_load %arg8[%get3A_622, %get3A_623] {strides = array<i32>} : memref<128x16xi32, #tpu.memory_space<vmem>>, vector<16xi32>,
    tpu.vector_store_idx %arg6[%broadcast_in_dim3A_620, %get3A_624], %broadcast_in_dim3A_5 : memref<16x2048xf32, #tpu.memory_space<vmem>>[vector<16xi32>, vector<16xi32>], vector<16xf32>,
    %broadcast_in_dim3A_625 = arith.constant 2 : i32
    %broadcast_in_dim3A_626 = vector.broadcast %broadcast_in_dim3A_625 : i32 to vector<16xi32>
    %get3A_627 = arith.constant 66 : i32
    %get3A_628 = arith.index_cast %get3A_627 : i32 to index
    %get3A_629 = arith.constant 0 : index
    %get3A_630 = tpu.vector_load %arg8[%get3A_628, %get3A_629] {strides = array<i32>} : memref<128x16xi32, #tpu.memory_space<vmem>>, vector<16xi32>,
    tpu.vector_store_idx %arg6[%broadcast_in_dim3A_626, %get3A_630], %broadcast_in_dim3A_5 : memref<16x2048xf32, #tpu.memory_space<vmem>>[vector<16xi32>, vector<16xi32>], vector<16xf32>,
    %broadcast_in_dim3A_631 = arith.constant 3 : i32
    %broadcast_in_dim3A_632 = vector.broadcast %broadcast_in_dim3A_631 : i32 to vector<16xi32>
    %get3A_633 = arith.constant 67 : i32
    %get3A_634 = arith.index_cast %get3A_633 : i32 to index
    %get3A_635 = arith.constant 0 : index
    %get3A_636 = tpu.vector_load %arg8[%get3A_634, %get3A_635] {strides = array<i32>} : memref<128x16xi32, #tpu.memory_space<vmem>>, vector<16xi32>,
    tpu.vector_store_idx %arg6[%broadcast_in_dim3A_632, %get3A_636], %broadcast_in_dim3A_5 : memref<16x2048xf32, #tpu.memory_space<vmem>>[vector<16xi32>, vector<16xi32>], vector<16xf32>,
    %broadcast_in_dim3A_637 = arith.constant 4 : i32
    %broadcast_in_dim3A_638 = vector.broadcast %broadcast_in_dim3A_637 : i32 to vector<16xi32>
    %get3A_639 = arith.constant 68 : i32
    %get3A_640 = arith.index_cast %get3A_639 : i32 to index
    %get3A_641 = arith.constant 0 : index
    %get3A_642 = tpu.vector_load %arg8[%get3A_640, %get3A_641] {strides = array<i32>} : memref<128x16xi32, #tpu.memory_space<vmem>>, vector<16xi32>,
    tpu.vector_store_idx %arg6[%broadcast_in_dim3A_638, %get3A_642], %broadcast_in_dim3A_5 : memref<16x2048xf32, #tpu.memory_space<vmem>>[vector<16xi32>, vector<16xi32>], vector<16xf32>,
    %broadcast_in_dim3A_643 = arith.constant 5 : i32
    %broadcast_in_dim3A_644 = vector.broadcast %broadcast_in_dim3A_643 : i32 to vector<16xi32>
    %get3A_645 = arith.constant 69 : i32
    %get3A_646 = arith.index_cast %get3A_645 : i32 to index
    %get3A_647 = arith.constant 0 : index
    %get3A_648 = tpu.vector_load %arg8[%get3A_646, %get3A_647] {strides = array<i32>} : memref<128x16xi32, #tpu.memory_space<vmem>>, vector<16xi32>,
    tpu.vector_store_idx %arg6[%broadcast_in_dim3A_644, %get3A_648], %broadcast_in_dim3A_5 : memref<16x2048xf32, #tpu.memory_space<vmem>>[vector<16xi32>, vector<16xi32>], vector<16xf32>,
    %broadcast_in_dim3A_649 = arith.constant 6 : i32
    %broadcast_in_dim3A_650 = vector.broadcast %broadcast_in_dim3A_649 : i32 to vector<16xi32>
    %get3A_651 = arith.constant 70 : i32
    %get3A_652 = arith.index_cast %get3A_651 : i32 to index
    %get3A_653 = arith.constant 0 : index
    %get3A_654 = tpu.vector_load %arg8[%get3A_652, %get3A_653] {strides = array<i32>} : memref<128x16xi32, #tpu.memory_space<vmem>>, vector<16xi32>,
    tpu.vector_store_idx %arg6[%broadcast_in_dim3A_650, %get3A_654], %broadcast_in_dim3A_5 : memref<16x2048xf32, #tpu.memory_space<vmem>>[vector<16xi32>, vector<16xi32>], vector<16xf32>,
    %broadcast_in_dim3A_655 = arith.constant 7 : i32
    %broadcast_in_dim3A_656 = vector.broadcast %broadcast_in_dim3A_655 : i32 to vector<16xi32>
    %get3A_657 = arith.constant 71 : i32
    %get3A_658 = arith.index_cast %get3A_657 : i32 to index
    %get3A_659 = arith.constant 0 : index
    %get3A_660 = tpu.vector_load %arg8[%get3A_658, %get3A_659] {strides = array<i32>} : memref<128x16xi32, #tpu.memory_space<vmem>>, vector<16xi32>,
    tpu.vector_store_idx %arg6[%broadcast_in_dim3A_656, %get3A_660], %broadcast_in_dim3A_5 : memref<16x2048xf32, #tpu.memory_space<vmem>>[vector<16xi32>, vector<16xi32>], vector<16xf32>,
    %broadcast_in_dim3A_661 = arith.constant 8 : i32
    %broadcast_in_dim3A_662 = vector.broadcast %broadcast_in_dim3A_661 : i32 to vector<16xi32>
    %get3A_663 = arith.constant 72 : i32
    %get3A_664 = arith.index_cast %get3A_663 : i32 to index
    %get3A_665 = arith.constant 0 : index
    %get3A_666 = tpu.vector_load %arg8[%get3A_664, %get3A_665] {strides = array<i32>} : memref<128x16xi32, #tpu.memory_space<vmem>>, vector<16xi32>,
    tpu.vector_store_idx %arg6[%broadcast_in_dim3A_662, %get3A_666], %broadcast_in_dim3A_5 : memref<16x2048xf32, #tpu.memory_space<vmem>>[vector<16xi32>, vector<16xi32>], vector<16xf32>,
    %broadcast_in_dim3A_667 = arith.constant 9 : i32
    %broadcast_in_dim3A_668 = vector.broadcast %broadcast_in_dim3A_667 : i32 to vector<16xi32>
    %get3A_669 = arith.constant 73 : i32
    %get3A_670 = arith.index_cast %get3A_669 : i32 to index
    %get3A_671 = arith.constant 0 : index
    %get3A_672 = tpu.vector_load %arg8[%get3A_670, %get3A_671] {strides = array<i32>} : memref<128x16xi32, #tpu.memory_space<vmem>>, vector<16xi32>,
    tpu.vector_store_idx %arg6[%broadcast_in_dim3A_668, %get3A_672], %broadcast_in_dim3A_5 : memref<16x2048xf32, #tpu.memory_space<vmem>>[vector<16xi32>, vector<16xi32>], vector<16xf32>,
    %broadcast_in_dim3A_673 = arith.constant 10 : i32
    %broadcast_in_dim3A_674 = vector.broadcast %broadcast_in_dim3A_673 : i32 to vector<16xi32>
    %get3A_675 = arith.constant 74 : i32
    %get3A_676 = arith.index_cast %get3A_675 : i32 to index
    %get3A_677 = arith.constant 0 : index
    %get3A_678 = tpu.vector_load %arg8[%get3A_676, %get3A_677] {strides = array<i32>} : memref<128x16xi32, #tpu.memory_space<vmem>>, vector<16xi32>,
    tpu.vector_store_idx %arg6[%broadcast_in_dim3A_674, %get3A_678], %broadcast_in_dim3A_5 : memref<16x2048xf32, #tpu.memory_space<vmem>>[vector<16xi32>, vector<16xi32>], vector<16xf32>,
    %broadcast_in_dim3A_679 = arith.constant 11 : i32
    %broadcast_in_dim3A_680 = vector.broadcast %broadcast_in_dim3A_679 : i32 to vector<16xi32>
    %get3A_681 = arith.constant 75 : i32
    %get3A_682 = arith.index_cast %get3A_681 : i32 to index
    %get3A_683 = arith.constant 0 : index
    %get3A_684 = tpu.vector_load %arg8[%get3A_682, %get3A_683] {strides = array<i32>} : memref<128x16xi32, #tpu.memory_space<vmem>>, vector<16xi32>,
    tpu.vector_store_idx %arg6[%broadcast_in_dim3A_680, %get3A_684], %broadcast_in_dim3A_5 : memref<16x2048xf32, #tpu.memory_space<vmem>>[vector<16xi32>, vector<16xi32>], vector<16xf32>,
    %broadcast_in_dim3A_685 = arith.constant 12 : i32
    %broadcast_in_dim3A_686 = vector.broadcast %broadcast_in_dim3A_685 : i32 to vector<16xi32>
    %get3A_687 = arith.constant 76 : i32
    %get3A_688 = arith.index_cast %get3A_687 : i32 to index
    %get3A_689 = arith.constant 0 : index
    %get3A_690 = tpu.vector_load %arg8[%get3A_688, %get3A_689] {strides = array<i32>} : memref<128x16xi32, #tpu.memory_space<vmem>>, vector<16xi32>,
    tpu.vector_store_idx %arg6[%broadcast_in_dim3A_686, %get3A_690], %broadcast_in_dim3A_5 : memref<16x2048xf32, #tpu.memory_space<vmem>>[vector<16xi32>, vector<16xi32>], vector<16xf32>,
    %broadcast_in_dim3A_691 = arith.constant 13 : i32
    %broadcast_in_dim3A_692 = vector.broadcast %broadcast_in_dim3A_691 : i32 to vector<16xi32>
    %get3A_693 = arith.constant 77 : i32
    %get3A_694 = arith.index_cast %get3A_693 : i32 to index
    %get3A_695 = arith.constant 0 : index
    %get3A_696 = tpu.vector_load %arg8[%get3A_694, %get3A_695] {strides = array<i32>} : memref<128x16xi32, #tpu.memory_space<vmem>>, vector<16xi32>,
    tpu.vector_store_idx %arg6[%broadcast_in_dim3A_692, %get3A_696], %broadcast_in_dim3A_5 : memref<16x2048xf32, #tpu.memory_space<vmem>>[vector<16xi32>, vector<16xi32>], vector<16xf32>,
    %broadcast_in_dim3A_697 = arith.constant 14 : i32
    %broadcast_in_dim3A_698 = vector.broadcast %broadcast_in_dim3A_697 : i32 to vector<16xi32>
    %get3A_699 = arith.constant 78 : i32
    %get3A_700 = arith.index_cast %get3A_699 : i32 to index
    %get3A_701 = arith.constant 0 : index
    %get3A_702 = tpu.vector_load %arg8[%get3A_700, %get3A_701] {strides = array<i32>} : memref<128x16xi32, #tpu.memory_space<vmem>>, vector<16xi32>,
    tpu.vector_store_idx %arg6[%broadcast_in_dim3A_698, %get3A_702], %broadcast_in_dim3A_5 : memref<16x2048xf32, #tpu.memory_space<vmem>>[vector<16xi32>, vector<16xi32>], vector<16xf32>,
    %broadcast_in_dim3A_703 = arith.constant 15 : i32
    %broadcast_in_dim3A_704 = vector.broadcast %broadcast_in_dim3A_703 : i32 to vector<16xi32>
    %get3A_705 = arith.constant 79 : i32
    %get3A_706 = arith.index_cast %get3A_705 : i32 to index
    %get3A_707 = arith.constant 0 : index
    %get3A_708 = tpu.vector_load %arg8[%get3A_706, %get3A_707] {strides = array<i32>} : memref<128x16xi32, #tpu.memory_space<vmem>>, vector<16xi32>,
    tpu.vector_store_idx %arg6[%broadcast_in_dim3A_704, %get3A_708], %broadcast_in_dim3A_5 : memref<16x2048xf32, #tpu.memory_space<vmem>>[vector<16xi32>, vector<16xi32>], vector<16xf32>,
    %dma_start3A_709 = arith.constant 0 : i32
    %dma_start3A_710 = tpu.memref_slice %arg4[%add3A_512, %dma_start3A_709] : memref<4096x2048xf32, #tpu.memory_space<hbm>> -> memref<16x2048xf32, #tpu.memory_space<hbm>>
    %dma_start3A_711 = arith.constant 0 : i32
    %dma_start3A_712 = tpu.memref_slice %arg4[%add3A_512, %dma_start3A_711] : memref<4096x2048xf32, #tpu.memory_space<hbm>> -> memref<16x2048xf32, #tpu.memory_space<hbm>>
    tpu.enqueue_dma source(%arg6 : memref<16x2048xf32, #tpu.memory_space<vmem>>) target(%dma_start3A_712 : memref<16x2048xf32, #tpu.memory_space<hbm>>) target_semaphore(%arg10 : memref<!tpu.dma_semaphore, #tpu.memory_space<semaphore_mem>>)
    %add3A_713 = arith.constant 80 : i32
    %add3A_714 = arith.addi %mul3A_2, %add3A_713 : i32
    %dma_wait3A_715 = arith.constant 0 : i32
    %dma_wait3A_716 = tpu.memref_slice %arg4[%add3A_209, %dma_wait3A_715] : memref<4096x2048xf32, #tpu.memory_space<hbm>> -> memref<16x2048xf32, #tpu.memory_space<hbm>>
    %dma_wait3A_717 = arith.constant 0 : i32
    %dma_wait3A_718 = tpu.memref_slice %arg4[%add3A_209, %dma_wait3A_717] : memref<4096x2048xf32, #tpu.memory_space<hbm>> -> memref<16x2048xf32, #tpu.memory_space<hbm>>
    tpu.wait_dma2 semaphore(%arg11 : memref<!tpu.dma_semaphore, #tpu.memory_space<semaphore_mem>>) src(%arg7 : memref<16x2048xf32, #tpu.memory_space<vmem>>) dst(%dma_wait3A_718 : memref<16x2048xf32, #tpu.memory_space<hbm>>)
    %broadcast_in_dim3A_719 = arith.constant 0 : i32
    %broadcast_in_dim3A_720 = vector.broadcast %broadcast_in_dim3A_719 : i32 to vector<16xi32>
    %get3A_721 = arith.constant 32 : i32
    %get3A_722 = arith.index_cast %get3A_721 : i32 to index
    %get3A_723 = arith.constant 0 : index
    %get3A_724 = tpu.vector_load %arg8[%get3A_722, %get3A_723] {strides = array<i32>} : memref<128x16xi32, #tpu.memory_space<vmem>>, vector<16xi32>,
    tpu.vector_store_idx %arg7[%broadcast_in_dim3A_720, %get3A_724], %broadcast_in_dim3A_3 : memref<16x2048xf32, #tpu.memory_space<vmem>>[vector<16xi32>, vector<16xi32>], vector<16xf32>,
    %broadcast_in_dim3A_725 = arith.constant 1 : i32
    %broadcast_in_dim3A_726 = vector.broadcast %broadcast_in_dim3A_725 : i32 to vector<16xi32>
    %get3A_727 = arith.constant 33 : i32
    %get3A_728 = arith.index_cast %get3A_727 : i32 to index
    %get3A_729 = arith.constant 0 : index
    %get3A_730 = tpu.vector_load %arg8[%get3A_728, %get3A_729] {strides = array<i32>} : memref<128x16xi32, #tpu.memory_space<vmem>>, vector<16xi32>,
    tpu.vector_store_idx %arg7[%broadcast_in_dim3A_726, %get3A_730], %broadcast_in_dim3A_3 : memref<16x2048xf32, #tpu.memory_space<vmem>>[vector<16xi32>, vector<16xi32>], vector<16xf32>,
    %broadcast_in_dim3A_731 = arith.constant 2 : i32
    %broadcast_in_dim3A_732 = vector.broadcast %broadcast_in_dim3A_731 : i32 to vector<16xi32>
    %get3A_733 = arith.constant 34 : i32
    %get3A_734 = arith.index_cast %get3A_733 : i32 to index
    %get3A_735 = arith.constant 0 : index
    %get3A_736 = tpu.vector_load %arg8[%get3A_734, %get3A_735] {strides = array<i32>} : memref<128x16xi32, #tpu.memory_space<vmem>>, vector<16xi32>,
    tpu.vector_store_idx %arg7[%broadcast_in_dim3A_732, %get3A_736], %broadcast_in_dim3A_3 : memref<16x2048xf32, #tpu.memory_space<vmem>>[vector<16xi32>, vector<16xi32>], vector<16xf32>,
    %broadcast_in_dim3A_737 = arith.constant 3 : i32
    %broadcast_in_dim3A_738 = vector.broadcast %broadcast_in_dim3A_737 : i32 to vector<16xi32>
    %get3A_739 = arith.constant 35 : i32
    %get3A_740 = arith.index_cast %get3A_739 : i32 to index
    %get3A_741 = arith.constant 0 : index
    %get3A_742 = tpu.vector_load %arg8[%get3A_740, %get3A_741] {strides = array<i32>} : memref<128x16xi32, #tpu.memory_space<vmem>>, vector<16xi32>,
    tpu.vector_store_idx %arg7[%broadcast_in_dim3A_738, %get3A_742], %broadcast_in_dim3A_3 : memref<16x2048xf32, #tpu.memory_space<vmem>>[vector<16xi32>, vector<16xi32>], vector<16xf32>,
    %broadcast_in_dim3A_743 = arith.constant 4 : i32
    %broadcast_in_dim3A_744 = vector.broadcast %broadcast_in_dim3A_743 : i32 to vector<16xi32>
    %get3A_745 = arith.constant 36 : i32
    %get3A_746 = arith.index_cast %get3A_745 : i32 to index
    %get3A_747 = arith.constant 0 : index
    %get3A_748 = tpu.vector_load %arg8[%get3A_746, %get3A_747] {strides = array<i32>} : memref<128x16xi32, #tpu.memory_space<vmem>>, vector<16xi32>,
    tpu.vector_store_idx %arg7[%broadcast_in_dim3A_744, %get3A_748], %broadcast_in_dim3A_3 : memref<16x2048xf32, #tpu.memory_space<vmem>>[vector<16xi32>, vector<16xi32>], vector<16xf32>,
    %broadcast_in_dim3A_749 = arith.constant 5 : i32
    %broadcast_in_dim3A_750 = vector.broadcast %broadcast_in_dim3A_749 : i32 to vector<16xi32>
    %get3A_751 = arith.constant 37 : i32
    %get3A_752 = arith.index_cast %get3A_751 : i32 to index
    %get3A_753 = arith.constant 0 : index
    %get3A_754 = tpu.vector_load %arg8[%get3A_752, %get3A_753] {strides = array<i32>} : memref<128x16xi32, #tpu.memory_space<vmem>>, vector<16xi32>,
    tpu.vector_store_idx %arg7[%broadcast_in_dim3A_750, %get3A_754], %broadcast_in_dim3A_3 : memref<16x2048xf32, #tpu.memory_space<vmem>>[vector<16xi32>, vector<16xi32>], vector<16xf32>,
    %broadcast_in_dim3A_755 = arith.constant 6 : i32
    %broadcast_in_dim3A_756 = vector.broadcast %broadcast_in_dim3A_755 : i32 to vector<16xi32>
    %get3A_757 = arith.constant 38 : i32
    %get3A_758 = arith.index_cast %get3A_757 : i32 to index
    %get3A_759 = arith.constant 0 : index
    %get3A_760 = tpu.vector_load %arg8[%get3A_758, %get3A_759] {strides = array<i32>} : memref<128x16xi32, #tpu.memory_space<vmem>>, vector<16xi32>,
    tpu.vector_store_idx %arg7[%broadcast_in_dim3A_756, %get3A_760], %broadcast_in_dim3A_3 : memref<16x2048xf32, #tpu.memory_space<vmem>>[vector<16xi32>, vector<16xi32>], vector<16xf32>,
    %broadcast_in_dim3A_761 = arith.constant 7 : i32
    %broadcast_in_dim3A_762 = vector.broadcast %broadcast_in_dim3A_761 : i32 to vector<16xi32>
    %get3A_763 = arith.constant 39 : i32
    %get3A_764 = arith.index_cast %get3A_763 : i32 to index
    %get3A_765 = arith.constant 0 : index
    %get3A_766 = tpu.vector_load %arg8[%get3A_764, %get3A_765] {strides = array<i32>} : memref<128x16xi32, #tpu.memory_space<vmem>>, vector<16xi32>,
    tpu.vector_store_idx %arg7[%broadcast_in_dim3A_762, %get3A_766], %broadcast_in_dim3A_3 : memref<16x2048xf32, #tpu.memory_space<vmem>>[vector<16xi32>, vector<16xi32>], vector<16xf32>,
    %broadcast_in_dim3A_767 = arith.constant 8 : i32
    %broadcast_in_dim3A_768 = vector.broadcast %broadcast_in_dim3A_767 : i32 to vector<16xi32>
    %get3A_769 = arith.constant 40 : i32
    %get3A_770 = arith.index_cast %get3A_769 : i32 to index
    %get3A_771 = arith.constant 0 : index
    %get3A_772 = tpu.vector_load %arg8[%get3A_770, %get3A_771] {strides = array<i32>} : memref<128x16xi32, #tpu.memory_space<vmem>>, vector<16xi32>,
    tpu.vector_store_idx %arg7[%broadcast_in_dim3A_768, %get3A_772], %broadcast_in_dim3A_3 : memref<16x2048xf32, #tpu.memory_space<vmem>>[vector<16xi32>, vector<16xi32>], vector<16xf32>,
    %broadcast_in_dim3A_773 = arith.constant 9 : i32
    %broadcast_in_dim3A_774 = vector.broadcast %broadcast_in_dim3A_773 : i32 to vector<16xi32>
    %get3A_775 = arith.constant 41 : i32
    %get3A_776 = arith.index_cast %get3A_775 : i32 to index
    %get3A_777 = arith.constant 0 : index
    %get3A_778 = tpu.vector_load %arg8[%get3A_776, %get3A_777] {strides = array<i32>} : memref<128x16xi32, #tpu.memory_space<vmem>>, vector<16xi32>,
    tpu.vector_store_idx %arg7[%broadcast_in_dim3A_774, %get3A_778], %broadcast_in_dim3A_3 : memref<16x2048xf32, #tpu.memory_space<vmem>>[vector<16xi32>, vector<16xi32>], vector<16xf32>,
    %broadcast_in_dim3A_779 = arith.constant 10 : i32
    %broadcast_in_dim3A_780 = vector.broadcast %broadcast_in_dim3A_779 : i32 to vector<16xi32>
    %get3A_781 = arith.constant 42 : i32
    %get3A_782 = arith.index_cast %get3A_781 : i32 to index
    %get3A_783 = arith.constant 0 : index
    %get3A_784 = tpu.vector_load %arg8[%get3A_782, %get3A_783] {strides = array<i32>} : memref<128x16xi32, #tpu.memory_space<vmem>>, vector<16xi32>,
    tpu.vector_store_idx %arg7[%broadcast_in_dim3A_780, %get3A_784], %broadcast_in_dim3A_3 : memref<16x2048xf32, #tpu.memory_space<vmem>>[vector<16xi32>, vector<16xi32>], vector<16xf32>,
    %broadcast_in_dim3A_785 = arith.constant 11 : i32
    %broadcast_in_dim3A_786 = vector.broadcast %broadcast_in_dim3A_785 : i32 to vector<16xi32>
    %get3A_787 = arith.constant 43 : i32
    %get3A_788 = arith.index_cast %get3A_787 : i32 to index
    %get3A_789 = arith.constant 0 : index
    %get3A_790 = tpu.vector_load %arg8[%get3A_788, %get3A_789] {strides = array<i32>} : memref<128x16xi32, #tpu.memory_space<vmem>>, vector<16xi32>,
    tpu.vector_store_idx %arg7[%broadcast_in_dim3A_786, %get3A_790], %broadcast_in_dim3A_3 : memref<16x2048xf32, #tpu.memory_space<vmem>>[vector<16xi32>, vector<16xi32>], vector<16xf32>,
    %broadcast_in_dim3A_791 = arith.constant 12 : i32
    %broadcast_in_dim3A_792 = vector.broadcast %broadcast_in_dim3A_791 : i32 to vector<16xi32>
    %get3A_793 = arith.constant 44 : i32
    %get3A_794 = arith.index_cast %get3A_793 : i32 to index
    %get3A_795 = arith.constant 0 : index
    %get3A_796 = tpu.vector_load %arg8[%get3A_794, %get3A_795] {strides = array<i32>} : memref<128x16xi32, #tpu.memory_space<vmem>>, vector<16xi32>,
    tpu.vector_store_idx %arg7[%broadcast_in_dim3A_792, %get3A_796], %broadcast_in_dim3A_3 : memref<16x2048xf32, #tpu.memory_space<vmem>>[vector<16xi32>, vector<16xi32>], vector<16xf32>,
    %broadcast_in_dim3A_797 = arith.constant 13 : i32
    %broadcast_in_dim3A_798 = vector.broadcast %broadcast_in_dim3A_797 : i32 to vector<16xi32>
    %get3A_799 = arith.constant 45 : i32
    %get3A_800 = arith.index_cast %get3A_799 : i32 to index
    %get3A_801 = arith.constant 0 : index
    %get3A_802 = tpu.vector_load %arg8[%get3A_800, %get3A_801] {strides = array<i32>} : memref<128x16xi32, #tpu.memory_space<vmem>>, vector<16xi32>,
    tpu.vector_store_idx %arg7[%broadcast_in_dim3A_798, %get3A_802], %broadcast_in_dim3A_3 : memref<16x2048xf32, #tpu.memory_space<vmem>>[vector<16xi32>, vector<16xi32>], vector<16xf32>,
    %broadcast_in_dim3A_803 = arith.constant 14 : i32
    %broadcast_in_dim3A_804 = vector.broadcast %broadcast_in_dim3A_803 : i32 to vector<16xi32>
    %get3A_805 = arith.constant 46 : i32
    %get3A_806 = arith.index_cast %get3A_805 : i32 to index
    %get3A_807 = arith.constant 0 : index
    %get3A_808 = tpu.vector_load %arg8[%get3A_806, %get3A_807] {strides = array<i32>} : memref<128x16xi32, #tpu.memory_space<vmem>>, vector<16xi32>,
    tpu.vector_store_idx %arg7[%broadcast_in_dim3A_804, %get3A_808], %broadcast_in_dim3A_3 : memref<16x2048xf32, #tpu.memory_space<vmem>>[vector<16xi32>, vector<16xi32>], vector<16xf32>,
    %broadcast_in_dim3A_809 = arith.constant 15 : i32
    %broadcast_in_dim3A_810 = vector.broadcast %broadcast_in_dim3A_809 : i32 to vector<16xi32>
    %get3A_811 = arith.constant 47 : i32
    %get3A_812 = arith.index_cast %get3A_811 : i32 to index
    %get3A_813 = arith.constant 0 : index
    %get3A_814 = tpu.vector_load %arg8[%get3A_812, %get3A_813] {strides = array<i32>} : memref<128x16xi32, #tpu.memory_space<vmem>>, vector<16xi32>,
    tpu.vector_store_idx %arg7[%broadcast_in_dim3A_810, %get3A_814], %broadcast_in_dim3A_3 : memref<16x2048xf32, #tpu.memory_space<vmem>>[vector<16xi32>, vector<16xi32>], vector<16xf32>,
    %broadcast_in_dim3A_815 = arith.constant 0 : i32
    %broadcast_in_dim3A_816 = vector.broadcast %broadcast_in_dim3A_815 : i32 to vector<16xi32>
    %get3A_817 = arith.constant 80 : i32
    %get3A_818 = arith.index_cast %get3A_817 : i32 to index
    %get3A_819 = arith.constant 0 : index
    %get3A_820 = tpu.vector_load %arg8[%get3A_818, %get3A_819] {strides = array<i32>} : memref<128x16xi32, #tpu.memory_space<vmem>>, vector<16xi32>,
    tpu.vector_store_idx %arg7[%broadcast_in_dim3A_816, %get3A_820], %broadcast_in_dim3A_5 : memref<16x2048xf32, #tpu.memory_space<vmem>>[vector<16xi32>, vector<16xi32>], vector<16xf32>,
    %broadcast_in_dim3A_821 = arith.constant 1 : i32
    %broadcast_in_dim3A_822 = vector.broadcast %broadcast_in_dim3A_821 : i32 to vector<16xi32>
    %get3A_823 = arith.constant 81 : i32
    %get3A_824 = arith.index_cast %get3A_823 : i32 to index
    %get3A_825 = arith.constant 0 : index
    %get3A_826 = tpu.vector_load %arg8[%get3A_824, %get3A_825] {strides = array<i32>} : memref<128x16xi32, #tpu.memory_space<vmem>>, vector<16xi32>,
    tpu.vector_store_idx %arg7[%broadcast_in_dim3A_822, %get3A_826], %broadcast_in_dim3A_5 : memref<16x2048xf32, #tpu.memory_space<vmem>>[vector<16xi32>, vector<16xi32>], vector<16xf32>,
    %broadcast_in_dim3A_827 = arith.constant 2 : i32
    %broadcast_in_dim3A_828 = vector.broadcast %broadcast_in_dim3A_827 : i32 to vector<16xi32>
    %get3A_829 = arith.constant 82 : i32
    %get3A_830 = arith.index_cast %get3A_829 : i32 to index
    %get3A_831 = arith.constant 0 : index
    %get3A_832 = tpu.vector_load %arg8[%get3A_830, %get3A_831] {strides = array<i32>} : memref<128x16xi32, #tpu.memory_space<vmem>>, vector<16xi32>,
    tpu.vector_store_idx %arg7[%broadcast_in_dim3A_828, %get3A_832], %broadcast_in_dim3A_5 : memref<16x2048xf32, #tpu.memory_space<vmem>>[vector<16xi32>, vector<16xi32>], vector<16xf32>,
    %broadcast_in_dim3A_833 = arith.constant 3 : i32
    %broadcast_in_dim3A_834 = vector.broadcast %broadcast_in_dim3A_833 : i32 to vector<16xi32>
    %get3A_835 = arith.constant 83 : i32
    %get3A_836 = arith.index_cast %get3A_835 : i32 to index
    %get3A_837 = arith.constant 0 : index
    %get3A_838 = tpu.vector_load %arg8[%get3A_836, %get3A_837] {strides = array<i32>} : memref<128x16xi32, #tpu.memory_space<vmem>>, vector<16xi32>,
    tpu.vector_store_idx %arg7[%broadcast_in_dim3A_834, %get3A_838], %broadcast_in_dim3A_5 : memref<16x2048xf32, #tpu.memory_space<vmem>>[vector<16xi32>, vector<16xi32>], vector<16xf32>,
    %broadcast_in_dim3A_839 = arith.constant 4 : i32
    %broadcast_in_dim3A_840 = vector.broadcast %broadcast_in_dim3A_839 : i32 to vector<16xi32>
    %get3A_841 = arith.constant 84 : i32
    %get3A_842 = arith.index_cast %get3A_841 : i32 to index
    %get3A_843 = arith.constant 0 : index
    %get3A_844 = tpu.vector_load %arg8[%get3A_842, %get3A_843] {strides = array<i32>} : memref<128x16xi32, #tpu.memory_space<vmem>>, vector<16xi32>,
    tpu.vector_store_idx %arg7[%broadcast_in_dim3A_840, %get3A_844], %broadcast_in_dim3A_5 : memref<16x2048xf32, #tpu.memory_space<vmem>>[vector<16xi32>, vector<16xi32>], vector<16xf32>,
    %broadcast_in_dim3A_845 = arith.constant 5 : i32
    %broadcast_in_dim3A_846 = vector.broadcast %broadcast_in_dim3A_845 : i32 to vector<16xi32>
    %get3A_847 = arith.constant 85 : i32
    %get3A_848 = arith.index_cast %get3A_847 : i32 to index
    %get3A_849 = arith.constant 0 : index
    %get3A_850 = tpu.vector_load %arg8[%get3A_848, %get3A_849] {strides = array<i32>} : memref<128x16xi32, #tpu.memory_space<vmem>>, vector<16xi32>,
    tpu.vector_store_idx %arg7[%broadcast_in_dim3A_846, %get3A_850], %broadcast_in_dim3A_5 : memref<16x2048xf32, #tpu.memory_space<vmem>>[vector<16xi32>, vector<16xi32>], vector<16xf32>,
    %broadcast_in_dim3A_851 = arith.constant 6 : i32
    %broadcast_in_dim3A_852 = vector.broadcast %broadcast_in_dim3A_851 : i32 to vector<16xi32>
    %get3A_853 = arith.constant 86 : i32
    %get3A_854 = arith.index_cast %get3A_853 : i32 to index
    %get3A_855 = arith.constant 0 : index
    %get3A_856 = tpu.vector_load %arg8[%get3A_854, %get3A_855] {strides = array<i32>} : memref<128x16xi32, #tpu.memory_space<vmem>>, vector<16xi32>,
    tpu.vector_store_idx %arg7[%broadcast_in_dim3A_852, %get3A_856], %broadcast_in_dim3A_5 : memref<16x2048xf32, #tpu.memory_space<vmem>>[vector<16xi32>, vector<16xi32>], vector<16xf32>,
    %broadcast_in_dim3A_857 = arith.constant 7 : i32
    %broadcast_in_dim3A_858 = vector.broadcast %broadcast_in_dim3A_857 : i32 to vector<16xi32>
    %get3A_859 = arith.constant 87 : i32
    %get3A_860 = arith.index_cast %get3A_859 : i32 to index
    %get3A_861 = arith.constant 0 : index
    %get3A_862 = tpu.vector_load %arg8[%get3A_860, %get3A_861] {strides = array<i32>} : memref<128x16xi32, #tpu.memory_space<vmem>>, vector<16xi32>,
    tpu.vector_store_idx %arg7[%broadcast_in_dim3A_858, %get3A_862], %broadcast_in_dim3A_5 : memref<16x2048xf32, #tpu.memory_space<vmem>>[vector<16xi32>, vector<16xi32>], vector<16xf32>,
    %broadcast_in_dim3A_863 = arith.constant 8 : i32
    %broadcast_in_dim3A_864 = vector.broadcast %broadcast_in_dim3A_863 : i32 to vector<16xi32>
    %get3A_865 = arith.constant 88 : i32
    %get3A_866 = arith.index_cast %get3A_865 : i32 to index
    %get3A_867 = arith.constant 0 : index
    %get3A_868 = tpu.vector_load %arg8[%get3A_866, %get3A_867] {strides = array<i32>} : memref<128x16xi32, #tpu.memory_space<vmem>>, vector<16xi32>,
    tpu.vector_store_idx %arg7[%broadcast_in_dim3A_864, %get3A_868], %broadcast_in_dim3A_5 : memref<16x2048xf32, #tpu.memory_space<vmem>>[vector<16xi32>, vector<16xi32>], vector<16xf32>,
    %broadcast_in_dim3A_869 = arith.constant 9 : i32
    %broadcast_in_dim3A_870 = vector.broadcast %broadcast_in_dim3A_869 : i32 to vector<16xi32>
    %get3A_871 = arith.constant 89 : i32
    %get3A_872 = arith.index_cast %get3A_871 : i32 to index
    %get3A_873 = arith.constant 0 : index
    %get3A_874 = tpu.vector_load %arg8[%get3A_872, %get3A_873] {strides = array<i32>} : memref<128x16xi32, #tpu.memory_space<vmem>>, vector<16xi32>,
    tpu.vector_store_idx %arg7[%broadcast_in_dim3A_870, %get3A_874], %broadcast_in_dim3A_5 : memref<16x2048xf32, #tpu.memory_space<vmem>>[vector<16xi32>, vector<16xi32>], vector<16xf32>,
    %broadcast_in_dim3A_875 = arith.constant 10 : i32
    %broadcast_in_dim3A_876 = vector.broadcast %broadcast_in_dim3A_875 : i32 to vector<16xi32>
    %get3A_877 = arith.constant 90 : i32
    %get3A_878 = arith.index_cast %get3A_877 : i32 to index
    %get3A_879 = arith.constant 0 : index
    %get3A_880 = tpu.vector_load %arg8[%get3A_878, %get3A_879] {strides = array<i32>} : memref<128x16xi32, #tpu.memory_space<vmem>>, vector<16xi32>,
    tpu.vector_store_idx %arg7[%broadcast_in_dim3A_876, %get3A_880], %broadcast_in_dim3A_5 : memref<16x2048xf32, #tpu.memory_space<vmem>>[vector<16xi32>, vector<16xi32>], vector<16xf32>,
    %broadcast_in_dim3A_881 = arith.constant 11 : i32
    %broadcast_in_dim3A_882 = vector.broadcast %broadcast_in_dim3A_881 : i32 to vector<16xi32>
    %get3A_883 = arith.constant 91 : i32
    %get3A_884 = arith.index_cast %get3A_883 : i32 to index
    %get3A_885 = arith.constant 0 : index
    %get3A_886 = tpu.vector_load %arg8[%get3A_884, %get3A_885] {strides = array<i32>} : memref<128x16xi32, #tpu.memory_space<vmem>>, vector<16xi32>,
    tpu.vector_store_idx %arg7[%broadcast_in_dim3A_882, %get3A_886], %broadcast_in_dim3A_5 : memref<16x2048xf32, #tpu.memory_space<vmem>>[vector<16xi32>, vector<16xi32>], vector<16xf32>,
    %broadcast_in_dim3A_887 = arith.constant 12 : i32
    %broadcast_in_dim3A_888 = vector.broadcast %broadcast_in_dim3A_887 : i32 to vector<16xi32>
    %get3A_889 = arith.constant 92 : i32
    %get3A_890 = arith.index_cast %get3A_889 : i32 to index
    %get3A_891 = arith.constant 0 : index
    %get3A_892 = tpu.vector_load %arg8[%get3A_890, %get3A_891] {strides = array<i32>} : memref<128x16xi32, #tpu.memory_space<vmem>>, vector<16xi32>,
    tpu.vector_store_idx %arg7[%broadcast_in_dim3A_888, %get3A_892], %broadcast_in_dim3A_5 : memref<16x2048xf32, #tpu.memory_space<vmem>>[vector<16xi32>, vector<16xi32>], vector<16xf32>,
    %broadcast_in_dim3A_893 = arith.constant 13 : i32
    %broadcast_in_dim3A_894 = vector.broadcast %broadcast_in_dim3A_893 : i32 to vector<16xi32>
    %get3A_895 = arith.constant 93 : i32
    %get3A_896 = arith.index_cast %get3A_895 : i32 to index
    %get3A_897 = arith.constant 0 : index
    %get3A_898 = tpu.vector_load %arg8[%get3A_896, %get3A_897] {strides = array<i32>} : memref<128x16xi32, #tpu.memory_space<vmem>>, vector<16xi32>,
    tpu.vector_store_idx %arg7[%broadcast_in_dim3A_894, %get3A_898], %broadcast_in_dim3A_5 : memref<16x2048xf32, #tpu.memory_space<vmem>>[vector<16xi32>, vector<16xi32>], vector<16xf32>,
    %broadcast_in_dim3A_899 = arith.constant 14 : i32
    %broadcast_in_dim3A_900 = vector.broadcast %broadcast_in_dim3A_899 : i32 to vector<16xi32>
    %get3A_901 = arith.constant 94 : i32
    %get3A_902 = arith.index_cast %get3A_901 : i32 to index
    %get3A_903 = arith.constant 0 : index
    %get3A_904 = tpu.vector_load %arg8[%get3A_902, %get3A_903] {strides = array<i32>} : memref<128x16xi32, #tpu.memory_space<vmem>>, vector<16xi32>,
    tpu.vector_store_idx %arg7[%broadcast_in_dim3A_900, %get3A_904], %broadcast_in_dim3A_5 : memref<16x2048xf32, #tpu.memory_space<vmem>>[vector<16xi32>, vector<16xi32>], vector<16xf32>,
    %broadcast_in_dim3A_905 = arith.constant 15 : i32
    %broadcast_in_dim3A_906 = vector.broadcast %broadcast_in_dim3A_905 : i32 to vector<16xi32>
    %get3A_907 = arith.constant 95 : i32
    %get3A_908 = arith.index_cast %get3A_907 : i32 to index
    %get3A_909 = arith.constant 0 : index
    %get3A_910 = tpu.vector_load %arg8[%get3A_908, %get3A_909] {strides = array<i32>} : memref<128x16xi32, #tpu.memory_space<vmem>>, vector<16xi32>,
    tpu.vector_store_idx %arg7[%broadcast_in_dim3A_906, %get3A_910], %broadcast_in_dim3A_5 : memref<16x2048xf32, #tpu.memory_space<vmem>>[vector<16xi32>, vector<16xi32>], vector<16xf32>,
    %dma_start3A_911 = arith.constant 0 : i32
    %dma_start3A_912 = tpu.memref_slice %arg4[%add3A_714, %dma_start3A_911] : memref<4096x2048xf32, #tpu.memory_space<hbm>> -> memref<16x2048xf32, #tpu.memory_space<hbm>>
    %dma_start3A_913 = arith.constant 0 : i32
    %dma_start3A_914 = tpu.memref_slice %arg4[%add3A_714, %dma_start3A_913] : memref<4096x2048xf32, #tpu.memory_space<hbm>> -> memref<16x2048xf32, #tpu.memory_space<hbm>>
    tpu.enqueue_dma source(%arg7 : memref<16x2048xf32, #tpu.memory_space<vmem>>) target(%dma_start3A_914 : memref<16x2048xf32, #tpu.memory_space<hbm>>) target_semaphore(%arg11 : memref<!tpu.dma_semaphore, #tpu.memory_space<semaphore_mem>>)
    %add3A_915 = arith.constant 96 : i32
    %add3A_916 = arith.addi %mul3A_2, %add3A_915 : i32
    %dma_wait3A_917 = arith.constant 0 : i32
    %dma_wait3A_918 = tpu.memref_slice %arg4[%add3A_311, %dma_wait3A_917] : memref<4096x2048xf32, #tpu.memory_space<hbm>> -> memref<16x2048xf32, #tpu.memory_space<hbm>>
    %dma_wait3A_919 = arith.constant 0 : i32
    %dma_wait3A_920 = tpu.memref_slice %arg4[%add3A_311, %dma_wait3A_919] : memref<4096x2048xf32, #tpu.memory_space<hbm>> -> memref<16x2048xf32, #tpu.memory_space<hbm>>
    tpu.wait_dma2 semaphore(%arg9 : memref<!tpu.dma_semaphore, #tpu.memory_space<semaphore_mem>>) src(%arg5 : memref<16x2048xf32, #tpu.memory_space<vmem>>) dst(%dma_wait3A_920 : memref<16x2048xf32, #tpu.memory_space<hbm>>)
    %broadcast_in_dim3A_921 = arith.constant 0 : i32
    %broadcast_in_dim3A_922 = vector.broadcast %broadcast_in_dim3A_921 : i32 to vector<16xi32>
    %get3A_923 = arith.constant 48 : i32
    %get3A_924 = arith.index_cast %get3A_923 : i32 to index
    %get3A_925 = arith.constant 0 : index
    %get3A_926 = tpu.vector_load %arg8[%get3A_924, %get3A_925] {strides = array<i32>} : memref<128x16xi32, #tpu.memory_space<vmem>>, vector<16xi32>,
    tpu.vector_store_idx %arg5[%broadcast_in_dim3A_922, %get3A_926], %broadcast_in_dim3A_3 : memref<16x2048xf32, #tpu.memory_space<vmem>>[vector<16xi32>, vector<16xi32>], vector<16xf32>,
    %broadcast_in_dim3A_927 = arith.constant 1 : i32
    %broadcast_in_dim3A_928 = vector.broadcast %broadcast_in_dim3A_927 : i32 to vector<16xi32>
    %get3A_929 = arith.constant 49 : i32
    %get3A_930 = arith.index_cast %get3A_929 : i32 to index
    %get3A_931 = arith.constant 0 : index
    %get3A_932 = tpu.vector_load %arg8[%get3A_930, %get3A_931] {strides = array<i32>} : memref<128x16xi32, #tpu.memory_space<vmem>>, vector<16xi32>,
    tpu.vector_store_idx %arg5[%broadcast_in_dim3A_928, %get3A_932], %broadcast_in_dim3A_3 : memref<16x2048xf32, #tpu.memory_space<vmem>>[vector<16xi32>, vector<16xi32>], vector<16xf32>,
    %broadcast_in_dim3A_933 = arith.constant 2 : i32
    %broadcast_in_dim3A_934 = vector.broadcast %broadcast_in_dim3A_933 : i32 to vector<16xi32>
    %get3A_935 = arith.constant 50 : i32
    %get3A_936 = arith.index_cast %get3A_935 : i32 to index
    %get3A_937 = arith.constant 0 : index
    %get3A_938 = tpu.vector_load %arg8[%get3A_936, %get3A_937] {strides = array<i32>} : memref<128x16xi32, #tpu.memory_space<vmem>>, vector<16xi32>,
    tpu.vector_store_idx %arg5[%broadcast_in_dim3A_934, %get3A_938], %broadcast_in_dim3A_3 : memref<16x2048xf32, #tpu.memory_space<vmem>>[vector<16xi32>, vector<16xi32>], vector<16xf32>,
    %broadcast_in_dim3A_939 = arith.constant 3 : i32
    %broadcast_in_dim3A_940 = vector.broadcast %broadcast_in_dim3A_939 : i32 to vector<16xi32>
    %get3A_941 = arith.constant 51 : i32
    %get3A_942 = arith.index_cast %get3A_941 : i32 to index
    %get3A_943 = arith.constant 0 : index
    %get3A_944 = tpu.vector_load %arg8[%get3A_942, %get3A_943] {strides = array<i32>} : memref<128x16xi32, #tpu.memory_space<vmem>>, vector<16xi32>,
    tpu.vector_store_idx %arg5[%broadcast_in_dim3A_940, %get3A_944], %broadcast_in_dim3A_3 : memref<16x2048xf32, #tpu.memory_space<vmem>>[vector<16xi32>, vector<16xi32>], vector<16xf32>,
    %broadcast_in_dim3A_945 = arith.constant 4 : i32
    %broadcast_in_dim3A_946 = vector.broadcast %broadcast_in_dim3A_945 : i32 to vector<16xi32>
    %get3A_947 = arith.constant 52 : i32
    %get3A_948 = arith.index_cast %get3A_947 : i32 to index
    %get3A_949 = arith.constant 0 : index
    %get3A_950 = tpu.vector_load %arg8[%get3A_948, %get3A_949] {strides = array<i32>} : memref<128x16xi32, #tpu.memory_space<vmem>>, vector<16xi32>,
    tpu.vector_store_idx %arg5[%broadcast_in_dim3A_946, %get3A_950], %broadcast_in_dim3A_3 : memref<16x2048xf32, #tpu.memory_space<vmem>>[vector<16xi32>, vector<16xi32>], vector<16xf32>,
    %broadcast_in_dim3A_951 = arith.constant 5 : i32
    %broadcast_in_dim3A_952 = vector.broadcast %broadcast_in_dim3A_951 : i32 to vector<16xi32>
    %get3A_953 = arith.constant 53 : i32
    %get3A_954 = arith.index_cast %get3A_953 : i32 to index
    %get3A_955 = arith.constant 0 : index
    %get3A_956 = tpu.vector_load %arg8[%get3A_954, %get3A_955] {strides = array<i32>} : memref<128x16xi32, #tpu.memory_space<vmem>>, vector<16xi32>,
    tpu.vector_store_idx %arg5[%broadcast_in_dim3A_952, %get3A_956], %broadcast_in_dim3A_3 : memref<16x2048xf32, #tpu.memory_space<vmem>>[vector<16xi32>, vector<16xi32>], vector<16xf32>,
    %broadcast_in_dim3A_957 = arith.constant 6 : i32
    %broadcast_in_dim3A_958 = vector.broadcast %broadcast_in_dim3A_957 : i32 to vector<16xi32>
    %get3A_959 = arith.constant 54 : i32
    %get3A_960 = arith.index_cast %get3A_959 : i32 to index
    %get3A_961 = arith.constant 0 : index
    %get3A_962 = tpu.vector_load %arg8[%get3A_960, %get3A_961] {strides = array<i32>} : memref<128x16xi32, #tpu.memory_space<vmem>>, vector<16xi32>,
    tpu.vector_store_idx %arg5[%broadcast_in_dim3A_958, %get3A_962], %broadcast_in_dim3A_3 : memref<16x2048xf32, #tpu.memory_space<vmem>>[vector<16xi32>, vector<16xi32>], vector<16xf32>,
    %broadcast_in_dim3A_963 = arith.constant 7 : i32
    %broadcast_in_dim3A_964 = vector.broadcast %broadcast_in_dim3A_963 : i32 to vector<16xi32>
    %get3A_965 = arith.constant 55 : i32
    %get3A_966 = arith.index_cast %get3A_965 : i32 to index
    %get3A_967 = arith.constant 0 : index
    %get3A_968 = tpu.vector_load %arg8[%get3A_966, %get3A_967] {strides = array<i32>} : memref<128x16xi32, #tpu.memory_space<vmem>>, vector<16xi32>,
    tpu.vector_store_idx %arg5[%broadcast_in_dim3A_964, %get3A_968], %broadcast_in_dim3A_3 : memref<16x2048xf32, #tpu.memory_space<vmem>>[vector<16xi32>, vector<16xi32>], vector<16xf32>,
    %broadcast_in_dim3A_969 = arith.constant 8 : i32
    %broadcast_in_dim3A_970 = vector.broadcast %broadcast_in_dim3A_969 : i32 to vector<16xi32>
    %get3A_971 = arith.constant 56 : i32
    %get3A_972 = arith.index_cast %get3A_971 : i32 to index
    %get3A_973 = arith.constant 0 : index
    %get3A_974 = tpu.vector_load %arg8[%get3A_972, %get3A_973] {strides = array<i32>} : memref<128x16xi32, #tpu.memory_space<vmem>>, vector<16xi32>,
    tpu.vector_store_idx %arg5[%broadcast_in_dim3A_970, %get3A_974], %broadcast_in_dim3A_3 : memref<16x2048xf32, #tpu.memory_space<vmem>>[vector<16xi32>, vector<16xi32>], vector<16xf32>,
    %broadcast_in_dim3A_975 = arith.constant 9 : i32
    %broadcast_in_dim3A_976 = vector.broadcast %broadcast_in_dim3A_975 : i32 to vector<16xi32>
    %get3A_977 = arith.constant 57 : i32
    %get3A_978 = arith.index_cast %get3A_977 : i32 to index
    %get3A_979 = arith.constant 0 : index
    %get3A_980 = tpu.vector_load %arg8[%get3A_978, %get3A_979] {strides = array<i32>} : memref<128x16xi32, #tpu.memory_space<vmem>>, vector<16xi32>,
    tpu.vector_store_idx %arg5[%broadcast_in_dim3A_976, %get3A_980], %broadcast_in_dim3A_3 : memref<16x2048xf32, #tpu.memory_space<vmem>>[vector<16xi32>, vector<16xi32>], vector<16xf32>,
    %broadcast_in_dim3A_981 = arith.constant 10 : i32
    %broadcast_in_dim3A_982 = vector.broadcast %broadcast_in_dim3A_981 : i32 to vector<16xi32>
    %get3A_983 = arith.constant 58 : i32
    %get3A_984 = arith.index_cast %get3A_983 : i32 to index
    %get3A_985 = arith.constant 0 : index
    %get3A_986 = tpu.vector_load %arg8[%get3A_984, %get3A_985] {strides = array<i32>} : memref<128x16xi32, #tpu.memory_space<vmem>>, vector<16xi32>,
    tpu.vector_store_idx %arg5[%broadcast_in_dim3A_982, %get3A_986], %broadcast_in_dim3A_3 : memref<16x2048xf32, #tpu.memory_space<vmem>>[vector<16xi32>, vector<16xi32>], vector<16xf32>,
    %broadcast_in_dim3A_987 = arith.constant 11 : i32
    %broadcast_in_dim3A_988 = vector.broadcast %broadcast_in_dim3A_987 : i32 to vector<16xi32>
    %get3A_989 = arith.constant 59 : i32
    %get3A_990 = arith.index_cast %get3A_989 : i32 to index
    %get3A_991 = arith.constant 0 : index
    %get3A_992 = tpu.vector_load %arg8[%get3A_990, %get3A_991] {strides = array<i32>} : memref<128x16xi32, #tpu.memory_space<vmem>>, vector<16xi32>,
    tpu.vector_store_idx %arg5[%broadcast_in_dim3A_988, %get3A_992], %broadcast_in_dim3A_3 : memref<16x2048xf32, #tpu.memory_space<vmem>>[vector<16xi32>, vector<16xi32>], vector<16xf32>,
    %broadcast_in_dim3A_993 = arith.constant 12 : i32
    %broadcast_in_dim3A_994 = vector.broadcast %broadcast_in_dim3A_993 : i32 to vector<16xi32>
    %get3A_995 = arith.constant 60 : i32
    %get3A_996 = arith.index_cast %get3A_995 : i32 to index
    %get3A_997 = arith.constant 0 : index
    %get3A_998 = tpu.vector_load %arg8[%get3A_996, %get3A_997] {strides = array<i32>} : memref<128x16xi32, #tpu.memory_space<vmem>>, vector<16xi32>,
    tpu.vector_store_idx %arg5[%broadcast_in_dim3A_994, %get3A_998], %broadcast_in_dim3A_3 : memref<16x2048xf32, #tpu.memory_space<vmem>>[vector<16xi32>, vector<16xi32>], vector<16xf32>,
    %broadcast_in_dim3A_999 = arith.constant 13 : i32
    %broadcast_in_dim3A_1000 = vector.broadcast %broadcast_in_dim3A_999 : i32 to vector<16xi32>
    %get3A_1001 = arith.constant 61 : i32
    %get3A_1002 = arith.index_cast %get3A_1001 : i32 to index
    %get3A_1003 = arith.constant 0 : index
    %get3A_1004 = tpu.vector_load %arg8[%get3A_1002, %get3A_1003] {strides = array<i32>} : memref<128x16xi32, #tpu.memory_space<vmem>>, vector<16xi32>,
    tpu.vector_store_idx %arg5[%broadcast_in_dim3A_1000, %get3A_1004], %broadcast_in_dim3A_3 : memref<16x2048xf32, #tpu.memory_space<vmem>>[vector<16xi32>, vector<16xi32>], vector<16xf32>,
    %broadcast_in_dim3A_1005 = arith.constant 14 : i32
    %broadcast_in_dim3A_1006 = vector.broadcast %broadcast_in_dim3A_1005 : i32 to vector<16xi32>
    %get3A_1007 = arith.constant 62 : i32
    %get3A_1008 = arith.index_cast %get3A_1007 : i32 to index
    %get3A_1009 = arith.constant 0 : index
    %get3A_1010 = tpu.vector_load %arg8[%get3A_1008, %get3A_1009] {strides = array<i32>} : memref<128x16xi32, #tpu.memory_space<vmem>>, vector<16xi32>,
    tpu.vector_store_idx %arg5[%broadcast_in_dim3A_1006, %get3A_1010], %broadcast_in_dim3A_3 : memref<16x2048xf32, #tpu.memory_space<vmem>>[vector<16xi32>, vector<16xi32>], vector<16xf32>,
    %broadcast_in_dim3A_1011 = arith.constant 15 : i32
    %broadcast_in_dim3A_1012 = vector.broadcast %broadcast_in_dim3A_1011 : i32 to vector<16xi32>
    %get3A_1013 = arith.constant 63 : i32
    %get3A_1014 = arith.index_cast %get3A_1013 : i32 to index
    %get3A_1015 = arith.constant 0 : index
    %get3A_1016 = tpu.vector_load %arg8[%get3A_1014, %get3A_1015] {strides = array<i32>} : memref<128x16xi32, #tpu.memory_space<vmem>>, vector<16xi32>,
    tpu.vector_store_idx %arg5[%broadcast_in_dim3A_1012, %get3A_1016], %broadcast_in_dim3A_3 : memref<16x2048xf32, #tpu.memory_space<vmem>>[vector<16xi32>, vector<16xi32>], vector<16xf32>,
    %broadcast_in_dim3A_1017 = arith.constant 0 : i32
    %broadcast_in_dim3A_1018 = vector.broadcast %broadcast_in_dim3A_1017 : i32 to vector<16xi32>
    %get3A_1019 = arith.constant 96 : i32
    %get3A_1020 = arith.index_cast %get3A_1019 : i32 to index
    %get3A_1021 = arith.constant 0 : index
    %get3A_1022 = tpu.vector_load %arg8[%get3A_1020, %get3A_1021] {strides = array<i32>} : memref<128x16xi32, #tpu.memory_space<vmem>>, vector<16xi32>,
    tpu.vector_store_idx %arg5[%broadcast_in_dim3A_1018, %get3A_1022], %broadcast_in_dim3A_5 : memref<16x2048xf32, #tpu.memory_space<vmem>>[vector<16xi32>, vector<16xi32>], vector<16xf32>,
    %broadcast_in_dim3A_1023 = arith.constant 1 : i32
    %broadcast_in_dim3A_1024 = vector.broadcast %broadcast_in_dim3A_1023 : i32 to vector<16xi32>
    %get3A_1025 = arith.constant 97 : i32
    %get3A_1026 = arith.index_cast %get3A_1025 : i32 to index
    %get3A_1027 = arith.constant 0 : index
    %get3A_1028 = tpu.vector_load %arg8[%get3A_1026, %get3A_1027] {strides = array<i32>} : memref<128x16xi32, #tpu.memory_space<vmem>>, vector<16xi32>,
    tpu.vector_store_idx %arg5[%broadcast_in_dim3A_1024, %get3A_1028], %broadcast_in_dim3A_5 : memref<16x2048xf32, #tpu.memory_space<vmem>>[vector<16xi32>, vector<16xi32>], vector<16xf32>,
    %broadcast_in_dim3A_1029 = arith.constant 2 : i32
    %broadcast_in_dim3A_1030 = vector.broadcast %broadcast_in_dim3A_1029 : i32 to vector<16xi32>
    %get3A_1031 = arith.constant 98 : i32
    %get3A_1032 = arith.index_cast %get3A_1031 : i32 to index
    %get3A_1033 = arith.constant 0 : index
    %get3A_1034 = tpu.vector_load %arg8[%get3A_1032, %get3A_1033] {strides = array<i32>} : memref<128x16xi32, #tpu.memory_space<vmem>>, vector<16xi32>,
    tpu.vector_store_idx %arg5[%broadcast_in_dim3A_1030, %get3A_1034], %broadcast_in_dim3A_5 : memref<16x2048xf32, #tpu.memory_space<vmem>>[vector<16xi32>, vector<16xi32>], vector<16xf32>,
    %broadcast_in_dim3A_1035 = arith.constant 3 : i32
    %broadcast_in_dim3A_1036 = vector.broadcast %broadcast_in_dim3A_1035 : i32 to vector<16xi32>
    %get3A_1037 = arith.constant 99 : i32
    %get3A_1038 = arith.index_cast %get3A_1037 : i32 to index
    %get3A_1039 = arith.constant 0 : index
    %get3A_1040 = tpu.vector_load %arg8[%get3A_1038, %get3A_1039] {strides = array<i32>} : memref<128x16xi32, #tpu.memory_space<vmem>>, vector<16xi32>,
    tpu.vector_store_idx %arg5[%broadcast_in_dim3A_1036, %get3A_1040], %broadcast_in_dim3A_5 : memref<16x2048xf32, #tpu.memory_space<vmem>>[vector<16xi32>, vector<16xi32>], vector<16xf32>,
    %broadcast_in_dim3A_1041 = arith.constant 4 : i32
    %broadcast_in_dim3A_1042 = vector.broadcast %broadcast_in_dim3A_1041 : i32 to vector<16xi32>
    %get3A_1043 = arith.constant 100 : i32
    %get3A_1044 = arith.index_cast %get3A_1043 : i32 to index
    %get3A_1045 = arith.constant 0 : index
    %get3A_1046 = tpu.vector_load %arg8[%get3A_1044, %get3A_1045] {strides = array<i32>} : memref<128x16xi32, #tpu.memory_space<vmem>>, vector<16xi32>,
    tpu.vector_store_idx %arg5[%broadcast_in_dim3A_1042, %get3A_1046], %broadcast_in_dim3A_5 : memref<16x2048xf32, #tpu.memory_space<vmem>>[vector<16xi32>, vector<16xi32>], vector<16xf32>,
    %broadcast_in_dim3A_1047 = arith.constant 5 : i32
    %broadcast_in_dim3A_1048 = vector.broadcast %broadcast_in_dim3A_1047 : i32 to vector<16xi32>
    %get3A_1049 = arith.constant 101 : i32
    %get3A_1050 = arith.index_cast %get3A_1049 : i32 to index
    %get3A_1051 = arith.constant 0 : index
    %get3A_1052 = tpu.vector_load %arg8[%get3A_1050, %get3A_1051] {strides = array<i32>} : memref<128x16xi32, #tpu.memory_space<vmem>>, vector<16xi32>,
    tpu.vector_store_idx %arg5[%broadcast_in_dim3A_1048, %get3A_1052], %broadcast_in_dim3A_5 : memref<16x2048xf32, #tpu.memory_space<vmem>>[vector<16xi32>, vector<16xi32>], vector<16xf32>,
    %broadcast_in_dim3A_1053 = arith.constant 6 : i32
    %broadcast_in_dim3A_1054 = vector.broadcast %broadcast_in_dim3A_1053 : i32 to vector<16xi32>
    %get3A_1055 = arith.constant 102 : i32
    %get3A_1056 = arith.index_cast %get3A_1055 : i32 to index
    %get3A_1057 = arith.constant 0 : index
    %get3A_1058 = tpu.vector_load %arg8[%get3A_1056, %get3A_1057] {strides = array<i32>} : memref<128x16xi32, #tpu.memory_space<vmem>>, vector<16xi32>,
    tpu.vector_store_idx %arg5[%broadcast_in_dim3A_1054, %get3A_1058], %broadcast_in_dim3A_5 : memref<16x2048xf32, #tpu.memory_space<vmem>>[vector<16xi32>, vector<16xi32>], vector<16xf32>,
    %broadcast_in_dim3A_1059 = arith.constant 7 : i32
    %broadcast_in_dim3A_1060 = vector.broadcast %broadcast_in_dim3A_1059 : i32 to vector<16xi32>
    %get3A_1061 = arith.constant 103 : i32
    %get3A_1062 = arith.index_cast %get3A_1061 : i32 to index
    %get3A_1063 = arith.constant 0 : index
    %get3A_1064 = tpu.vector_load %arg8[%get3A_1062, %get3A_1063] {strides = array<i32>} : memref<128x16xi32, #tpu.memory_space<vmem>>, vector<16xi32>,
    tpu.vector_store_idx %arg5[%broadcast_in_dim3A_1060, %get3A_1064], %broadcast_in_dim3A_5 : memref<16x2048xf32, #tpu.memory_space<vmem>>[vector<16xi32>, vector<16xi32>], vector<16xf32>,
    %broadcast_in_dim3A_1065 = arith.constant 8 : i32
    %broadcast_in_dim3A_1066 = vector.broadcast %broadcast_in_dim3A_1065 : i32 to vector<16xi32>
    %get3A_1067 = arith.constant 104 : i32
    %get3A_1068 = arith.index_cast %get3A_1067 : i32 to index
    %get3A_1069 = arith.constant 0 : index
    %get3A_1070 = tpu.vector_load %arg8[%get3A_1068, %get3A_1069] {strides = array<i32>} : memref<128x16xi32, #tpu.memory_space<vmem>>, vector<16xi32>,
    tpu.vector_store_idx %arg5[%broadcast_in_dim3A_1066, %get3A_1070], %broadcast_in_dim3A_5 : memref<16x2048xf32, #tpu.memory_space<vmem>>[vector<16xi32>, vector<16xi32>], vector<16xf32>,
    %broadcast_in_dim3A_1071 = arith.constant 9 : i32
    %broadcast_in_dim3A_1072 = vector.broadcast %broadcast_in_dim3A_1071 : i32 to vector<16xi32>
    %get3A_1073 = arith.constant 105 : i32
    %get3A_1074 = arith.index_cast %get3A_1073 : i32 to index
    %get3A_1075 = arith.constant 0 : index
    %get3A_1076 = tpu.vector_load %arg8[%get3A_1074, %get3A_1075] {strides = array<i32>} : memref<128x16xi32, #tpu.memory_space<vmem>>, vector<16xi32>,
    tpu.vector_store_idx %arg5[%broadcast_in_dim3A_1072, %get3A_1076], %broadcast_in_dim3A_5 : memref<16x2048xf32, #tpu.memory_space<vmem>>[vector<16xi32>, vector<16xi32>], vector<16xf32>,
    %broadcast_in_dim3A_1077 = arith.constant 10 : i32
    %broadcast_in_dim3A_1078 = vector.broadcast %broadcast_in_dim3A_1077 : i32 to vector<16xi32>
    %get3A_1079 = arith.constant 106 : i32
    %get3A_1080 = arith.index_cast %get3A_1079 : i32 to index
    %get3A_1081 = arith.constant 0 : index
    %get3A_1082 = tpu.vector_load %arg8[%get3A_1080, %get3A_1081] {strides = array<i32>} : memref<128x16xi32, #tpu.memory_space<vmem>>, vector<16xi32>,
    tpu.vector_store_idx %arg5[%broadcast_in_dim3A_1078, %get3A_1082], %broadcast_in_dim3A_5 : memref<16x2048xf32, #tpu.memory_space<vmem>>[vector<16xi32>, vector<16xi32>], vector<16xf32>,
    %broadcast_in_dim3A_1083 = arith.constant 11 : i32
    %broadcast_in_dim3A_1084 = vector.broadcast %broadcast_in_dim3A_1083 : i32 to vector<16xi32>
    %get3A_1085 = arith.constant 107 : i32
    %get3A_1086 = arith.index_cast %get3A_1085 : i32 to index
    %get3A_1087 = arith.constant 0 : index
    %get3A_1088 = tpu.vector_load %arg8[%get3A_1086, %get3A_1087] {strides = array<i32>} : memref<128x16xi32, #tpu.memory_space<vmem>>, vector<16xi32>,
    tpu.vector_store_idx %arg5[%broadcast_in_dim3A_1084, %get3A_1088], %broadcast_in_dim3A_5 : memref<16x2048xf32, #tpu.memory_space<vmem>>[vector<16xi32>, vector<16xi32>], vector<16xf32>,
    %broadcast_in_dim3A_1089 = arith.constant 12 : i32
    %broadcast_in_dim3A_1090 = vector.broadcast %broadcast_in_dim3A_1089 : i32 to vector<16xi32>
    %get3A_1091 = arith.constant 108 : i32
    %get3A_1092 = arith.index_cast %get3A_1091 : i32 to index
    %get3A_1093 = arith.constant 0 : index
    %get3A_1094 = tpu.vector_load %arg8[%get3A_1092, %get3A_1093] {strides = array<i32>} : memref<128x16xi32, #tpu.memory_space<vmem>>, vector<16xi32>,
    tpu.vector_store_idx %arg5[%broadcast_in_dim3A_1090, %get3A_1094], %broadcast_in_dim3A_5 : memref<16x2048xf32, #tpu.memory_space<vmem>>[vector<16xi32>, vector<16xi32>], vector<16xf32>,
    %broadcast_in_dim3A_1095 = arith.constant 13 : i32
    %broadcast_in_dim3A_1096 = vector.broadcast %broadcast_in_dim3A_1095 : i32 to vector<16xi32>
    %get3A_1097 = arith.constant 109 : i32
    %get3A_1098 = arith.index_cast %get3A_1097 : i32 to index
    %get3A_1099 = arith.constant 0 : index
    %get3A_1100 = tpu.vector_load %arg8[%get3A_1098, %get3A_1099] {strides = array<i32>} : memref<128x16xi32, #tpu.memory_space<vmem>>, vector<16xi32>,
    tpu.vector_store_idx %arg5[%broadcast_in_dim3A_1096, %get3A_1100], %broadcast_in_dim3A_5 : memref<16x2048xf32, #tpu.memory_space<vmem>>[vector<16xi32>, vector<16xi32>], vector<16xf32>,
    %broadcast_in_dim3A_1101 = arith.constant 14 : i32
    %broadcast_in_dim3A_1102 = vector.broadcast %broadcast_in_dim3A_1101 : i32 to vector<16xi32>
    %get3A_1103 = arith.constant 110 : i32
    %get3A_1104 = arith.index_cast %get3A_1103 : i32 to index
    %get3A_1105 = arith.constant 0 : index
    %get3A_1106 = tpu.vector_load %arg8[%get3A_1104, %get3A_1105] {strides = array<i32>} : memref<128x16xi32, #tpu.memory_space<vmem>>, vector<16xi32>,
    tpu.vector_store_idx %arg5[%broadcast_in_dim3A_1102, %get3A_1106], %broadcast_in_dim3A_5 : memref<16x2048xf32, #tpu.memory_space<vmem>>[vector<16xi32>, vector<16xi32>], vector<16xf32>,
    %broadcast_in_dim3A_1107 = arith.constant 15 : i32
    %broadcast_in_dim3A_1108 = vector.broadcast %broadcast_in_dim3A_1107 : i32 to vector<16xi32>
    %get3A_1109 = arith.constant 111 : i32
    %get3A_1110 = arith.index_cast %get3A_1109 : i32 to index
    %get3A_1111 = arith.constant 0 : index
    %get3A_1112 = tpu.vector_load %arg8[%get3A_1110, %get3A_1111] {strides = array<i32>} : memref<128x16xi32, #tpu.memory_space<vmem>>, vector<16xi32>,
    tpu.vector_store_idx %arg5[%broadcast_in_dim3A_1108, %get3A_1112], %broadcast_in_dim3A_5 : memref<16x2048xf32, #tpu.memory_space<vmem>>[vector<16xi32>, vector<16xi32>], vector<16xf32>,
    %dma_start3A_1113 = arith.constant 0 : i32
    %dma_start3A_1114 = tpu.memref_slice %arg4[%add3A_916, %dma_start3A_1113] : memref<4096x2048xf32, #tpu.memory_space<hbm>> -> memref<16x2048xf32, #tpu.memory_space<hbm>>
    %dma_start3A_1115 = arith.constant 0 : i32
    %dma_start3A_1116 = tpu.memref_slice %arg4[%add3A_916, %dma_start3A_1115] : memref<4096x2048xf32, #tpu.memory_space<hbm>> -> memref<16x2048xf32, #tpu.memory_space<hbm>>
    tpu.enqueue_dma source(%arg5 : memref<16x2048xf32, #tpu.memory_space<vmem>>) target(%dma_start3A_1116 : memref<16x2048xf32, #tpu.memory_space<hbm>>) target_semaphore(%arg9 : memref<!tpu.dma_semaphore, #tpu.memory_space<semaphore_mem>>)
    %add3A_1117 = arith.constant 112 : i32
    %add3A_1118 = arith.addi %mul3A_2, %add3A_1117 : i32
    %dma_wait3A_1119 = arith.constant 0 : i32
    %dma_wait3A_1120 = tpu.memref_slice %arg4[%add3A_512, %dma_wait3A_1119] : memref<4096x2048xf32, #tpu.memory_space<hbm>> -> memref<16x2048xf32, #tpu.memory_space<hbm>>
    %dma_wait3A_1121 = arith.constant 0 : i32
    %dma_wait3A_1122 = tpu.memref_slice %arg4[%add3A_512, %dma_wait3A_1121] : memref<4096x2048xf32, #tpu.memory_space<hbm>> -> memref<16x2048xf32, #tpu.memory_space<hbm>>
    tpu.wait_dma2 semaphore(%arg10 : memref<!tpu.dma_semaphore, #tpu.memory_space<semaphore_mem>>) src(%arg6 : memref<16x2048xf32, #tpu.memory_space<vmem>>) dst(%dma_wait3A_1122 : memref<16x2048xf32, #tpu.memory_space<hbm>>)
    %broadcast_in_dim3A_1123 = arith.constant 0 : i32
    %broadcast_in_dim3A_1124 = vector.broadcast %broadcast_in_dim3A_1123 : i32 to vector<16xi32>
    %get3A_1125 = arith.constant 64 : i32
    %get3A_1126 = arith.index_cast %get3A_1125 : i32 to index
    %get3A_1127 = arith.constant 0 : index
    %get3A_1128 = tpu.vector_load %arg8[%get3A_1126, %get3A_1127] {strides = array<i32>} : memref<128x16xi32, #tpu.memory_space<vmem>>, vector<16xi32>,
    tpu.vector_store_idx %arg6[%broadcast_in_dim3A_1124, %get3A_1128], %broadcast_in_dim3A_3 : memref<16x2048xf32, #tpu.memory_space<vmem>>[vector<16xi32>, vector<16xi32>], vector<16xf32>,
    %broadcast_in_dim3A_1129 = arith.constant 1 : i32
    %broadcast_in_dim3A_1130 = vector.broadcast %broadcast_in_dim3A_1129 : i32 to vector<16xi32>
    %get3A_1131 = arith.constant 65 : i32
    %get3A_1132 = arith.index_cast %get3A_1131 : i32 to index
    %get3A_1133 = arith.constant 0 : index
    %get3A_1134 = tpu.vector_load %arg8[%get3A_1132, %get3A_1133] {strides = array<i32>} : memref<128x16xi32, #tpu.memory_space<vmem>>, vector<16xi32>,
    tpu.vector_store_idx %arg6[%broadcast_in_dim3A_1130, %get3A_1134], %broadcast_in_dim3A_3 : memref<16x2048xf32, #tpu.memory_space<vmem>>[vector<16xi32>, vector<16xi32>], vector<16xf32>,
    %broadcast_in_dim3A_1135 = arith.constant 2 : i32
    %broadcast_in_dim3A_1136 = vector.broadcast %broadcast_in_dim3A_1135 : i32 to vector<16xi32>
    %get3A_1137 = arith.constant 66 : i32
    %get3A_1138 = arith.index_cast %get3A_1137 : i32 to index
    %get3A_1139 = arith.constant 0 : index
    %get3A_1140 = tpu.vector_load %arg8[%get3A_1138, %get3A_1139] {strides = array<i32>} : memref<128x16xi32, #tpu.memory_space<vmem>>, vector<16xi32>,
    tpu.vector_store_idx %arg6[%broadcast_in_dim3A_1136, %get3A_1140], %broadcast_in_dim3A_3 : memref<16x2048xf32, #tpu.memory_space<vmem>>[vector<16xi32>, vector<16xi32>], vector<16xf32>,
    %broadcast_in_dim3A_1141 = arith.constant 3 : i32
    %broadcast_in_dim3A_1142 = vector.broadcast %broadcast_in_dim3A_1141 : i32 to vector<16xi32>
    %get3A_1143 = arith.constant 67 : i32
    %get3A_1144 = arith.index_cast %get3A_1143 : i32 to index
    %get3A_1145 = arith.constant 0 : index
    %get3A_1146 = tpu.vector_load %arg8[%get3A_1144, %get3A_1145] {strides = array<i32>} : memref<128x16xi32, #tpu.memory_space<vmem>>, vector<16xi32>,
    tpu.vector_store_idx %arg6[%broadcast_in_dim3A_1142, %get3A_1146], %broadcast_in_dim3A_3 : memref<16x2048xf32, #tpu.memory_space<vmem>>[vector<16xi32>, vector<16xi32>], vector<16xf32>,
    %broadcast_in_dim3A_1147 = arith.constant 4 : i32
    %broadcast_in_dim3A_1148 = vector.broadcast %broadcast_in_dim3A_1147 : i32 to vector<16xi32>
    %get3A_1149 = arith.constant 68 : i32
    %get3A_1150 = arith.index_cast %get3A_1149 : i32 to index
    %get3A_1151 = arith.constant 0 : index
    %get3A_1152 = tpu.vector_load %arg8[%get3A_1150, %get3A_1151] {strides = array<i32>} : memref<128x16xi32, #tpu.memory_space<vmem>>, vector<16xi32>,
    tpu.vector_store_idx %arg6[%broadcast_in_dim3A_1148, %get3A_1152], %broadcast_in_dim3A_3 : memref<16x2048xf32, #tpu.memory_space<vmem>>[vector<16xi32>, vector<16xi32>], vector<16xf32>,
    %broadcast_in_dim3A_1153 = arith.constant 5 : i32
    %broadcast_in_dim3A_1154 = vector.broadcast %broadcast_in_dim3A_1153 : i32 to vector<16xi32>
    %get3A_1155 = arith.constant 69 : i32
    %get3A_1156 = arith.index_cast %get3A_1155 : i32 to index
    %get3A_1157 = arith.constant 0 : index
    %get3A_1158 = tpu.vector_load %arg8[%get3A_1156, %get3A_1157] {strides = array<i32>} : memref<128x16xi32, #tpu.memory_space<vmem>>, vector<16xi32>,
    tpu.vector_store_idx %arg6[%broadcast_in_dim3A_1154, %get3A_1158], %broadcast_in_dim3A_3 : memref<16x2048xf32, #tpu.memory_space<vmem>>[vector<16xi32>, vector<16xi32>], vector<16xf32>,
    %broadcast_in_dim3A_1159 = arith.constant 6 : i32
    %broadcast_in_dim3A_1160 = vector.broadcast %broadcast_in_dim3A_1159 : i32 to vector<16xi32>
    %get3A_1161 = arith.constant 70 : i32
    %get3A_1162 = arith.index_cast %get3A_1161 : i32 to index
    %get3A_1163 = arith.constant 0 : index
    %get3A_1164 = tpu.vector_load %arg8[%get3A_1162, %get3A_1163] {strides = array<i32>} : memref<128x16xi32, #tpu.memory_space<vmem>>, vector<16xi32>,
    tpu.vector_store_idx %arg6[%broadcast_in_dim3A_1160, %get3A_1164], %broadcast_in_dim3A_3 : memref<16x2048xf32, #tpu.memory_space<vmem>>[vector<16xi32>, vector<16xi32>], vector<16xf32>,
    %broadcast_in_dim3A_1165 = arith.constant 7 : i32
    %broadcast_in_dim3A_1166 = vector.broadcast %broadcast_in_dim3A_1165 : i32 to vector<16xi32>
    %get3A_1167 = arith.constant 71 : i32
    %get3A_1168 = arith.index_cast %get3A_1167 : i32 to index
    %get3A_1169 = arith.constant 0 : index
    %get3A_1170 = tpu.vector_load %arg8[%get3A_1168, %get3A_1169] {strides = array<i32>} : memref<128x16xi32, #tpu.memory_space<vmem>>, vector<16xi32>,
    tpu.vector_store_idx %arg6[%broadcast_in_dim3A_1166, %get3A_1170], %broadcast_in_dim3A_3 : memref<16x2048xf32, #tpu.memory_space<vmem>>[vector<16xi32>, vector<16xi32>], vector<16xf32>,
    %broadcast_in_dim3A_1171 = arith.constant 8 : i32
    %broadcast_in_dim3A_1172 = vector.broadcast %broadcast_in_dim3A_1171 : i32 to vector<16xi32>
    %get3A_1173 = arith.constant 72 : i32
    %get3A_1174 = arith.index_cast %get3A_1173 : i32 to index
    %get3A_1175 = arith.constant 0 : index
    %get3A_1176 = tpu.vector_load %arg8[%get3A_1174, %get3A_1175] {strides = array<i32>} : memref<128x16xi32, #tpu.memory_space<vmem>>, vector<16xi32>,
    tpu.vector_store_idx %arg6[%broadcast_in_dim3A_1172, %get3A_1176], %broadcast_in_dim3A_3 : memref<16x2048xf32, #tpu.memory_space<vmem>>[vector<16xi32>, vector<16xi32>], vector<16xf32>,
    %broadcast_in_dim3A_1177 = arith.constant 9 : i32
    %broadcast_in_dim3A_1178 = vector.broadcast %broadcast_in_dim3A_1177 : i32 to vector<16xi32>
    %get3A_1179 = arith.constant 73 : i32
    %get3A_1180 = arith.index_cast %get3A_1179 : i32 to index
    %get3A_1181 = arith.constant 0 : index
    %get3A_1182 = tpu.vector_load %arg8[%get3A_1180, %get3A_1181] {strides = array<i32>} : memref<128x16xi32, #tpu.memory_space<vmem>>, vector<16xi32>,
    tpu.vector_store_idx %arg6[%broadcast_in_dim3A_1178, %get3A_1182], %broadcast_in_dim3A_3 : memref<16x2048xf32, #tpu.memory_space<vmem>>[vector<16xi32>, vector<16xi32>], vector<16xf32>,
    %broadcast_in_dim3A_1183 = arith.constant 10 : i32
    %broadcast_in_dim3A_1184 = vector.broadcast %broadcast_in_dim3A_1183 : i32 to vector<16xi32>
    %get3A_1185 = arith.constant 74 : i32
    %get3A_1186 = arith.index_cast %get3A_1185 : i32 to index
    %get3A_1187 = arith.constant 0 : index
    %get3A_1188 = tpu.vector_load %arg8[%get3A_1186, %get3A_1187] {strides = array<i32>} : memref<128x16xi32, #tpu.memory_space<vmem>>, vector<16xi32>,
    tpu.vector_store_idx %arg6[%broadcast_in_dim3A_1184, %get3A_1188], %broadcast_in_dim3A_3 : memref<16x2048xf32, #tpu.memory_space<vmem>>[vector<16xi32>, vector<16xi32>], vector<16xf32>,
    %broadcast_in_dim3A_1189 = arith.constant 11 : i32
    %broadcast_in_dim3A_1190 = vector.broadcast %broadcast_in_dim3A_1189 : i32 to vector<16xi32>
    %get3A_1191 = arith.constant 75 : i32
    %get3A_1192 = arith.index_cast %get3A_1191 : i32 to index
    %get3A_1193 = arith.constant 0 : index
    %get3A_1194 = tpu.vector_load %arg8[%get3A_1192, %get3A_1193] {strides = array<i32>} : memref<128x16xi32, #tpu.memory_space<vmem>>, vector<16xi32>,
    tpu.vector_store_idx %arg6[%broadcast_in_dim3A_1190, %get3A_1194], %broadcast_in_dim3A_3 : memref<16x2048xf32, #tpu.memory_space<vmem>>[vector<16xi32>, vector<16xi32>], vector<16xf32>,
    %broadcast_in_dim3A_1195 = arith.constant 12 : i32
    %broadcast_in_dim3A_1196 = vector.broadcast %broadcast_in_dim3A_1195 : i32 to vector<16xi32>
    %get3A_1197 = arith.constant 76 : i32
    %get3A_1198 = arith.index_cast %get3A_1197 : i32 to index
    %get3A_1199 = arith.constant 0 : index
    %get3A_1200 = tpu.vector_load %arg8[%get3A_1198, %get3A_1199] {strides = array<i32>} : memref<128x16xi32, #tpu.memory_space<vmem>>, vector<16xi32>,
    tpu.vector_store_idx %arg6[%broadcast_in_dim3A_1196, %get3A_1200], %broadcast_in_dim3A_3 : memref<16x2048xf32, #tpu.memory_space<vmem>>[vector<16xi32>, vector<16xi32>], vector<16xf32>,
    %broadcast_in_dim3A_1201 = arith.constant 13 : i32
    %broadcast_in_dim3A_1202 = vector.broadcast %broadcast_in_dim3A_1201 : i32 to vector<16xi32>
    %get3A_1203 = arith.constant 77 : i32
    %get3A_1204 = arith.index_cast %get3A_1203 : i32 to index
    %get3A_1205 = arith.constant 0 : index
    %get3A_1206 = tpu.vector_load %arg8[%get3A_1204, %get3A_1205] {strides = array<i32>} : memref<128x16xi32, #tpu.memory_space<vmem>>, vector<16xi32>,
    tpu.vector_store_idx %arg6[%broadcast_in_dim3A_1202, %get3A_1206], %broadcast_in_dim3A_3 : memref<16x2048xf32, #tpu.memory_space<vmem>>[vector<16xi32>, vector<16xi32>], vector<16xf32>,
    %broadcast_in_dim3A_1207 = arith.constant 14 : i32
    %broadcast_in_dim3A_1208 = vector.broadcast %broadcast_in_dim3A_1207 : i32 to vector<16xi32>
    %get3A_1209 = arith.constant 78 : i32
    %get3A_1210 = arith.index_cast %get3A_1209 : i32 to index
    %get3A_1211 = arith.constant 0 : index
    %get3A_1212 = tpu.vector_load %arg8[%get3A_1210, %get3A_1211] {strides = array<i32>} : memref<128x16xi32, #tpu.memory_space<vmem>>, vector<16xi32>,
    tpu.vector_store_idx %arg6[%broadcast_in_dim3A_1208, %get3A_1212], %broadcast_in_dim3A_3 : memref<16x2048xf32, #tpu.memory_space<vmem>>[vector<16xi32>, vector<16xi32>], vector<16xf32>,
    %broadcast_in_dim3A_1213 = arith.constant 15 : i32
    %broadcast_in_dim3A_1214 = vector.broadcast %broadcast_in_dim3A_1213 : i32 to vector<16xi32>
    %get3A_1215 = arith.constant 79 : i32
    %get3A_1216 = arith.index_cast %get3A_1215 : i32 to index
    %get3A_1217 = arith.constant 0 : index
    %get3A_1218 = tpu.vector_load %arg8[%get3A_1216, %get3A_1217] {strides = array<i32>} : memref<128x16xi32, #tpu.memory_space<vmem>>, vector<16xi32>,
    tpu.vector_store_idx %arg6[%broadcast_in_dim3A_1214, %get3A_1218], %broadcast_in_dim3A_3 : memref<16x2048xf32, #tpu.memory_space<vmem>>[vector<16xi32>, vector<16xi32>], vector<16xf32>,
    %broadcast_in_dim3A_1219 = arith.constant 0 : i32
    %broadcast_in_dim3A_1220 = vector.broadcast %broadcast_in_dim3A_1219 : i32 to vector<16xi32>
    %get3A_1221 = arith.constant 112 : i32
    %get3A_1222 = arith.index_cast %get3A_1221 : i32 to index
    %get3A_1223 = arith.constant 0 : index
    %get3A_1224 = tpu.vector_load %arg8[%get3A_1222, %get3A_1223] {strides = array<i32>} : memref<128x16xi32, #tpu.memory_space<vmem>>, vector<16xi32>,
    tpu.vector_store_idx %arg6[%broadcast_in_dim3A_1220, %get3A_1224], %broadcast_in_dim3A_5 : memref<16x2048xf32, #tpu.memory_space<vmem>>[vector<16xi32>, vector<16xi32>], vector<16xf32>,
    %broadcast_in_dim3A_1225 = arith.constant 1 : i32
    %broadcast_in_dim3A_1226 = vector.broadcast %broadcast_in_dim3A_1225 : i32 to vector<16xi32>
    %get3A_1227 = arith.constant 113 : i32
    %get3A_1228 = arith.index_cast %get3A_1227 : i32 to index
    %get3A_1229 = arith.constant 0 : index
    %get3A_1230 = tpu.vector_load %arg8[%get3A_1228, %get3A_1229] {strides = array<i32>} : memref<128x16xi32, #tpu.memory_space<vmem>>, vector<16xi32>,
    tpu.vector_store_idx %arg6[%broadcast_in_dim3A_1226, %get3A_1230], %broadcast_in_dim3A_5 : memref<16x2048xf32, #tpu.memory_space<vmem>>[vector<16xi32>, vector<16xi32>], vector<16xf32>,
    %broadcast_in_dim3A_1231 = arith.constant 2 : i32
    %broadcast_in_dim3A_1232 = vector.broadcast %broadcast_in_dim3A_1231 : i32 to vector<16xi32>
    %get3A_1233 = arith.constant 114 : i32
    %get3A_1234 = arith.index_cast %get3A_1233 : i32 to index
    %get3A_1235 = arith.constant 0 : index
    %get3A_1236 = tpu.vector_load %arg8[%get3A_1234, %get3A_1235] {strides = array<i32>} : memref<128x16xi32, #tpu.memory_space<vmem>>, vector<16xi32>,
    tpu.vector_store_idx %arg6[%broadcast_in_dim3A_1232, %get3A_1236], %broadcast_in_dim3A_5 : memref<16x2048xf32, #tpu.memory_space<vmem>>[vector<16xi32>, vector<16xi32>], vector<16xf32>,
    %broadcast_in_dim3A_1237 = arith.constant 3 : i32
    %broadcast_in_dim3A_1238 = vector.broadcast %broadcast_in_dim3A_1237 : i32 to vector<16xi32>
    %get3A_1239 = arith.constant 115 : i32
    %get3A_1240 = arith.index_cast %get3A_1239 : i32 to index
    %get3A_1241 = arith.constant 0 : index
    %get3A_1242 = tpu.vector_load %arg8[%get3A_1240, %get3A_1241] {strides = array<i32>} : memref<128x16xi32, #tpu.memory_space<vmem>>, vector<16xi32>,
    tpu.vector_store_idx %arg6[%broadcast_in_dim3A_1238, %get3A_1242], %broadcast_in_dim3A_5 : memref<16x2048xf32, #tpu.memory_space<vmem>>[vector<16xi32>, vector<16xi32>], vector<16xf32>,
    %broadcast_in_dim3A_1243 = arith.constant 4 : i32
    %broadcast_in_dim3A_1244 = vector.broadcast %broadcast_in_dim3A_1243 : i32 to vector<16xi32>
    %get3A_1245 = arith.constant 116 : i32
    %get3A_1246 = arith.index_cast %get3A_1245 : i32 to index
    %get3A_1247 = arith.constant 0 : index
    %get3A_1248 = tpu.vector_load %arg8[%get3A_1246, %get3A_1247] {strides = array<i32>} : memref<128x16xi32, #tpu.memory_space<vmem>>, vector<16xi32>,
    tpu.vector_store_idx %arg6[%broadcast_in_dim3A_1244, %get3A_1248], %broadcast_in_dim3A_5 : memref<16x2048xf32, #tpu.memory_space<vmem>>[vector<16xi32>, vector<16xi32>], vector<16xf32>,
    %broadcast_in_dim3A_1249 = arith.constant 5 : i32
    %broadcast_in_dim3A_1250 = vector.broadcast %broadcast_in_dim3A_1249 : i32 to vector<16xi32>
    %get3A_1251 = arith.constant 117 : i32
    %get3A_1252 = arith.index_cast %get3A_1251 : i32 to index
    %get3A_1253 = arith.constant 0 : index
    %get3A_1254 = tpu.vector_load %arg8[%get3A_1252, %get3A_1253] {strides = array<i32>} : memref<128x16xi32, #tpu.memory_space<vmem>>, vector<16xi32>,
    tpu.vector_store_idx %arg6[%broadcast_in_dim3A_1250, %get3A_1254], %broadcast_in_dim3A_5 : memref<16x2048xf32, #tpu.memory_space<vmem>>[vector<16xi32>, vector<16xi32>], vector<16xf32>,
    %broadcast_in_dim3A_1255 = arith.constant 6 : i32
    %broadcast_in_dim3A_1256 = vector.broadcast %broadcast_in_dim3A_1255 : i32 to vector<16xi32>
    %get3A_1257 = arith.constant 118 : i32
    %get3A_1258 = arith.index_cast %get3A_1257 : i32 to index
    %get3A_1259 = arith.constant 0 : index
    %get3A_1260 = tpu.vector_load %arg8[%get3A_1258, %get3A_1259] {strides = array<i32>} : memref<128x16xi32, #tpu.memory_space<vmem>>, vector<16xi32>,
    tpu.vector_store_idx %arg6[%broadcast_in_dim3A_1256, %get3A_1260], %broadcast_in_dim3A_5 : memref<16x2048xf32, #tpu.memory_space<vmem>>[vector<16xi32>, vector<16xi32>], vector<16xf32>,
    %broadcast_in_dim3A_1261 = arith.constant 7 : i32
    %broadcast_in_dim3A_1262 = vector.broadcast %broadcast_in_dim3A_1261 : i32 to vector<16xi32>
    %get3A_1263 = arith.constant 119 : i32
    %get3A_1264 = arith.index_cast %get3A_1263 : i32 to index
    %get3A_1265 = arith.constant 0 : index
    %get3A_1266 = tpu.vector_load %arg8[%get3A_1264, %get3A_1265] {strides = array<i32>} : memref<128x16xi32, #tpu.memory_space<vmem>>, vector<16xi32>,
    tpu.vector_store_idx %arg6[%broadcast_in_dim3A_1262, %get3A_1266], %broadcast_in_dim3A_5 : memref<16x2048xf32, #tpu.memory_space<vmem>>[vector<16xi32>, vector<16xi32>], vector<16xf32>,
    %broadcast_in_dim3A_1267 = arith.constant 8 : i32
    %broadcast_in_dim3A_1268 = vector.broadcast %broadcast_in_dim3A_1267 : i32 to vector<16xi32>
    %get3A_1269 = arith.constant 120 : i32
    %get3A_1270 = arith.index_cast %get3A_1269 : i32 to index
    %get3A_1271 = arith.constant 0 : index
    %get3A_1272 = tpu.vector_load %arg8[%get3A_1270, %get3A_1271] {strides = array<i32>} : memref<128x16xi32, #tpu.memory_space<vmem>>, vector<16xi32>,
    tpu.vector_store_idx %arg6[%broadcast_in_dim3A_1268, %get3A_1272], %broadcast_in_dim3A_5 : memref<16x2048xf32, #tpu.memory_space<vmem>>[vector<16xi32>, vector<16xi32>], vector<16xf32>,
    %broadcast_in_dim3A_1273 = arith.constant 9 : i32
    %broadcast_in_dim3A_1274 = vector.broadcast %broadcast_in_dim3A_1273 : i32 to vector<16xi32>
    %get3A_1275 = arith.constant 121 : i32
    %get3A_1276 = arith.index_cast %get3A_1275 : i32 to index
    %get3A_1277 = arith.constant 0 : index
    %get3A_1278 = tpu.vector_load %arg8[%get3A_1276, %get3A_1277] {strides = array<i32>} : memref<128x16xi32, #tpu.memory_space<vmem>>, vector<16xi32>,
    tpu.vector_store_idx %arg6[%broadcast_in_dim3A_1274, %get3A_1278], %broadcast_in_dim3A_5 : memref<16x2048xf32, #tpu.memory_space<vmem>>[vector<16xi32>, vector<16xi32>], vector<16xf32>,
    %broadcast_in_dim3A_1279 = arith.constant 10 : i32
    %broadcast_in_dim3A_1280 = vector.broadcast %broadcast_in_dim3A_1279 : i32 to vector<16xi32>
    %get3A_1281 = arith.constant 122 : i32
    %get3A_1282 = arith.index_cast %get3A_1281 : i32 to index
    %get3A_1283 = arith.constant 0 : index
    %get3A_1284 = tpu.vector_load %arg8[%get3A_1282, %get3A_1283] {strides = array<i32>} : memref<128x16xi32, #tpu.memory_space<vmem>>, vector<16xi32>,
    tpu.vector_store_idx %arg6[%broadcast_in_dim3A_1280, %get3A_1284], %broadcast_in_dim3A_5 : memref<16x2048xf32, #tpu.memory_space<vmem>>[vector<16xi32>, vector<16xi32>], vector<16xf32>,
    %broadcast_in_dim3A_1285 = arith.constant 11 : i32
    %broadcast_in_dim3A_1286 = vector.broadcast %broadcast_in_dim3A_1285 : i32 to vector<16xi32>
    %get3A_1287 = arith.constant 123 : i32
    %get3A_1288 = arith.index_cast %get3A_1287 : i32 to index
    %get3A_1289 = arith.constant 0 : index
    %get3A_1290 = tpu.vector_load %arg8[%get3A_1288, %get3A_1289] {strides = array<i32>} : memref<128x16xi32, #tpu.memory_space<vmem>>, vector<16xi32>,
    tpu.vector_store_idx %arg6[%broadcast_in_dim3A_1286, %get3A_1290], %broadcast_in_dim3A_5 : memref<16x2048xf32, #tpu.memory_space<vmem>>[vector<16xi32>, vector<16xi32>], vector<16xf32>,
    %broadcast_in_dim3A_1291 = arith.constant 12 : i32
    %broadcast_in_dim3A_1292 = vector.broadcast %broadcast_in_dim3A_1291 : i32 to vector<16xi32>
    %get3A_1293 = arith.constant 124 : i32
    %get3A_1294 = arith.index_cast %get3A_1293 : i32 to index
    %get3A_1295 = arith.constant 0 : index
    %get3A_1296 = tpu.vector_load %arg8[%get3A_1294, %get3A_1295] {strides = array<i32>} : memref<128x16xi32, #tpu.memory_space<vmem>>, vector<16xi32>,
    tpu.vector_store_idx %arg6[%broadcast_in_dim3A_1292, %get3A_1296], %broadcast_in_dim3A_5 : memref<16x2048xf32, #tpu.memory_space<vmem>>[vector<16xi32>, vector<16xi32>], vector<16xf32>,
    %broadcast_in_dim3A_1297 = arith.constant 13 : i32
    %broadcast_in_dim3A_1298 = vector.broadcast %broadcast_in_dim3A_1297 : i32 to vector<16xi32>
    %get3A_1299 = arith.constant 125 : i32
    %get3A_1300 = arith.index_cast %get3A_1299 : i32 to index
    %get3A_1301 = arith.constant 0 : index
    %get3A_1302 = tpu.vector_load %arg8[%get3A_1300, %get3A_1301] {strides = array<i32>} : memref<128x16xi32, #tpu.memory_space<vmem>>, vector<16xi32>,
    tpu.vector_store_idx %arg6[%broadcast_in_dim3A_1298, %get3A_1302], %broadcast_in_dim3A_5 : memref<16x2048xf32, #tpu.memory_space<vmem>>[vector<16xi32>, vector<16xi32>], vector<16xf32>,
    %broadcast_in_dim3A_1303 = arith.constant 14 : i32
    %broadcast_in_dim3A_1304 = vector.broadcast %broadcast_in_dim3A_1303 : i32 to vector<16xi32>
    %get3A_1305 = arith.constant 126 : i32
    %get3A_1306 = arith.index_cast %get3A_1305 : i32 to index
    %get3A_1307 = arith.constant 0 : index
    %get3A_1308 = tpu.vector_load %arg8[%get3A_1306, %get3A_1307] {strides = array<i32>} : memref<128x16xi32, #tpu.memory_space<vmem>>, vector<16xi32>,
    tpu.vector_store_idx %arg6[%broadcast_in_dim3A_1304, %get3A_1308], %broadcast_in_dim3A_5 : memref<16x2048xf32, #tpu.memory_space<vmem>>[vector<16xi32>, vector<16xi32>], vector<16xf32>,
    %broadcast_in_dim3A_1309 = arith.constant 15 : i32
    %broadcast_in_dim3A_1310 = vector.broadcast %broadcast_in_dim3A_1309 : i32 to vector<16xi32>
    %get3A_1311 = arith.constant 127 : i32
    %get3A_1312 = arith.index_cast %get3A_1311 : i32 to index
    %get3A_1313 = arith.constant 0 : index
    %get3A_1314 = tpu.vector_load %arg8[%get3A_1312, %get3A_1313] {strides = array<i32>} : memref<128x16xi32, #tpu.memory_space<vmem>>, vector<16xi32>,
    tpu.vector_store_idx %arg6[%broadcast_in_dim3A_1310, %get3A_1314], %broadcast_in_dim3A_5 : memref<16x2048xf32, #tpu.memory_space<vmem>>[vector<16xi32>, vector<16xi32>], vector<16xf32>,
    %dma_start3A_1315 = arith.constant 0 : i32
    %dma_start3A_1316 = tpu.memref_slice %arg4[%add3A_1118, %dma_start3A_1315] : memref<4096x2048xf32, #tpu.memory_space<hbm>> -> memref<16x2048xf32, #tpu.memory_space<hbm>>
    %dma_start3A_1317 = arith.constant 0 : i32
    %dma_start3A_1318 = tpu.memref_slice %arg4[%add3A_1118, %dma_start3A_1317] : memref<4096x2048xf32, #tpu.memory_space<hbm>> -> memref<16x2048xf32, #tpu.memory_space<hbm>>
    tpu.enqueue_dma source(%arg6 : memref<16x2048xf32, #tpu.memory_space<vmem>>) target(%dma_start3A_1318 : memref<16x2048xf32, #tpu.memory_space<hbm>>) target_semaphore(%arg10 : memref<!tpu.dma_semaphore, #tpu.memory_space<semaphore_mem>>)
    %dma_wait3A_1319 = arith.constant 0 : i32
    %dma_wait3A_1320 = tpu.memref_slice %arg4[%add3A_714, %dma_wait3A_1319] : memref<4096x2048xf32, #tpu.memory_space<hbm>> -> memref<16x2048xf32, #tpu.memory_space<hbm>>
    %dma_wait3A_1321 = arith.constant 0 : i32
    %dma_wait3A_1322 = tpu.memref_slice %arg4[%add3A_714, %dma_wait3A_1321] : memref<4096x2048xf32, #tpu.memory_space<hbm>> -> memref<16x2048xf32, #tpu.memory_space<hbm>>
    tpu.wait_dma2 semaphore(%arg11 : memref<!tpu.dma_semaphore, #tpu.memory_space<semaphore_mem>>) src(%arg7 : memref<16x2048xf32, #tpu.memory_space<vmem>>) dst(%dma_wait3A_1322 : memref<16x2048xf32, #tpu.memory_space<hbm>>)
    %dma_wait3A_1323 = arith.constant 0 : i32
    %dma_wait3A_1324 = tpu.memref_slice %arg4[%add3A_916, %dma_wait3A_1323] : memref<4096x2048xf32, #tpu.memory_space<hbm>> -> memref<16x2048xf32, #tpu.memory_space<hbm>>
    %dma_wait3A_1325 = arith.constant 0 : i32
    %dma_wait3A_1326 = tpu.memref_slice %arg4[%add3A_916, %dma_wait3A_1325] : memref<4096x2048xf32, #tpu.memory_space<hbm>> -> memref<16x2048xf32, #tpu.memory_space<hbm>>
    tpu.wait_dma2 semaphore(%arg9 : memref<!tpu.dma_semaphore, #tpu.memory_space<semaphore_mem>>) src(%arg5 : memref<16x2048xf32, #tpu.memory_space<vmem>>) dst(%dma_wait3A_1326 : memref<16x2048xf32, #tpu.memory_space<hbm>>)
    %dma_wait3A_1327 = arith.constant 0 : i32
    %dma_wait3A_1328 = tpu.memref_slice %arg4[%add3A_1118, %dma_wait3A_1327] : memref<4096x2048xf32, #tpu.memory_space<hbm>> -> memref<16x2048xf32, #tpu.memory_space<hbm>>
    %dma_wait3A_1329 = arith.constant 0 : i32
    %dma_wait3A_1330 = tpu.memref_slice %arg4[%add3A_1118, %dma_wait3A_1329] : memref<4096x2048xf32, #tpu.memory_space<hbm>> -> memref<16x2048xf32, #tpu.memory_space<hbm>>
    tpu.wait_dma2 semaphore(%arg10 : memref<!tpu.dma_semaphore, #tpu.memory_space<semaphore_mem>>) src(%arg6 : memref<16x2048xf32, #tpu.memory_space<vmem>>) dst(%dma_wait3A_1330 : memref<16x2048xf32, #tpu.memory_space<hbm>>)
    return
  }
}

module attributes {stable_mosaic.version = 14 : i64} {
  func.func @_topk_idx_body(%arg0: i32, %arg1: i32, %arg2: memref<1x2048x1024xf32, #tpu.memory_space<vmem>>, %arg3: memref<1x1024x16xi32, #tpu.memory_space<vmem>>) attributes {dimension_semantics = [#tpu.dimension_semantics<parallel>, #tpu.dimension_semantics<parallel>], iteration_bounds = array<i64: 2, 2>, scalar_prefetch = 0 : i64, scratch_operands = 0 : i64, tpu.core_type = #tpu.core_type<tc>, window_params = [{transform_indices = @transform_0, window_bounds = array<i64: 1, 2048, 1024>}, {transform_indices = @transform_1, window_bounds = array<i64: 1, 1024, 16>}]} {
    %get3A = arith.constant 0 : index
    %get3A_0 = arith.constant 0 : index
    %get3A_1 = arith.constant 0 : index
    %get3A_2 = vector.load %arg2[%get3A, %get3A_0, %get3A_1] : memref<1x2048x1024xf32, #tpu.memory_space<vmem>>, vector<1x2048x1024xf32>
    %get3A_3 = vector.shape_cast %get3A_2 : vector<1x2048x1024xf32> to vector<2048x1024xf32>
    %mul3A = arith.mulf %get3A_3, %get3A_3 : vector<2048x1024xf32>
    %reduce_sum3A = arith.constant dense<0.000000e+00> : vector<2048xf32>
    %reduce_sum3A_4 = vector.multi_reduction <add>, %mul3A, %reduce_sum3A [1] : vector<2048x1024xf32> to vector<2048xf32>
    %broadcast_in_dim3A = vector.shape_cast %reduce_sum3A_4 : vector<2048xf32> to vector<2048x1xf32>
    %sqrt3A = math.sqrt %broadcast_in_dim3A : vector<2048x1xf32>
    %max3A = arith.constant 9.99999996E-13 : f32
    %max3A_5 = vector.broadcast %max3A : f32 to vector<2048x1xf32>
    %max3A_6 = arith.maximumf %sqrt3A, %max3A_5 : vector<2048x1xf32>
    %div3A = vector.broadcast %max3A_6 : vector<2048x1xf32> to vector<2048x1024xf32>
    %div3A_7 = arith.divf %get3A_3, %div3A : vector<2048x1024xf32>
    %eq3A = arith.constant 0 : i32
    %eq3A_8 = arith.cmpi eq, %arg1, %eq3A : i32
    %broadcast_in_dim3A_9 = vector.broadcast %eq3A_8 : i1 to vector<1024x1xi1>
    %slice3A = vector.extract_strided_slice %div3A_7 {offsets = [0, 0], sizes = [1024, 1024], strides = [1, 1]} : vector<2048x1024xf32> to vector<1024x1024xf32>
    %slice3A_10 = vector.extract_strided_slice %div3A_7 {offsets = [1024, 0], sizes = [1024, 1024], strides = [1, 1]} : vector<2048x1024xf32> to vector<1024x1024xf32>
    %broadcast_in_dim3A_11 = vector.shape_cast %broadcast_in_dim3A_9 : vector<1024x1xi1> to vector<1024x1xi1>
    %broadcast_in_dim3A_12 = vector.broadcast %broadcast_in_dim3A_11 : vector<1024x1xi1> to vector<1024x1024xi1>
    %select_n3A = arith.select %broadcast_in_dim3A_12, %slice3A, %slice3A_10 : vector<1024x1024xi1>, vector<1024x1024xf32>
    %dot_general3A = arith.constant dense<0.000000e+00> : vector<1024x2048xf32>
    %dot_general3A_13 = tpu.matmul %select_n3A, %div3A_7, %dot_general3A {dimension_numbers = #tpu.dot_dimension_numbers<[1], [1], [0], [0], [0, 0, 1, 0], [], []>, transpose_lhs_hint = false} : vector<1024x1024xf32>, vector<2048x1024xf32>, vector<1024x2048xf32> -> vector<1024x2048xf32>
    %iota3A = tpu.iota {dimensions = array<i32: 1>} : vector<1024x2048xi32>
    %convert_element_type3A = arith.sitofp %iota3A : vector<1024x2048xi32> to vector<1024x2048xf32>
    %reduce_max3A = arith.constant dense<0xFF800000> : vector<1024xf32>
    %reduce_max3A_14 = vector.multi_reduction <maximumf>, %dot_general3A_13, %reduce_max3A [1] : vector<1024x2048xf32> to vector<1024xf32>
    %broadcast_in_dim3A_15 = vector.shape_cast %reduce_max3A_14 : vector<1024xf32> to vector<1024x1xf32>
    %eq3A_16 = vector.broadcast %broadcast_in_dim3A_15 : vector<1024x1xf32> to vector<1024x2048xf32>
    %eq3A_17 = arith.cmpf oeq, %dot_general3A_13, %eq3A_16 : vector<1024x2048xf32>
    %jit3A = arith.constant 2.048000e+03 : f32
    %broadcast_in_dim3A_18 = vector.broadcast %jit3A : f32 to vector<1024x2048xf32>
    %select_n3A_19 = arith.select %eq3A_17, %convert_element_type3A, %broadcast_in_dim3A_18 : vector<1024x2048xi1>, vector<1024x2048xf32>
    %reduce_min3A = arith.constant dense<0x7F800000> : vector<1024xf32>
    %reduce_min3A_20 = vector.multi_reduction <minimumf>, %select_n3A_19, %reduce_min3A [1] : vector<1024x2048xf32> to vector<1024xf32>
    %broadcast_in_dim3A_21 = vector.shape_cast %reduce_min3A_20 : vector<1024xf32> to vector<1024x1xf32>
    %eq3A_22 = vector.broadcast %broadcast_in_dim3A_21 : vector<1024x1xf32> to vector<1024x2048xf32>
    %eq3A_23 = arith.cmpf oeq, %select_n3A_19, %eq3A_22 : vector<1024x2048xf32>
    %jit3A_24 = arith.constant 0xFF800000 : f32
    %broadcast_in_dim3A_25 = vector.broadcast %jit3A_24 : f32 to vector<1024x2048xf32>
    %select_n3A_26 = arith.select %eq3A_23, %broadcast_in_dim3A_25, %dot_general3A_13 : vector<1024x2048xi1>, vector<1024x2048xf32>
    %convert_element_type3A_27 = arith.fptosi %broadcast_in_dim3A_21 : vector<1024x1xf32> to vector<1024x1xi32>
    %reduce_max3A_28 = arith.constant dense<0xFF800000> : vector<1024xf32>
    %reduce_max3A_29 = vector.multi_reduction <maximumf>, %select_n3A_26, %reduce_max3A_28 [1] : vector<1024x2048xf32> to vector<1024xf32>
    %broadcast_in_dim3A_30 = vector.shape_cast %reduce_max3A_29 : vector<1024xf32> to vector<1024x1xf32>
    %eq3A_31 = vector.broadcast %broadcast_in_dim3A_30 : vector<1024x1xf32> to vector<1024x2048xf32>
    %eq3A_32 = arith.cmpf oeq, %select_n3A_26, %eq3A_31 : vector<1024x2048xf32>
    %jit3A_33 = arith.constant 2.048000e+03 : f32
    %broadcast_in_dim3A_34 = vector.broadcast %jit3A_33 : f32 to vector<1024x2048xf32>
    %select_n3A_35 = arith.select %eq3A_32, %convert_element_type3A, %broadcast_in_dim3A_34 : vector<1024x2048xi1>, vector<1024x2048xf32>
    %reduce_min3A_36 = arith.constant dense<0x7F800000> : vector<1024xf32>
    %reduce_min3A_37 = vector.multi_reduction <minimumf>, %select_n3A_35, %reduce_min3A_36 [1] : vector<1024x2048xf32> to vector<1024xf32>
    %broadcast_in_dim3A_38 = vector.shape_cast %reduce_min3A_37 : vector<1024xf32> to vector<1024x1xf32>
    %eq3A_39 = vector.broadcast %broadcast_in_dim3A_38 : vector<1024x1xf32> to vector<1024x2048xf32>
    %eq3A_40 = arith.cmpf oeq, %select_n3A_35, %eq3A_39 : vector<1024x2048xf32>
    %jit3A_41 = arith.constant 0xFF800000 : f32
    %broadcast_in_dim3A_42 = vector.broadcast %jit3A_41 : f32 to vector<1024x2048xf32>
    %select_n3A_43 = arith.select %eq3A_40, %broadcast_in_dim3A_42, %select_n3A_26 : vector<1024x2048xi1>, vector<1024x2048xf32>
    %convert_element_type3A_44 = arith.fptosi %broadcast_in_dim3A_38 : vector<1024x1xf32> to vector<1024x1xi32>
    %reduce_max3A_45 = arith.constant dense<0xFF800000> : vector<1024xf32>
    %reduce_max3A_46 = vector.multi_reduction <maximumf>, %select_n3A_43, %reduce_max3A_45 [1] : vector<1024x2048xf32> to vector<1024xf32>
    %broadcast_in_dim3A_47 = vector.shape_cast %reduce_max3A_46 : vector<1024xf32> to vector<1024x1xf32>
    %eq3A_48 = vector.broadcast %broadcast_in_dim3A_47 : vector<1024x1xf32> to vector<1024x2048xf32>
    %eq3A_49 = arith.cmpf oeq, %select_n3A_43, %eq3A_48 : vector<1024x2048xf32>
    %jit3A_50 = arith.constant 2.048000e+03 : f32
    %broadcast_in_dim3A_51 = vector.broadcast %jit3A_50 : f32 to vector<1024x2048xf32>
    %select_n3A_52 = arith.select %eq3A_49, %convert_element_type3A, %broadcast_in_dim3A_51 : vector<1024x2048xi1>, vector<1024x2048xf32>
    %reduce_min3A_53 = arith.constant dense<0x7F800000> : vector<1024xf32>
    %reduce_min3A_54 = vector.multi_reduction <minimumf>, %select_n3A_52, %reduce_min3A_53 [1] : vector<1024x2048xf32> to vector<1024xf32>
    %broadcast_in_dim3A_55 = vector.shape_cast %reduce_min3A_54 : vector<1024xf32> to vector<1024x1xf32>
    %eq3A_56 = vector.broadcast %broadcast_in_dim3A_55 : vector<1024x1xf32> to vector<1024x2048xf32>
    %eq3A_57 = arith.cmpf oeq, %select_n3A_52, %eq3A_56 : vector<1024x2048xf32>
    %jit3A_58 = arith.constant 0xFF800000 : f32
    %broadcast_in_dim3A_59 = vector.broadcast %jit3A_58 : f32 to vector<1024x2048xf32>
    %select_n3A_60 = arith.select %eq3A_57, %broadcast_in_dim3A_59, %select_n3A_43 : vector<1024x2048xi1>, vector<1024x2048xf32>
    %convert_element_type3A_61 = arith.fptosi %broadcast_in_dim3A_55 : vector<1024x1xf32> to vector<1024x1xi32>
    %reduce_max3A_62 = arith.constant dense<0xFF800000> : vector<1024xf32>
    %reduce_max3A_63 = vector.multi_reduction <maximumf>, %select_n3A_60, %reduce_max3A_62 [1] : vector<1024x2048xf32> to vector<1024xf32>
    %broadcast_in_dim3A_64 = vector.shape_cast %reduce_max3A_63 : vector<1024xf32> to vector<1024x1xf32>
    %eq3A_65 = vector.broadcast %broadcast_in_dim3A_64 : vector<1024x1xf32> to vector<1024x2048xf32>
    %eq3A_66 = arith.cmpf oeq, %select_n3A_60, %eq3A_65 : vector<1024x2048xf32>
    %jit3A_67 = arith.constant 2.048000e+03 : f32
    %broadcast_in_dim3A_68 = vector.broadcast %jit3A_67 : f32 to vector<1024x2048xf32>
    %select_n3A_69 = arith.select %eq3A_66, %convert_element_type3A, %broadcast_in_dim3A_68 : vector<1024x2048xi1>, vector<1024x2048xf32>
    %reduce_min3A_70 = arith.constant dense<0x7F800000> : vector<1024xf32>
    %reduce_min3A_71 = vector.multi_reduction <minimumf>, %select_n3A_69, %reduce_min3A_70 [1] : vector<1024x2048xf32> to vector<1024xf32>
    %broadcast_in_dim3A_72 = vector.shape_cast %reduce_min3A_71 : vector<1024xf32> to vector<1024x1xf32>
    %eq3A_73 = vector.broadcast %broadcast_in_dim3A_72 : vector<1024x1xf32> to vector<1024x2048xf32>
    %eq3A_74 = arith.cmpf oeq, %select_n3A_69, %eq3A_73 : vector<1024x2048xf32>
    %jit3A_75 = arith.constant 0xFF800000 : f32
    %broadcast_in_dim3A_76 = vector.broadcast %jit3A_75 : f32 to vector<1024x2048xf32>
    %select_n3A_77 = arith.select %eq3A_74, %broadcast_in_dim3A_76, %select_n3A_60 : vector<1024x2048xi1>, vector<1024x2048xf32>
    %convert_element_type3A_78 = arith.fptosi %broadcast_in_dim3A_72 : vector<1024x1xf32> to vector<1024x1xi32>
    %reduce_max3A_79 = arith.constant dense<0xFF800000> : vector<1024xf32>
    %reduce_max3A_80 = vector.multi_reduction <maximumf>, %select_n3A_77, %reduce_max3A_79 [1] : vector<1024x2048xf32> to vector<1024xf32>
    %broadcast_in_dim3A_81 = vector.shape_cast %reduce_max3A_80 : vector<1024xf32> to vector<1024x1xf32>
    %eq3A_82 = vector.broadcast %broadcast_in_dim3A_81 : vector<1024x1xf32> to vector<1024x2048xf32>
    %eq3A_83 = arith.cmpf oeq, %select_n3A_77, %eq3A_82 : vector<1024x2048xf32>
    %jit3A_84 = arith.constant 2.048000e+03 : f32
    %broadcast_in_dim3A_85 = vector.broadcast %jit3A_84 : f32 to vector<1024x2048xf32>
    %select_n3A_86 = arith.select %eq3A_83, %convert_element_type3A, %broadcast_in_dim3A_85 : vector<1024x2048xi1>, vector<1024x2048xf32>
    %reduce_min3A_87 = arith.constant dense<0x7F800000> : vector<1024xf32>
    %reduce_min3A_88 = vector.multi_reduction <minimumf>, %select_n3A_86, %reduce_min3A_87 [1] : vector<1024x2048xf32> to vector<1024xf32>
    %broadcast_in_dim3A_89 = vector.shape_cast %reduce_min3A_88 : vector<1024xf32> to vector<1024x1xf32>
    %eq3A_90 = vector.broadcast %broadcast_in_dim3A_89 : vector<1024x1xf32> to vector<1024x2048xf32>
    %eq3A_91 = arith.cmpf oeq, %select_n3A_86, %eq3A_90 : vector<1024x2048xf32>
    %jit3A_92 = arith.constant 0xFF800000 : f32
    %broadcast_in_dim3A_93 = vector.broadcast %jit3A_92 : f32 to vector<1024x2048xf32>
    %select_n3A_94 = arith.select %eq3A_91, %broadcast_in_dim3A_93, %select_n3A_77 : vector<1024x2048xi1>, vector<1024x2048xf32>
    %convert_element_type3A_95 = arith.fptosi %broadcast_in_dim3A_89 : vector<1024x1xf32> to vector<1024x1xi32>
    %reduce_max3A_96 = arith.constant dense<0xFF800000> : vector<1024xf32>
    %reduce_max3A_97 = vector.multi_reduction <maximumf>, %select_n3A_94, %reduce_max3A_96 [1] : vector<1024x2048xf32> to vector<1024xf32>
    %broadcast_in_dim3A_98 = vector.shape_cast %reduce_max3A_97 : vector<1024xf32> to vector<1024x1xf32>
    %eq3A_99 = vector.broadcast %broadcast_in_dim3A_98 : vector<1024x1xf32> to vector<1024x2048xf32>
    %eq3A_100 = arith.cmpf oeq, %select_n3A_94, %eq3A_99 : vector<1024x2048xf32>
    %jit3A_101 = arith.constant 2.048000e+03 : f32
    %broadcast_in_dim3A_102 = vector.broadcast %jit3A_101 : f32 to vector<1024x2048xf32>
    %select_n3A_103 = arith.select %eq3A_100, %convert_element_type3A, %broadcast_in_dim3A_102 : vector<1024x2048xi1>, vector<1024x2048xf32>
    %reduce_min3A_104 = arith.constant dense<0x7F800000> : vector<1024xf32>
    %reduce_min3A_105 = vector.multi_reduction <minimumf>, %select_n3A_103, %reduce_min3A_104 [1] : vector<1024x2048xf32> to vector<1024xf32>
    %broadcast_in_dim3A_106 = vector.shape_cast %reduce_min3A_105 : vector<1024xf32> to vector<1024x1xf32>
    %eq3A_107 = vector.broadcast %broadcast_in_dim3A_106 : vector<1024x1xf32> to vector<1024x2048xf32>
    %eq3A_108 = arith.cmpf oeq, %select_n3A_103, %eq3A_107 : vector<1024x2048xf32>
    %jit3A_109 = arith.constant 0xFF800000 : f32
    %broadcast_in_dim3A_110 = vector.broadcast %jit3A_109 : f32 to vector<1024x2048xf32>
    %select_n3A_111 = arith.select %eq3A_108, %broadcast_in_dim3A_110, %select_n3A_94 : vector<1024x2048xi1>, vector<1024x2048xf32>
    %convert_element_type3A_112 = arith.fptosi %broadcast_in_dim3A_106 : vector<1024x1xf32> to vector<1024x1xi32>
    %reduce_max3A_113 = arith.constant dense<0xFF800000> : vector<1024xf32>
    %reduce_max3A_114 = vector.multi_reduction <maximumf>, %select_n3A_111, %reduce_max3A_113 [1] : vector<1024x2048xf32> to vector<1024xf32>
    %broadcast_in_dim3A_115 = vector.shape_cast %reduce_max3A_114 : vector<1024xf32> to vector<1024x1xf32>
    %eq3A_116 = vector.broadcast %broadcast_in_dim3A_115 : vector<1024x1xf32> to vector<1024x2048xf32>
    %eq3A_117 = arith.cmpf oeq, %select_n3A_111, %eq3A_116 : vector<1024x2048xf32>
    %jit3A_118 = arith.constant 2.048000e+03 : f32
    %broadcast_in_dim3A_119 = vector.broadcast %jit3A_118 : f32 to vector<1024x2048xf32>
    %select_n3A_120 = arith.select %eq3A_117, %convert_element_type3A, %broadcast_in_dim3A_119 : vector<1024x2048xi1>, vector<1024x2048xf32>
    %reduce_min3A_121 = arith.constant dense<0x7F800000> : vector<1024xf32>
    %reduce_min3A_122 = vector.multi_reduction <minimumf>, %select_n3A_120, %reduce_min3A_121 [1] : vector<1024x2048xf32> to vector<1024xf32>
    %broadcast_in_dim3A_123 = vector.shape_cast %reduce_min3A_122 : vector<1024xf32> to vector<1024x1xf32>
    %eq3A_124 = vector.broadcast %broadcast_in_dim3A_123 : vector<1024x1xf32> to vector<1024x2048xf32>
    %eq3A_125 = arith.cmpf oeq, %select_n3A_120, %eq3A_124 : vector<1024x2048xf32>
    %jit3A_126 = arith.constant 0xFF800000 : f32
    %broadcast_in_dim3A_127 = vector.broadcast %jit3A_126 : f32 to vector<1024x2048xf32>
    %select_n3A_128 = arith.select %eq3A_125, %broadcast_in_dim3A_127, %select_n3A_111 : vector<1024x2048xi1>, vector<1024x2048xf32>
    %convert_element_type3A_129 = arith.fptosi %broadcast_in_dim3A_123 : vector<1024x1xf32> to vector<1024x1xi32>
    %reduce_max3A_130 = arith.constant dense<0xFF800000> : vector<1024xf32>
    %reduce_max3A_131 = vector.multi_reduction <maximumf>, %select_n3A_128, %reduce_max3A_130 [1] : vector<1024x2048xf32> to vector<1024xf32>
    %broadcast_in_dim3A_132 = vector.shape_cast %reduce_max3A_131 : vector<1024xf32> to vector<1024x1xf32>
    %eq3A_133 = vector.broadcast %broadcast_in_dim3A_132 : vector<1024x1xf32> to vector<1024x2048xf32>
    %eq3A_134 = arith.cmpf oeq, %select_n3A_128, %eq3A_133 : vector<1024x2048xf32>
    %jit3A_135 = arith.constant 2.048000e+03 : f32
    %broadcast_in_dim3A_136 = vector.broadcast %jit3A_135 : f32 to vector<1024x2048xf32>
    %select_n3A_137 = arith.select %eq3A_134, %convert_element_type3A, %broadcast_in_dim3A_136 : vector<1024x2048xi1>, vector<1024x2048xf32>
    %reduce_min3A_138 = arith.constant dense<0x7F800000> : vector<1024xf32>
    %reduce_min3A_139 = vector.multi_reduction <minimumf>, %select_n3A_137, %reduce_min3A_138 [1] : vector<1024x2048xf32> to vector<1024xf32>
    %broadcast_in_dim3A_140 = vector.shape_cast %reduce_min3A_139 : vector<1024xf32> to vector<1024x1xf32>
    %convert_element_type3A_141 = arith.fptosi %broadcast_in_dim3A_140 : vector<1024x1xf32> to vector<1024x1xi32>
    %mul3A_142 = arith.constant 1024 : i32
    %mul3A_143 = arith.muli %arg1, %mul3A_142 : i32
    %iota3A_144 = tpu.iota {dimensions = array<i32: 0>} : vector<1024x1xi32>
    %add3A = vector.broadcast %mul3A_143 : i32 to vector<1024x1xi32>
    %add3A_145 = arith.addi %add3A, %iota3A_144 : vector<1024x1xi32>
    %add3A_146 = arith.constant -24 : i32
    %add3A_147 = vector.broadcast %add3A_146 : i32 to vector<1024x1xi32>
    %add3A_148 = arith.addi %add3A_145, %add3A_147 : vector<1024x1xi32>
    %ge3A = arith.constant 0 : i32
    %ge3A_149 = vector.broadcast %ge3A : i32 to vector<1024x1xi32>
    %ge3A_150 = arith.cmpi sge, %add3A_148, %ge3A_149 : vector<1024x1xi32>
    %lt3A = arith.constant 2048 : i32
    %lt3A_151 = vector.broadcast %lt3A : i32 to vector<1024x1xi32>
    %lt3A_152 = arith.cmpi slt, %add3A_148, %lt3A_151 : vector<1024x1xi32>
    %and3A = arith.andi %ge3A_150, %lt3A_152 : vector<1024x1xi1>
    %select_n3A_153 = arith.select %and3A, %add3A_148, %add3A_145 : vector<1024x1xi1>, vector<1024x1xi32>
    %add3A_154 = arith.constant -1 : i32
    %add3A_155 = vector.broadcast %add3A_154 : i32 to vector<1024x1xi32>
    %add3A_156 = arith.addi %add3A_145, %add3A_155 : vector<1024x1xi32>
    %ge3A_157 = arith.constant 0 : i32
    %ge3A_158 = vector.broadcast %ge3A_157 : i32 to vector<1024x1xi32>
    %ge3A_159 = arith.cmpi sge, %add3A_156, %ge3A_158 : vector<1024x1xi32>
    %lt3A_160 = arith.constant 2048 : i32
    %lt3A_161 = vector.broadcast %lt3A_160 : i32 to vector<1024x1xi32>
    %lt3A_162 = arith.cmpi slt, %add3A_156, %lt3A_161 : vector<1024x1xi32>
    %and3A_163 = arith.andi %ge3A_159, %lt3A_162 : vector<1024x1xi1>
    %select_n3A_164 = arith.select %and3A_163, %add3A_156, %add3A_145 : vector<1024x1xi1>, vector<1024x1xi32>
    %add3A_165 = arith.constant 0 : i32
    %add3A_166 = vector.broadcast %add3A_165 : i32 to vector<1024x1xi32>
    %add3A_167 = arith.addi %add3A_145, %add3A_166 : vector<1024x1xi32>
    %ge3A_168 = arith.constant 0 : i32
    %ge3A_169 = vector.broadcast %ge3A_168 : i32 to vector<1024x1xi32>
    %ge3A_170 = arith.cmpi sge, %add3A_167, %ge3A_169 : vector<1024x1xi32>
    %lt3A_171 = arith.constant 2048 : i32
    %lt3A_172 = vector.broadcast %lt3A_171 : i32 to vector<1024x1xi32>
    %lt3A_173 = arith.cmpi slt, %add3A_167, %lt3A_172 : vector<1024x1xi32>
    %and3A_174 = arith.andi %ge3A_170, %lt3A_173 : vector<1024x1xi1>
    %select_n3A_175 = arith.select %and3A_174, %add3A_167, %add3A_145 : vector<1024x1xi1>, vector<1024x1xi32>
    %add3A_176 = arith.constant 1 : i32
    %add3A_177 = vector.broadcast %add3A_176 : i32 to vector<1024x1xi32>
    %add3A_178 = arith.addi %add3A_145, %add3A_177 : vector<1024x1xi32>
    %ge3A_179 = arith.constant 0 : i32
    %ge3A_180 = vector.broadcast %ge3A_179 : i32 to vector<1024x1xi32>
    %ge3A_181 = arith.cmpi sge, %add3A_178, %ge3A_180 : vector<1024x1xi32>
    %lt3A_182 = arith.constant 2048 : i32
    %lt3A_183 = vector.broadcast %lt3A_182 : i32 to vector<1024x1xi32>
    %lt3A_184 = arith.cmpi slt, %add3A_178, %lt3A_183 : vector<1024x1xi32>
    %and3A_185 = arith.andi %ge3A_181, %lt3A_184 : vector<1024x1xi1>
    %select_n3A_186 = arith.select %and3A_185, %add3A_178, %add3A_145 : vector<1024x1xi1>, vector<1024x1xi32>
    %add3A_187 = arith.constant 24 : i32
    %add3A_188 = vector.broadcast %add3A_187 : i32 to vector<1024x1xi32>
    %add3A_189 = arith.addi %add3A_145, %add3A_188 : vector<1024x1xi32>
    %ge3A_190 = arith.constant 0 : i32
    %ge3A_191 = vector.broadcast %ge3A_190 : i32 to vector<1024x1xi32>
    %ge3A_192 = arith.cmpi sge, %add3A_189, %ge3A_191 : vector<1024x1xi32>
    %lt3A_193 = arith.constant 2048 : i32
    %lt3A_194 = vector.broadcast %lt3A_193 : i32 to vector<1024x1xi32>
    %lt3A_195 = arith.cmpi slt, %add3A_189, %lt3A_194 : vector<1024x1xi32>
    %and3A_196 = arith.andi %ge3A_192, %lt3A_195 : vector<1024x1xi1>
    %select_n3A_197 = arith.select %and3A_196, %add3A_189, %add3A_145 : vector<1024x1xi1>, vector<1024x1xi32>
    %concatenate3A = tpu.concatenate %convert_element_type3A_27, %convert_element_type3A_44, %convert_element_type3A_61, %convert_element_type3A_78, %convert_element_type3A_95, %convert_element_type3A_112, %convert_element_type3A_129, %convert_element_type3A_141, %select_n3A_153, %select_n3A_164, %select_n3A_175, %select_n3A_186, %select_n3A_197, %add3A_145, %add3A_145, %add3A_145 in 1 : vector<1024x1xi32>, vector<1024x1xi32>, vector<1024x1xi32>, vector<1024x1xi32>, vector<1024x1xi32>, vector<1024x1xi32>, vector<1024x1xi32>, vector<1024x1xi32>, vector<1024x1xi32>, vector<1024x1xi32>, vector<1024x1xi32>, vector<1024x1xi32>, vector<1024x1xi32>, vector<1024x1xi32>, vector<1024x1xi32>, vector<1024x1xi32> -> vector<1024x16xi32>
    %swap3A = arith.constant 0 : index
    %swap3A_198 = arith.constant 0 : index
    %swap3A_199 = arith.constant 0 : index
    %swap3A_200 = vector.load %arg3[%swap3A, %swap3A_198, %swap3A_199] : memref<1x1024x16xi32, #tpu.memory_space<vmem>>, vector<1x1024x16xi32>
    %swap3A_201 = vector.shape_cast %swap3A_200 : vector<1x1024x16xi32> to vector<1024x16xi32>
    %swap3A_202 = vector.shape_cast %concatenate3A : vector<1024x16xi32> to vector<1x1024x16xi32>
    tpu.vector_store %arg3[%swap3A, %swap3A_198, %swap3A_199], %swap3A_202 {strides = array<i32>} : memref<1x1024x16xi32, #tpu.memory_space<vmem>>, vector<1x1024x16xi32>,
    return
  }
  func.func @transform_0(%arg0: i32, %arg1: i32) -> (i32, i32, i32) {
    %c0_i32 = arith.constant 0 : i32
    %c0_i32_0 = arith.constant 0 : i32
    %c0_i32_1 = arith.constant 0 : i32
    return %arg0, %c0_i32, %c0_i32_0 : i32, i32, i32
  }
  func.func @transform_1(%arg0: i32, %arg1: i32) -> (i32, i32, i32) {
    %c0_i32 = arith.constant 0 : i32
    %c0_i32_0 = arith.constant 0 : i32
    return %arg0, %arg1, %c0_i32 : i32, i32, i32
  }
}

</mosaic_0001>

<sc_bundles>
// kernel: kernel.4.cloned.1.call-start
scs
__scs_entry_jumppad:
0x0: {  	(pc) =	sbr.rel $0x88, $3  }
0x1: {  	(tag) =	ssettag $0x0;
	lr =	simm.s32 $0x1  }
0x2: {  	[smem:$0x3FA0] =	sst lr;
	_ =	strace $0xD0000000  }
0x3: {  	_ = 	snop  }
0x4: {  	_ = 	snop  }
0x5: {  	_ = 	snop  }
0x6: {  	_ = 	snop  }
0x7: {  	_ = 	snop  }
__scs_overlays_trampoline_lowered:
0x8: {  	[smem:$0x3FAF] =	sst s0  }
0x9: {  	[smem:$0x3FB0] =	sst s1  }
0xa: {  	[smem:$0x3FB1] =	sst s2  }
0xb: {  	[smem:$0x3FB2] =	sst s3  }
0xc: {  	[smem:$0x3FB3] =	sst s4  }
0xd: {  	[smem:$0x3FB4] =	sst s5  }
0xe: {  	[smem:$0x3FB5] =	sst s6  }
0xf: {  	[smem:$0x3FB6] =	sst s7  }
0x10: {  	[smem:$0x3FB7] =	sst s8  }
0x11: {  	[smem:$0x3FB8] =	sst s9;
	s0 =	simm.s32 @!p0 $0x0  }
0x12: {  	s1 =	sld [smem:$0x3F9E];
	s0 =	simm.s32 @p0 $0x1  }
0x13: {  	[smem:$0x3FB9] =	sst s0;
	s0 =	simm.s32 @!p1 $0x0  }
0x14: {  	s2 =	sld [smem:$0x3F9D];
	s0 =	simm.s32 @p1 $0x1  }
0x15: {  	[smem:$0x3FBA] =	sst s0;
	s0 =	simm.s32 @!p2 $0x0  }
0x16: {  	s3 =	sld [smem:$0x3FDB];
	s0 =	simm.s32 @p2 $0x1  }
0x17: {  	s4 =	simm.s32 $0x1BF5;
	[smem:$0x3FBC] =	sst s0  }
0x18: {  	s0 =	sld [smem:$0x3F9F];
	_ =	swait.ge [sflag:s4], $0x0  }
0x19: {  	s7 =	sld [smem:$0x3FA0]  }
0x1a: {  	s8 =	sadd.s32 $0xFFFFE003, lr  }
0x1b: {  	s9 =	sadd.s32 $0xFFFFFEF7, lr;
	s5 =	simm.s32 $0xFFFFFFFF;
	p2 =	slt.u32 s8, $0xFFFFF086  }
0x1c: {  	p1 =	slt.u32 s9, $0xF7A;
	s5 =	simm.s32 @!p2 $0x0  }
0x1d: {  	s5 =	simm.s32 @p1 $0x1;
	p0 =	seq.s32 s7, s2  }
0x1e: {  	s7 =	smul.u32 @!p0 $0xF7A, s2;
	p2 =	seq.s32 @!p0 s5, $0x0  }
0x1f: {  	s9 =	smul.u32 $0xF7A, s1;
	s8 =	simm.s32 @!p0 $0x1BF5;
	p2 =	por !p2, p0  }
0x20: {  	[sflag:s8] =	ssyncset.s32 @!p0 $0xFFFFF086;
	s6 =	sadd.s32 @!p0 s3, s7;
	s7 =	simm.s32 @!p0 $0x108  }
0x21: {  	s3 =	sadd.s32 s3, s9;
	s6 =	sadd.s32 @!p0 $0x88, s6;
	s7 =	simm.s32 @p2 $0x1082  }
0x22: {  	[simem:s7], [sflag:s8] =	dma.local @!p0 [hbm:s6], $0xF7A  }
0x23: {  	s9 =	sor.u32 $0xD0000000, s2;
	s6 =	simm.s32 $0x108;
	_ =	swait.ge @!p0 [sflag:s8], $0x0  }
0x24: {  	s3 =	sadd.s32 $0x88, s3;
	s6 =	simm.s32 @!p1 $0x1082;
	[sflag:s4] =	ssyncset.s32 $0xFFFFF086  }
0x25: {  	[simem:s6], [sflag:s4] =	dma.local [hbm:s3], $0xF7A  }
0x26: {  	[smem:$0x3FA0] =	sst s1;
	(tag) =	ssettag s2;
	_ =	strace s9  }
0x27: {  	s1 =	sld [smem:$0x3FB0]  }
0x28: {  	s2 =	sld [smem:$0x3FB1]  }
0x29: {  	s4 =	sld [smem:$0x3FB3]  }
0x2a: {  	p0 =	seq.s32 s5, $0x0;
	s5 =	sld [smem:$0x3FB4]  }
0x2b: {  	s6 =	sld [smem:$0x3FB5]  }
0x2c: {  	s7 =	sld [smem:$0x3FB6]  }
0x2d: {  	s3 =	simm.s32 $0x108;
	s8 =	sld [smem:$0x3FB7]  }
0x2e: {  	s3 =	simm.s32 @!p0 $0x1082;
	s9 =	sld [smem:$0x3FB8]  }
0x2f: {  	lr =	sadd.s32 s0, s3;
	s0 =	sld [smem:$0x3FAF]  }
0x30: {  	s3 =	sld [smem:$0x3FB2]  }
0x31: {  	[smem:$0x3FBB] =	sst s10  }
0x32: {  	s10 =	sld [smem:$0x3FB9];
	_ =	sdelay $0x3  }
0x33: {  	p0 =	seq.s32 s10, $0x1;
	s10 =	sld [smem:$0x3FBB];
	_ =	sdelay $0x3  }
0x34: {  	[smem:$0x3FBB] =	sst s10  }
0x35: {  	s10 =	sld [smem:$0x3FBA];
	_ =	sdelay $0x3  }
0x36: {  	p1 =	seq.s32 s10, $0x1;
	s10 =	sld [smem:$0x3FBB];
	_ =	sdelay $0x3  }
0x37: {  	[smem:$0x3FBB] =	sst s10  }
0x38: {  	s10 =	sld [smem:$0x3FBC]  }
0x39: {  	_ = 	snop;
	(pc) =	sbr.ind lr, $3  }
0x3a: {  	_ = 	snop  }
0x3b: {  	_ = 	snop  }
0x3c: {  	p2 =	seq.s32 s10, $0x1;
	s10 =	sld [smem:$0x3FBB]  }
0x3d: {  	_ =	shalt  }
0x3e: {  	_ =	shalt  }
0x3f: {  	_ =	shalt  }
0x40: {  	_ =	shalt  }
0x41: {  	_ =	shalt  }
0x42: {  	_ =	shalt  }
0x43: {  	_ =	shalt  }
0x44: {  	_ =	shalt  }
0x45: {  	_ =	shalt  }
0x46: {  	_ =	shalt  }
0x47: {  	_ =	shalt  }
0x48: {  	_ =	shalt  }
0x49: {  	_ =	shalt  }
0x4a: {  	_ =	shalt  }
0x4b: {  	_ =	shalt  }
0x4c: {  	_ =	shalt  }
0x4d: {  	_ =	shalt  }
0x4e: {  	_ =	shalt  }
0x4f: {  	_ =	shalt  }
0x50: {  	_ =	shalt  }
0x51: {  	_ =	shalt  }
0x52: {  	_ =	shalt  }
0x53: {  	_ =	shalt  }
0x54: {  	_ =	shalt  }
0x55: {  	_ =	shalt  }
0x56: {  	_ =	shalt  }
0x57: {  	_ =	shalt  }
0x58: {  	_ =	shalt  }
0x59: {  	_ =	shalt  }
0x5a: {  	_ =	shalt  }
0x5b: {  	_ =	shalt  }
0x5c: {  	_ =	shalt  }
0x5d: {  	_ =	shalt  }
0x5e: {  	_ =	shalt  }
0x5f: {  	_ =	shalt  }
0x60: {  	_ =	shalt  }
0x61: {  	_ =	shalt  }
0x62: {  	_ =	shalt  }
0x63: {  	_ =	shalt  }
0x64: {  	_ =	shalt  }
0x65: {  	_ =	shalt  }
0x66: {  	_ =	shalt  }
0x67: {  	_ =	shalt  }
0x68: {  	_ =	shalt  }
0x69: {  	_ =	shalt  }
0x6a: {  	_ =	shalt  }
0x6b: {  	_ =	shalt  }
0x6c: {  	_ =	shalt  }
0x6d: {  	_ =	shalt  }
0x6e: {  	_ =	shalt  }
0x6f: {  	_ =	shalt  }
0x70: {  	_ =	shalt  }
0x71: {  	_ =	shalt  }
0x72: {  	_ =	shalt  }
0x73: {  	_ =	shalt  }
0x74: {  	_ =	shalt  }
0x75: {  	_ =	shalt  }
0x76: {  	_ =	shalt  }
0x77: {  	_ =	shalt  }
0x78: {  	_ =	shalt  }
0x79: {  	_ =	shalt  }
0x7a: {  	_ =	shalt  }
0x7b: {  	_ =	shalt  }
0x7c: {  	_ =	shalt  }
0x7d: {  	_ =	shalt  }
0x7e: {  	_ =	shalt  }
0x7f: {  	_ =	shalt  }
0x80: {  	_ =	shalt  }
0x81: {  	_ =	shalt  }
0x82: {  	_ =	shalt  }
0x83: {  	_ =	shalt  }
0x84: {  	_ =	shalt  }
0x85: {  	_ =	shalt  }
0x86: {  	_ =	shalt  }
0x87: {  	_ =	shalt  }
.Lfunc_end0:
.L_simem_size_0:
called_computation_lowered:
.L_overlay_start_0:
0x88: {  	s2 =	sld [smem:$0x3FD9]  }
0x89: {  	s3 =	sld [smem:$0x3FFE];
	_ =	sdelay $0x1  }
0x8a: {  	s1 =	srdreg.scid  }
0x8b: {  	s0 =	sand.u32 $0x1, s1  }
0x8c: {  	s17 =	sshll.u32 s0, $0xA;
	s2 =	sadd.s32 s3, s2  }
0x8d: {  	s2 =	sadd.s32 s2, s17  }
0x8e: {  	[smem:$0x3FC7] =	sst s2  }
0x8f: {  	_ = 	snop  }
0x90: {  	s2 =	sld [smem:$0x3FD0];
	(tm) =	ssettm $0x1  }
0x91: {  	s18 =	sld [smem:$0x3FFB];
	_ =	sdelay $0x3  }
0x92: {  	_ =	strace s18  }
0x93: {  	s3 =	sld [smem:$0x3FFC];
	_ =	sdelay $0x3  }
0x94: {  	_ =	strace s3  }
0x95: {  	s3 =	sld [smem:$0x3FFD];
	_ =	sdelay $0x3  }
0x96: {  	_ =	strace s3  }
0x97: {  	_ =	strace $0x8FFFFFFF  }
0x98: {  	s19 =	sld [smem:$0x3FDB];
	_ =	sdelay $0x1  }
0x99: {  	s4 =	simm.s32 $_scs_section_size  }
0x9a: {  	s5 =	simm.s32 $_size__tile_overlayer_lowered;
	s6 =	simm.s32 $_tile_overlayer_lowered  }
0x9b: {  	s22 =	simm.s32 $0x1BFF;
	s21 =	sshll.u32 s6, $0x1;
	s3 =	sadd.s32 s4, s19  }
0x9c: {  	s7 =	simm.s32 $0x0;
	s20 =	sshll.u32 s5, $0x1;
	s5 =	sadd.s32 s21, s3  }
0x9d: {  	[timem:s7], [sflag:s22] =	dma.local [hbm:s5], s20  }
0x9e: {  	_ =	swait.ge [sflag:s22], s20  }
0x9f: {  	s4 =	ssub.s32 $0x0, s20;
	[sflag:s22] =	ssyncset.done $0x0  }
0xa0: {  	[sflag:s22] =	ssyncadd.s32 s4;
	_ =	sdelay $0x1  }
0xa1: {  	s23 =	simm.s32 $0x1B8B  }
0xa2: {  	_ =	swait.ge [sflag:s23], $0x1  }
0xa3: {  	[sflag:s23] =	ssyncset.done $0x0  }
0xa4: {  	s25 =	simm.s32 $0x1B8E;
	s24 =	sld [smem:$0x3FFE];
	[sflag:s23] =	ssyncadd.s32 $0xFFFFFFFF  }
0xa5: {  	s26 =	simm.s32 $execute0_lowered;
	[smem:$0x3FD2] =	sst s25  }
0xa6: {  	s5 =	sshll.u32 s26, $0x1;
	_ =	strace $0x80000046;
	[dreg:$0x1] =	wrdreg $0xFFFFFFFF  }
0xa7: {  	s28 =	simm.s32 $_size_execute0_lowered;
	s3 =	sadd.s32 s3, s5;
	[dreg:$0x0] =	wrdreg $0x0  }
0xa8: {  	s5 =	sshll.u32 s28, $0x1;
	[dreg:$0x2] =	wrdreg s3  }
0xa9: {  	[dreg:$0x3] =	wrdreg s5  }
0xaa: {  	[dreg:$0x4] =	wrdreg $0xC0  }
0xab: {  	_ =	task [dreg:s7], $0x5FFFF  }
0xac: {  	[dreg:$0x1] =	wrdreg $0xFFFFFFFF  }
0xad: {  	[dreg:$0x0] =	wrdreg $0x60  }
0xae: {  	[dreg:$0x2] =	wrdreg s24  }
0xaf: {  	[dreg:$0x3] =	wrdreg s2  }
0xb0: {  	[dreg:$0x4] =	wrdreg $0x9  }
0xb1: {  	_ =	task.clear_ibuf [dreg:s7], $0x5FFFF;
	_ =	strace $0x90000046  }
0xb2: {  	s29 =	simm.s32 $0x9;
	_ =	strace $0x80000048  }
0xb3: {  	_ =	swait.ge [sflag:s29], $0x1  }
0xb4: {  	[sflag:s29] =	ssyncadd.s32 $0xFFFFFFFF  }
0xb5: {  	_ =	strace $0x90000048  }
0xb6: {  	_ =	sfence  }
0xb7: {  	s30 =	sld [smem:$0x0];
	_ =	sdelay $0x2  }
0xb8: {  	s31 =	sshll.u32 s1, $0xD;
	s1 =	sshrl.u32 s1, $0x2  }
0xb9: {  	s3 =	sand.u32 $0x4000, s31;
	s1 =	sadd.s32 s1, s30  }
0xba: {  	s0 =	sor.u32 s3, s0;
	s1 =	sshll.u32 s1, $0x11  }
0xbb: {  	s0 =	sor.u32 s1, s0  }
0xbc: {  	s0 =	sadd.s32 $0x8F2B, s0  }
0xbd: {  	[sflag:s0] =	ssyncadd.remote.s32 $0x1  }
0xbe: {  	_ =	sfence.sel $0xFFFF  }
0xbf: {  	[dreg:$0x0] =	wrdreg $0xFFFFFFFF;
	(pc) =	sbr.abs _section_cstart, $3  }
0xc0: {  	[dreg:$0x1] =	wrdreg $0xFFFFFFFF  }
0xc1: {  	_ =	task.clear_ibuf [dreg:s7], $0x2FFFF;
	_ =	strace $0x9FFFFFFF  }
0xc2: {  	(tm) =	ssettm $0x7FFFFFFF  }
0xc3: {  	_ =	shalt  }
tec
execute0_lowered:
.L_overlay_start_1:
0x0: {  	(tag) =	ssettag $0x1  }
0x1: {  	s4 =	rddreg [dreg:$0x0]  }
0x2: {  	s5 =	rddreg [dreg:$0x1]  }
0x3: {  	s0 =	rddreg [dreg:$0x2]  }
0x4: {  	s3 =	srdreg.scid;
	s2 =	simm.s32 $0x0;
	s1 =	stileid.u32  }
0x5: {  	s14 =	simm.s32 $0x18000;
	s15 =	simm.s32 $0x4;
	s16 =	simm.s32 $0x8000  }
0x6: {  	s17 =	simm.s32 $0x10000;
	s18 =	simm.s32 $0x1;
	s19 =	simm.s32 $0x2  }
0x7: {  	s20 =	simm.s32 $0x3;
	s6 =	sand.u32 $0x1, s3;
	[smem:$0x7FF] =	sst s2  }
0x8: {  	s30 =	sshll.u32 s1, $0x8;
	s3 =	sadd.s32 $0x10800, s4;
	s7 =	sshll.u32 s6, $0x7  }
0x9: {  	_ =	strace $0x80000047;
	s6 =	ssub.s32 $0x2, s6;
	s7 =	sor.u32 s7, s30  }
0xa: {  	s31 =	sshrl.u32 s6, $0x1;
	s8 =	sshll.u32 s7, $0x4;
	s7 =	sshll.u32 s7, $0x8  }
0xb: {  	s13 =	ssub.s32 s6, s31;
	s4 =	sadd.s32 s8, s4;
	s5 =	sadd.s32 s5, s7  }
0xc: {  	s13 =	smax.u32 s13, $0x1;
	s4 =	sadd.s32 $0x800, s4;
	s6 =	sadd.s32 $0x1000, s5  }
0xd: {  	s7 =	sadd.s32 $0x2000, s5;
	s8 =	sadd.s32 $0x3000, s5;
	s9 =	sadd.s32 $0x4000, s5  }
0xe: {  	v0 =	vimm.f32 $0.0e+00;
	v1 =	vimm.f32 $-Inf;
	s10 =	sadd.s32 $0x5000, s5;
	s11 =	sadd.s32 $0x6000, s5;
	s12 =	sadd.s32 $0x7000, s5  }
.LBB2_1:
0xf: {  	[tilespmem:s14], [sflag:$0x4] =	stream.linear.gather [hbm4b:s4+s2], $0x4000, $0x38;
	[tilespmem:$0x1C000] =	vst v63  }
0x10: {  	_ =	swait.ge [sflag:s15], $0x4000  }
0x11: {  	[sflag:s15] =	ssyncset.done $0x0  }
0x12: {  	[sflag:s15] =	ssyncadd.s32 $0xFFFFC000  }
0x13: {  	[tilespmem:s2], [sflag:$0x4] =	stream.linear.gather [hbm4b:s3+s2], $0x8000, $0x38;
	[tilespmem:$0x1C000] =	vst v63  }
0x14: {  	_ =	swait.ge [sflag:s15], $0x8000  }
0x15: {  	[sflag:s15] =	ssyncset.done $0x0  }
0x16: {  	[sflag:s15] =	ssyncadd.s32 $0xFFFF8000  }
0x17: {  	[tilespmem:s16], [sflag:$0x4] =	stream.linear.gather [hbm4b:s3+s2], $0x8000, $0x38;
	[tilespmem:$0x1C000] =	vst v63  }
0x18: {  	_ =	swait.ge [sflag:s15], $0x8000  }
0x19: {  	[sflag:s15] =	ssyncset.done $0x0  }
0x1a: {  	[sflag:s15] =	ssyncadd.s32 $0xFFFF8000  }
0x1b: {  	[tilespmem:s17], [sflag:$0x4] =	stream.linear.gather [hbm4b:s3+s2], $0x8000, $0x38;
	[tilespmem:$0x1C000] =	vst v63  }
0x1c: {  	_ =	swait.ge [sflag:s15], $0x8000  }
0x1d: {  	[sflag:s15] =	ssyncset.done $0x0  }
0x1e: {  	[sflag:s15] =	ssyncadd.s32 $0xFFFF8000  }
0x1f: {  	v2 =	vld [tilespmem:$0x18000];
	_ =	sdelay $0x4  }
0x20: {  	v3 =	vshll.u32 v2, $0x3  }
0x21: {  	v2 =	vand.u32 $0x7F, v2;
	v3 =	vand.u32 $0xFFFFFC00, v3  }
0x22: {  	v2 =	vor.u32 v2, v3;
	_ =	sdelay $0x4  }
0x23: {  	[tilespmem:v2+s2+$0x0] =	vst.idx.msk $0xffff, v0  }
0x24: {  	v2 =	vld [tilespmem:$0x18080];
	_ =	sdelay $0x4  }
0x25: {  	v3 =	vshll.u32 v2, $0x3  }
0x26: {  	v2 =	vand.u32 $0x7F, v2;
	v3 =	vand.u32 $0xFFFFFC00, v3  }
0x27: {  	v2 =	vor.u32 v3, v2  }
0x28: {  	v2 =	vor.u32 $0x80, v2;
	_ =	sdelay $0x4  }
0x29: {  	[tilespmem:v2+s2+$0x0] =	vst.idx.msk $0xffff, v0  }
0x2a: {  	v2 =	vld [tilespmem:$0x18100];
	_ =	sdelay $0x4  }
0x2b: {  	v3 =	vshll.u32 v2, $0x3  }
0x2c: {  	v2 =	vand.u32 $0x7F, v2;
	v3 =	vand.u32 $0xFFFFFC00, v3  }
0x2d: {  	v2 =	vor.u32 v3, v2  }
0x2e: {  	v2 =	vor.u32 $0x100, v2;
	_ =	sdelay $0x4  }
0x2f: {  	[tilespmem:v2+s2+$0x0] =	vst.idx.msk $0xffff, v0  }
0x30: {  	v2 =	vld [tilespmem:$0x18180];
	_ =	sdelay $0x4  }
0x31: {  	v3 =	vshll.u32 v2, $0x3  }
0x32: {  	v2 =	vand.u32 $0x7F, v2;
	v3 =	vand.u32 $0xFFFFFC00, v3  }
0x33: {  	v2 =	vor.u32 v3, v2  }
0x34: {  	v2 =	vor.u32 $0x180, v2;
	_ =	sdelay $0x4  }
0x35: {  	[tilespmem:v2+s2+$0x0] =	vst.idx.msk $0xffff, v0  }
0x36: {  	v2 =	vld [tilespmem:$0x18200];
	_ =	sdelay $0x4  }
0x37: {  	v3 =	vshll.u32 v2, $0x3  }
0x38: {  	v2 =	vand.u32 $0x7F, v2;
	v3 =	vand.u32 $0xFFFFFC00, v3  }
0x39: {  	v2 =	vor.u32 v3, v2  }
0x3a: {  	v2 =	vor.u32 $0x200, v2;
	_ =	sdelay $0x4  }
0x3b: {  	[tilespmem:v2+s2+$0x0] =	vst.idx.msk $0xffff, v0  }
0x3c: {  	v2 =	vld [tilespmem:$0x18280];
	_ =	sdelay $0x4  }
0x3d: {  	v3 =	vshll.u32 v2, $0x3  }
0x3e: {  	v2 =	vand.u32 $0x7F, v2;
	v3 =	vand.u32 $0xFFFFFC00, v3  }
0x3f: {  	v2 =	vor.u32 v3, v2  }
0x40: {  	v2 =	vor.u32 $0x280, v2;
	_ =	sdelay $0x4  }
0x41: {  	[tilespmem:v2+s2+$0x0] =	vst.idx.msk $0xffff, v0  }
0x42: {  	v2 =	vld [tilespmem:$0x18300];
	_ =	sdelay $0x4  }
0x43: {  	v3 =	vshll.u32 v2, $0x3  }
0x44: {  	v2 =	vand.u32 $0x7F, v2;
	v3 =	vand.u32 $0xFFFFFC00, v3  }
0x45: {  	v2 =	vor.u32 v3, v2  }
0x46: {  	v2 =	vor.u32 $0x300, v2;
	_ =	sdelay $0x4  }
0x47: {  	[tilespmem:v2+s2+$0x0] =	vst.idx.msk $0xffff, v0  }
0x48: {  	v2 =	vld [tilespmem:$0x18380];
	_ =	sdelay $0x4  }
0x49: {  	v3 =	vshll.u32 v2, $0x3  }
0x4a: {  	v2 =	vand.u32 $0x7F, v2;
	v3 =	vand.u32 $0xFFFFFC00, v3  }
0x4b: {  	v2 =	vor.u32 v3, v2  }
0x4c: {  	v2 =	vor.u32 $0x380, v2;
	_ =	sdelay $0x4  }
0x4d: {  	[tilespmem:v2+s2+$0x0] =	vst.idx.msk $0xffff, v0  }
0x4e: {  	v2 =	vld [tilespmem:$0x18400];
	_ =	sdelay $0x4  }
0x4f: {  	v3 =	vshll.u32 v2, $0x3  }
0x50: {  	v2 =	vand.u32 $0x7F, v2;
	v3 =	vand.u32 $0xFFFFFC00, v3  }
0x51: {  	v2 =	vor.u32 v2, v3  }
0x52: {  	v2 =	vadd.s32 $0x4000, v2;
	_ =	sdelay $0x4  }
0x53: {  	[tilespmem:v2+s2+$0x0] =	vst.idx.msk $0xffff, v0  }
0x54: {  	v2 =	vld [tilespmem:$0x18480];
	_ =	sdelay $0x4  }
0x55: {  	v3 =	vshll.u32 v2, $0x3  }
0x56: {  	v2 =	vand.u32 $0x7F, v2;
	v3 =	vand.u32 $0xFFFFFC00, v3  }
0x57: {  	v2 =	vor.u32 v2, v3  }
0x58: {  	v2 =	vadd.s32 $0x4080, v2;
	_ =	sdelay $0x4  }
0x59: {  	[tilespmem:v2+s2+$0x0] =	vst.idx.msk $0xffff, v0  }
0x5a: {  	v2 =	vld [tilespmem:$0x18500];
	_ =	sdelay $0x4  }
0x5b: {  	v3 =	vshll.u32 v2, $0x3  }
0x5c: {  	v2 =	vand.u32 $0x7F, v2;
	v3 =	vand.u32 $0xFFFFFC00, v3  }
0x5d: {  	v2 =	vor.u32 v2, v3  }
0x5e: {  	v2 =	vadd.s32 $0x4100, v2;
	_ =	sdelay $0x4  }
0x5f: {  	[tilespmem:v2+s2+$0x0] =	vst.idx.msk $0xffff, v0  }
0x60: {  	v2 =	vld [tilespmem:$0x18580];
	_ =	sdelay $0x4  }
0x61: {  	v3 =	vshll.u32 v2, $0x3  }
0x62: {  	v2 =	vand.u32 $0x7F, v2;
	v3 =	vand.u32 $0xFFFFFC00, v3  }
0x63: {  	v2 =	vor.u32 v2, v3  }
0x64: {  	v2 =	vadd.s32 $0x4180, v2;
	_ =	sdelay $0x4  }
0x65: {  	[tilespmem:v2+s2+$0x0] =	vst.idx.msk $0xffff, v0  }
0x66: {  	v2 =	vld [tilespmem:$0x18600];
	_ =	sdelay $0x4  }
0x67: {  	v3 =	vshll.u32 v2, $0x3  }
0x68: {  	v2 =	vand.u32 $0x7F, v2;
	v3 =	vand.u32 $0xFFFFFC00, v3  }
0x69: {  	v2 =	vor.u32 v2, v3  }
0x6a: {  	v2 =	vadd.s32 $0x4200, v2;
	_ =	sdelay $0x4  }
0x6b: {  	[tilespmem:v2+s2+$0x0] =	vst.idx.msk $0xffff, v0  }
0x6c: {  	v2 =	vld [tilespmem:$0x18680];
	_ =	sdelay $0x4  }
0x6d: {  	v3 =	vshll.u32 v2, $0x3  }
0x6e: {  	v2 =	vand.u32 $0x7F, v2;
	v3 =	vand.u32 $0xFFFFFC00, v3  }
0x6f: {  	v2 =	vor.u32 v2, v3  }
0x70: {  	v2 =	vadd.s32 $0x4280, v2;
	_ =	sdelay $0x4  }
0x71: {  	[tilespmem:v2+s2+$0x0] =	vst.idx.msk $0xffff, v0  }
0x72: {  	v2 =	vld [tilespmem:$0x18700];
	_ =	sdelay $0x4  }
0x73: {  	v3 =	vshll.u32 v2, $0x3  }
0x74: {  	v2 =	vand.u32 $0x7F, v2;
	v3 =	vand.u32 $0xFFFFFC00, v3  }
0x75: {  	v2 =	vor.u32 v2, v3  }
0x76: {  	v2 =	vadd.s32 $0x4300, v2;
	_ =	sdelay $0x4  }
0x77: {  	[tilespmem:v2+s2+$0x0] =	vst.idx.msk $0xffff, v0  }
0x78: {  	v2 =	vld [tilespmem:$0x18780];
	_ =	sdelay $0x4  }
0x79: {  	v3 =	vshll.u32 v2, $0x3  }
0x7a: {  	v2 =	vand.u32 $0x7F, v2;
	v3 =	vand.u32 $0xFFFFFC00, v3  }
0x7b: {  	v2 =	vor.u32 v2, v3  }
0x7c: {  	v2 =	vadd.s32 $0x4380, v2;
	_ =	sdelay $0x4  }
0x7d: {  	[tilespmem:v2+s2+$0x0] =	vst.idx.msk $0xffff, v0  }
0x7e: {  	[hbm4b:s5+s2] =	stream.linear.scatter [tilespmem:s2], [sflag:$0x1], $0x8000, $0x38;
	[tilespmem:$0x1C000] =	vst v63  }
0x7f: {  	v2 =	vld [tilespmem:$0x18800];
	_ =	sdelay $0x4  }
0x80: {  	v3 =	vshll.u32 v2, $0x3  }
0x81: {  	v2 =	vand.u32 $0x7F, v2;
	v3 =	vand.u32 $0xFFFFFC00, v3  }
0x82: {  	v2 =	vor.u32 v2, v3;
	_ =	sdelay $0x4  }
0x83: {  	[tilespmem:v2+s16+$0x0] =	vst.idx.msk $0xffff, v0  }
0x84: {  	v2 =	vld [tilespmem:$0x18880];
	_ =	sdelay $0x4  }
0x85: {  	v3 =	vshll.u32 v2, $0x3  }
0x86: {  	v2 =	vand.u32 $0x7F, v2;
	v3 =	vand.u32 $0xFFFFFC00, v3  }
0x87: {  	v2 =	vor.u32 v3, v2  }
0x88: {  	v2 =	vor.u32 $0x80, v2;
	_ =	sdelay $0x4  }
0x89: {  	[tilespmem:v2+s16+$0x0] =	vst.idx.msk $0xffff, v0  }
0x8a: {  	v2 =	vld [tilespmem:$0x18900];
	_ =	sdelay $0x4  }
0x8b: {  	v3 =	vshll.u32 v2, $0x3  }
0x8c: {  	v2 =	vand.u32 $0x7F, v2;
	v3 =	vand.u32 $0xFFFFFC00, v3  }
0x8d: {  	v2 =	vor.u32 v3, v2  }
0x8e: {  	v2 =	vor.u32 $0x100, v2;
	_ =	sdelay $0x4  }
0x8f: {  	[tilespmem:v2+s16+$0x0] =	vst.idx.msk $0xffff, v0  }
0x90: {  	v2 =	vld [tilespmem:$0x18980];
	_ =	sdelay $0x4  }
0x91: {  	v3 =	vshll.u32 v2, $0x3  }
0x92: {  	v2 =	vand.u32 $0x7F, v2;
	v3 =	vand.u32 $0xFFFFFC00, v3  }
0x93: {  	v2 =	vor.u32 v3, v2  }
0x94: {  	v2 =	vor.u32 $0x180, v2;
	_ =	sdelay $0x4  }
0x95: {  	[tilespmem:v2+s16+$0x0] =	vst.idx.msk $0xffff, v0  }
0x96: {  	v2 =	vld [tilespmem:$0x18A00];
	_ =	sdelay $0x4  }
0x97: {  	v3 =	vshll.u32 v2, $0x3  }
0x98: {  	v2 =	vand.u32 $0x7F, v2;
	v3 =	vand.u32 $0xFFFFFC00, v3  }
0x99: {  	v2 =	vor.u32 v3, v2  }
0x9a: {  	v2 =	vor.u32 $0x200, v2;
	_ =	sdelay $0x4  }
0x9b: {  	[tilespmem:v2+s16+$0x0] =	vst.idx.msk $0xffff, v0  }
0x9c: {  	v2 =	vld [tilespmem:$0x18A80];
	_ =	sdelay $0x4  }
0x9d: {  	v3 =	vshll.u32 v2, $0x3  }
0x9e: {  	v2 =	vand.u32 $0x7F, v2;
	v3 =	vand.u32 $0xFFFFFC00, v3  }
0x9f: {  	v2 =	vor.u32 v3, v2  }
0xa0: {  	v2 =	vor.u32 $0x280, v2;
	_ =	sdelay $0x4  }
0xa1: {  	[tilespmem:v2+s16+$0x0] =	vst.idx.msk $0xffff, v0  }
0xa2: {  	v2 =	vld [tilespmem:$0x18B00];
	_ =	sdelay $0x4  }
0xa3: {  	v3 =	vshll.u32 v2, $0x3  }
0xa4: {  	v2 =	vand.u32 $0x7F, v2;
	v3 =	vand.u32 $0xFFFFFC00, v3  }
0xa5: {  	v2 =	vor.u32 v3, v2  }
0xa6: {  	v2 =	vor.u32 $0x300, v2;
	_ =	sdelay $0x4  }
0xa7: {  	[tilespmem:v2+s16+$0x0] =	vst.idx.msk $0xffff, v0  }
0xa8: {  	v2 =	vld [tilespmem:$0x18B80];
	_ =	sdelay $0x4  }
0xa9: {  	v3 =	vshll.u32 v2, $0x3  }
0xaa: {  	v2 =	vand.u32 $0x7F, v2;
	v3 =	vand.u32 $0xFFFFFC00, v3  }
0xab: {  	v2 =	vor.u32 v3, v2  }
0xac: {  	v2 =	vor.u32 $0x380, v2;
	_ =	sdelay $0x4  }
0xad: {  	[tilespmem:v2+s16+$0x0] =	vst.idx.msk $0xffff, v0  }
0xae: {  	v2 =	vld [tilespmem:$0x18C00];
	_ =	sdelay $0x4  }
0xaf: {  	v3 =	vshll.u32 v2, $0x3  }
0xb0: {  	v2 =	vand.u32 $0x7F, v2;
	v3 =	vand.u32 $0xFFFFFC00, v3  }
0xb1: {  	v2 =	vor.u32 v2, v3  }
0xb2: {  	v2 =	vadd.s32 $0x4000, v2;
	_ =	sdelay $0x4  }
0xb3: {  	[tilespmem:v2+s16+$0x0] =	vst.idx.msk $0xffff, v0  }
0xb4: {  	v2 =	vld [tilespmem:$0x18C80];
	_ =	sdelay $0x4  }
0xb5: {  	v3 =	vshll.u32 v2, $0x3  }
0xb6: {  	v2 =	vand.u32 $0x7F, v2;
	v3 =	vand.u32 $0xFFFFFC00, v3  }
0xb7: {  	v2 =	vor.u32 v2, v3  }
0xb8: {  	v2 =	vadd.s32 $0x4080, v2;
	_ =	sdelay $0x4  }
0xb9: {  	[tilespmem:v2+s16+$0x0] =	vst.idx.msk $0xffff, v0  }
0xba: {  	v2 =	vld [tilespmem:$0x18D00];
	_ =	sdelay $0x4  }
0xbb: {  	v3 =	vshll.u32 v2, $0x3  }
0xbc: {  	v2 =	vand.u32 $0x7F, v2;
	v3 =	vand.u32 $0xFFFFFC00, v3  }
0xbd: {  	v2 =	vor.u32 v2, v3  }
0xbe: {  	v2 =	vadd.s32 $0x4100, v2;
	_ =	sdelay $0x4  }
0xbf: {  	[tilespmem:v2+s16+$0x0] =	vst.idx.msk $0xffff, v0  }
0xc0: {  	v2 =	vld [tilespmem:$0x18D80];
	_ =	sdelay $0x4  }
0xc1: {  	v3 =	vshll.u32 v2, $0x3  }
0xc2: {  	v2 =	vand.u32 $0x7F, v2;
	v3 =	vand.u32 $0xFFFFFC00, v3  }
0xc3: {  	v2 =	vor.u32 v2, v3  }
0xc4: {  	v2 =	vadd.s32 $0x4180, v2;
	_ =	sdelay $0x4  }
0xc5: {  	[tilespmem:v2+s16+$0x0] =	vst.idx.msk $0xffff, v0  }
0xc6: {  	v2 =	vld [tilespmem:$0x18E00];
	_ =	sdelay $0x4  }
0xc7: {  	v3 =	vshll.u32 v2, $0x3  }
0xc8: {  	v2 =	vand.u32 $0x7F, v2;
	v3 =	vand.u32 $0xFFFFFC00, v3  }
0xc9: {  	v2 =	vor.u32 v2, v3  }
0xca: {  	v2 =	vadd.s32 $0x4200, v2;
	_ =	sdelay $0x4  }
0xcb: {  	[tilespmem:v2+s16+$0x0] =	vst.idx.msk $0xffff, v0  }
0xcc: {  	v2 =	vld [tilespmem:$0x18E80];
	_ =	sdelay $0x4  }
0xcd: {  	v3 =	vshll.u32 v2, $0x3  }
0xce: {  	v2 =	vand.u32 $0x7F, v2;
	v3 =	vand.u32 $0xFFFFFC00, v3  }
0xcf: {  	v2 =	vor.u32 v2, v3  }
0xd0: {  	v2 =	vadd.s32 $0x4280, v2;
	_ =	sdelay $0x4  }
0xd1: {  	[tilespmem:v2+s16+$0x0] =	vst.idx.msk $0xffff, v0  }
0xd2: {  	v2 =	vld [tilespmem:$0x18F00];
	_ =	sdelay $0x4  }
0xd3: {  	v3 =	vshll.u32 v2, $0x3  }
0xd4: {  	v2 =	vand.u32 $0x7F, v2;
	v3 =	vand.u32 $0xFFFFFC00, v3  }
0xd5: {  	v2 =	vor.u32 v2, v3  }
0xd6: {  	v2 =	vadd.s32 $0x4300, v2;
	_ =	sdelay $0x4  }
0xd7: {  	[tilespmem:v2+s16+$0x0] =	vst.idx.msk $0xffff, v0  }
0xd8: {  	v2 =	vld [tilespmem:$0x18F80];
	_ =	sdelay $0x4  }
0xd9: {  	v3 =	vshll.u32 v2, $0x3  }
0xda: {  	v2 =	vand.u32 $0x7F, v2;
	v3 =	vand.u32 $0xFFFFFC00, v3  }
0xdb: {  	v2 =	vor.u32 v2, v3  }
0xdc: {  	v2 =	vadd.s32 $0x4380, v2;
	_ =	sdelay $0x4  }
0xdd: {  	[tilespmem:v2+s16+$0x0] =	vst.idx.msk $0xffff, v0  }
0xde: {  	[hbm4b:s6+s2] =	stream.linear.scatter [tilespmem:s16], [sflag:$0x2], $0x8000, $0x38;
	[tilespmem:$0x1C000] =	vst v63  }
0xdf: {  	v2 =	vld [tilespmem:$0x19000];
	_ =	sdelay $0x4  }
0xe0: {  	v3 =	vshll.u32 v2, $0x3  }
0xe1: {  	v2 =	vand.u32 $0x7F, v2;
	v3 =	vand.u32 $0xFFFFFC00, v3  }
0xe2: {  	v2 =	vor.u32 v2, v3;
	_ =	sdelay $0x4  }
0xe3: {  	[tilespmem:v2+s17+$0x0] =	vst.idx.msk $0xffff, v0  }
0xe4: {  	v2 =	vld [tilespmem:$0x19080];
	_ =	sdelay $0x4  }
0xe5: {  	v3 =	vshll.u32 v2, $0x3  }
0xe6: {  	v2 =	vand.u32 $0x7F, v2;
	v3 =	vand.u32 $0xFFFFFC00, v3  }
0xe7: {  	v2 =	vor.u32 v3, v2  }
0xe8: {  	v2 =	vor.u32 $0x80, v2;
	_ =	sdelay $0x4  }
0xe9: {  	[tilespmem:v2+s17+$0x0] =	vst.idx.msk $0xffff, v0  }
0xea: {  	v2 =	vld [tilespmem:$0x19100];
	_ =	sdelay $0x4  }
0xeb: {  	v3 =	vshll.u32 v2, $0x3  }
0xec: {  	v2 =	vand.u32 $0x7F, v2;
	v3 =	vand.u32 $0xFFFFFC00, v3  }
0xed: {  	v2 =	vor.u32 v3, v2  }
0xee: {  	v2 =	vor.u32 $0x100, v2;
	_ =	sdelay $0x4  }
0xef: {  	[tilespmem:v2+s17+$0x0] =	vst.idx.msk $0xffff, v0  }
0xf0: {  	v2 =	vld [tilespmem:$0x19180];
	_ =	sdelay $0x4  }
0xf1: {  	v3 =	vshll.u32 v2, $0x3  }
0xf2: {  	v2 =	vand.u32 $0x7F, v2;
	v3 =	vand.u32 $0xFFFFFC00, v3  }
0xf3: {  	v2 =	vor.u32 v3, v2  }
0xf4: {  	v2 =	vor.u32 $0x180, v2;
	_ =	sdelay $0x4  }
0xf5: {  	[tilespmem:v2+s17+$0x0] =	vst.idx.msk $0xffff, v0  }
0xf6: {  	v2 =	vld [tilespmem:$0x19200];
	_ =	sdelay $0x4  }
0xf7: {  	v3 =	vshll.u32 v2, $0x3  }
0xf8: {  	v2 =	vand.u32 $0x7F, v2;
	v3 =	vand.u32 $0xFFFFFC00, v3  }
0xf9: {  	v2 =	vor.u32 v3, v2  }
0xfa: {  	v2 =	vor.u32 $0x200, v2;
	_ =	sdelay $0x4  }
0xfb: {  	[tilespmem:v2+s17+$0x0] =	vst.idx.msk $0xffff, v0  }
0xfc: {  	v2 =	vld [tilespmem:$0x19280];
	_ =	sdelay $0x4  }
0xfd: {  	v3 =	vshll.u32 v2, $0x3  }
0xfe: {  	v2 =	vand.u32 $0x7F, v2;
	v3 =	vand.u32 $0xFFFFFC00, v3  }
0xff: {  	v2 =	vor.u32 v3, v2  }
0x100: {  	v2 =	vor.u32 $0x280, v2;
	_ =	sdelay $0x4  }
0x101: {  	[tilespmem:v2+s17+$0x0] =	vst.idx.msk $0xffff, v0  }
0x102: {  	v2 =	vld [tilespmem:$0x19300];
	_ =	sdelay $0x4  }
0x103: {  	v3 =	vshll.u32 v2, $0x3  }
0x104: {  	v2 =	vand.u32 $0x7F, v2;
	v3 =	vand.u32 $0xFFFFFC00, v3  }
0x105: {  	v2 =	vor.u32 v3, v2  }
0x106: {  	v2 =	vor.u32 $0x300, v2;
	_ =	sdelay $0x4  }
0x107: {  	[tilespmem:v2+s17+$0x0] =	vst.idx.msk $0xffff, v0  }
0x108: {  	v2 =	vld [tilespmem:$0x19380];
	_ =	sdelay $0x4  }
0x109: {  	v3 =	vshll.u32 v2, $0x3  }
0x10a: {  	v2 =	vand.u32 $0x7F, v2;
	v3 =	vand.u32 $0xFFFFFC00, v3  }
0x10b: {  	v2 =	vor.u32 v3, v2  }
0x10c: {  	v2 =	vor.u32 $0x380, v2;
	_ =	sdelay $0x4  }
0x10d: {  	[tilespmem:v2+s17+$0x0] =	vst.idx.msk $0xffff, v0  }
0x10e: {  	v2 =	vld [tilespmem:$0x19400];
	_ =	sdelay $0x4  }
0x10f: {  	v3 =	vshll.u32 v2, $0x3  }
0x110: {  	v2 =	vand.u32 $0x7F, v2;
	v3 =	vand.u32 $0xFFFFFC00, v3  }
0x111: {  	v2 =	vor.u32 v2, v3  }
0x112: {  	v2 =	vadd.s32 $0x4000, v2;
	_ =	sdelay $0x4  }
0x113: {  	[tilespmem:v2+s17+$0x0] =	vst.idx.msk $0xffff, v0  }
0x114: {  	v2 =	vld [tilespmem:$0x19480];
	_ =	sdelay $0x4  }
0x115: {  	v3 =	vshll.u32 v2, $0x3  }
0x116: {  	v2 =	vand.u32 $0x7F, v2;
	v3 =	vand.u32 $0xFFFFFC00, v3  }
0x117: {  	v2 =	vor.u32 v2, v3  }
0x118: {  	v2 =	vadd.s32 $0x4080, v2;
	_ =	sdelay $0x4  }
0x119: {  	[tilespmem:v2+s17+$0x0] =	vst.idx.msk $0xffff, v0  }
0x11a: {  	v2 =	vld [tilespmem:$0x19500];
	_ =	sdelay $0x4  }
0x11b: {  	v3 =	vshll.u32 v2, $0x3  }
0x11c: {  	v2 =	vand.u32 $0x7F, v2;
	v3 =	vand.u32 $0xFFFFFC00, v3  }
0x11d: {  	v2 =	vor.u32 v2, v3  }
0x11e: {  	v2 =	vadd.s32 $0x4100, v2;
	_ =	sdelay $0x4  }
0x11f: {  	[tilespmem:v2+s17+$0x0] =	vst.idx.msk $0xffff, v0  }
0x120: {  	v2 =	vld [tilespmem:$0x19580];
	_ =	sdelay $0x4  }
0x121: {  	v3 =	vshll.u32 v2, $0x3  }
0x122: {  	v2 =	vand.u32 $0x7F, v2;
	v3 =	vand.u32 $0xFFFFFC00, v3  }
0x123: {  	v2 =	vor.u32 v2, v3  }
0x124: {  	v2 =	vadd.s32 $0x4180, v2;
	_ =	sdelay $0x4  }
0x125: {  	[tilespmem:v2+s17+$0x0] =	vst.idx.msk $0xffff, v0  }
0x126: {  	v2 =	vld [tilespmem:$0x19600];
	_ =	sdelay $0x4  }
0x127: {  	v3 =	vshll.u32 v2, $0x3  }
0x128: {  	v2 =	vand.u32 $0x7F, v2;
	v3 =	vand.u32 $0xFFFFFC00, v3  }
0x129: {  	v2 =	vor.u32 v2, v3  }
0x12a: {  	v2 =	vadd.s32 $0x4200, v2;
	_ =	sdelay $0x4  }
0x12b: {  	[tilespmem:v2+s17+$0x0] =	vst.idx.msk $0xffff, v0  }
0x12c: {  	v2 =	vld [tilespmem:$0x19680];
	_ =	sdelay $0x4  }
0x12d: {  	v3 =	vshll.u32 v2, $0x3  }
0x12e: {  	v2 =	vand.u32 $0x7F, v2;
	v3 =	vand.u32 $0xFFFFFC00, v3  }
0x12f: {  	v2 =	vor.u32 v2, v3  }
0x130: {  	v2 =	vadd.s32 $0x4280, v2;
	_ =	sdelay $0x4  }
0x131: {  	[tilespmem:v2+s17+$0x0] =	vst.idx.msk $0xffff, v0  }
0x132: {  	v2 =	vld [tilespmem:$0x19700];
	_ =	sdelay $0x4  }
0x133: {  	v3 =	vshll.u32 v2, $0x3  }
0x134: {  	v2 =	vand.u32 $0x7F, v2;
	v3 =	vand.u32 $0xFFFFFC00, v3  }
0x135: {  	v2 =	vor.u32 v2, v3  }
0x136: {  	v2 =	vadd.s32 $0x4300, v2;
	_ =	sdelay $0x4  }
0x137: {  	[tilespmem:v2+s17+$0x0] =	vst.idx.msk $0xffff, v0  }
0x138: {  	v2 =	vld [tilespmem:$0x19780];
	_ =	sdelay $0x4  }
0x139: {  	v3 =	vshll.u32 v2, $0x3  }
0x13a: {  	v2 =	vand.u32 $0x7F, v2;
	v3 =	vand.u32 $0xFFFFFC00, v3  }
0x13b: {  	v2 =	vor.u32 v2, v3  }
0x13c: {  	v2 =	vadd.s32 $0x4380, v2;
	_ =	sdelay $0x4  }
0x13d: {  	[tilespmem:v2+s17+$0x0] =	vst.idx.msk $0xffff, v0  }
0x13e: {  	[hbm4b:s7+s2] =	stream.linear.scatter [tilespmem:s17], [sflag:$0x3], $0x8000, $0x38;
	[tilespmem:$0x1C000] =	vst v63  }
0x13f: {  	_ =	swait.ge [sflag:s18], $0x8000  }
0x140: {  	[sflag:s18] =	ssyncset.done $0x0  }
0x141: {  	[sflag:s18] =	ssyncadd.s32 $0xFFFF8000  }
0x142: {  	v2 =	vld [tilespmem:$0x18000];
	_ =	sdelay $0x4  }
0x143: {  	v3 =	vshll.u32 v2, $0x3  }
0x144: {  	v2 =	vand.u32 $0x7F, v2;
	v3 =	vand.u32 $0xFFFFFC00, v3  }
0x145: {  	v2 =	vor.u32 v2, v3;
	_ =	sdelay $0x4  }
0x146: {  	[tilespmem:v2+s2+$0x0] =	vst.idx.msk $0xffff, v1  }
0x147: {  	v2 =	vld [tilespmem:$0x18080];
	_ =	sdelay $0x4  }
0x148: {  	v3 =	vshll.u32 v2, $0x3  }
0x149: {  	v2 =	vand.u32 $0x7F, v2;
	v3 =	vand.u32 $0xFFFFFC00, v3  }
0x14a: {  	v2 =	vor.u32 v3, v2  }
0x14b: {  	v2 =	vor.u32 $0x80, v2;
	_ =	sdelay $0x4  }
0x14c: {  	[tilespmem:v2+s2+$0x0] =	vst.idx.msk $0xffff, v1  }
0x14d: {  	v2 =	vld [tilespmem:$0x18100];
	_ =	sdelay $0x4  }
0x14e: {  	v3 =	vshll.u32 v2, $0x3  }
0x14f: {  	v2 =	vand.u32 $0x7F, v2;
	v3 =	vand.u32 $0xFFFFFC00, v3  }
0x150: {  	v2 =	vor.u32 v3, v2  }
0x151: {  	v2 =	vor.u32 $0x100, v2;
	_ =	sdelay $0x4  }
0x152: {  	[tilespmem:v2+s2+$0x0] =	vst.idx.msk $0xffff, v1  }
0x153: {  	v2 =	vld [tilespmem:$0x18180];
	_ =	sdelay $0x4  }
0x154: {  	v3 =	vshll.u32 v2, $0x3  }
0x155: {  	v2 =	vand.u32 $0x7F, v2;
	v3 =	vand.u32 $0xFFFFFC00, v3  }
0x156: {  	v2 =	vor.u32 v3, v2  }
0x157: {  	v2 =	vor.u32 $0x180, v2;
	_ =	sdelay $0x4  }
0x158: {  	[tilespmem:v2+s2+$0x0] =	vst.idx.msk $0xffff, v1  }
0x159: {  	v2 =	vld [tilespmem:$0x18200];
	_ =	sdelay $0x4  }
0x15a: {  	v3 =	vshll.u32 v2, $0x3  }
0x15b: {  	v2 =	vand.u32 $0x7F, v2;
	v3 =	vand.u32 $0xFFFFFC00, v3  }
0x15c: {  	v2 =	vor.u32 v3, v2  }
0x15d: {  	v2 =	vor.u32 $0x200, v2;
	_ =	sdelay $0x4  }
0x15e: {  	[tilespmem:v2+s2+$0x0] =	vst.idx.msk $0xffff, v1  }
0x15f: {  	v2 =	vld [tilespmem:$0x18280];
	_ =	sdelay $0x4  }
0x160: {  	v3 =	vshll.u32 v2, $0x3  }
0x161: {  	v2 =	vand.u32 $0x7F, v2;
	v3 =	vand.u32 $0xFFFFFC00, v3  }
0x162: {  	v2 =	vor.u32 v3, v2  }
0x163: {  	v2 =	vor.u32 $0x280, v2;
	_ =	sdelay $0x4  }
0x164: {  	[tilespmem:v2+s2+$0x0] =	vst.idx.msk $0xffff, v1  }
0x165: {  	v2 =	vld [tilespmem:$0x18300];
	_ =	sdelay $0x4  }
0x166: {  	v3 =	vshll.u32 v2, $0x3  }
0x167: {  	v2 =	vand.u32 $0x7F, v2;
	v3 =	vand.u32 $0xFFFFFC00, v3  }
0x168: {  	v2 =	vor.u32 v3, v2  }
0x169: {  	v2 =	vor.u32 $0x300, v2;
	_ =	sdelay $0x4  }
0x16a: {  	[tilespmem:v2+s2+$0x0] =	vst.idx.msk $0xffff, v1  }
0x16b: {  	v2 =	vld [tilespmem:$0x18380];
	_ =	sdelay $0x4  }
0x16c: {  	v3 =	vshll.u32 v2, $0x3  }
0x16d: {  	v2 =	vand.u32 $0x7F, v2;
	v3 =	vand.u32 $0xFFFFFC00, v3  }
0x16e: {  	v2 =	vor.u32 v3, v2  }
0x16f: {  	v2 =	vor.u32 $0x380, v2;
	_ =	sdelay $0x4  }
0x170: {  	[tilespmem:v2+s2+$0x0] =	vst.idx.msk $0xffff, v1  }
0x171: {  	v2 =	vld [tilespmem:$0x18400];
	_ =	sdelay $0x4  }
0x172: {  	v3 =	vshll.u32 v2, $0x3  }
0x173: {  	v2 =	vand.u32 $0x7F, v2;
	v3 =	vand.u32 $0xFFFFFC00, v3  }
0x174: {  	v2 =	vor.u32 v2, v3  }
0x175: {  	v2 =	vadd.s32 $0x4000, v2;
	_ =	sdelay $0x4  }
0x176: {  	[tilespmem:v2+s2+$0x0] =	vst.idx.msk $0xffff, v1  }
0x177: {  	v2 =	vld [tilespmem:$0x18480];
	_ =	sdelay $0x4  }
0x178: {  	v3 =	vshll.u32 v2, $0x3  }
0x179: {  	v2 =	vand.u32 $0x7F, v2;
	v3 =	vand.u32 $0xFFFFFC00, v3  }
0x17a: {  	v2 =	vor.u32 v2, v3  }
0x17b: {  	v2 =	vadd.s32 $0x4080, v2;
	_ =	sdelay $0x4  }
0x17c: {  	[tilespmem:v2+s2+$0x0] =	vst.idx.msk $0xffff, v1  }
0x17d: {  	v2 =	vld [tilespmem:$0x18500];
	_ =	sdelay $0x4  }
0x17e: {  	v3 =	vshll.u32 v2, $0x3  }
0x17f: {  	v2 =	vand.u32 $0x7F, v2;
	v3 =	vand.u32 $0xFFFFFC00, v3  }
0x180: {  	v2 =	vor.u32 v2, v3  }
0x181: {  	v2 =	vadd.s32 $0x4100, v2;
	_ =	sdelay $0x4  }
0x182: {  	[tilespmem:v2+s2+$0x0] =	vst.idx.msk $0xffff, v1  }
0x183: {  	v2 =	vld [tilespmem:$0x18580];
	_ =	sdelay $0x4  }
0x184: {  	v3 =	vshll.u32 v2, $0x3  }
0x185: {  	v2 =	vand.u32 $0x7F, v2;
	v3 =	vand.u32 $0xFFFFFC00, v3  }
0x186: {  	v2 =	vor.u32 v2, v3  }
0x187: {  	v2 =	vadd.s32 $0x4180, v2;
	_ =	sdelay $0x4  }
0x188: {  	[tilespmem:v2+s2+$0x0] =	vst.idx.msk $0xffff, v1  }
0x189: {  	v2 =	vld [tilespmem:$0x18600];
	_ =	sdelay $0x4  }
0x18a: {  	v3 =	vshll.u32 v2, $0x3  }
0x18b: {  	v2 =	vand.u32 $0x7F, v2;
	v3 =	vand.u32 $0xFFFFFC00, v3  }
0x18c: {  	v2 =	vor.u32 v2, v3  }
0x18d: {  	v2 =	vadd.s32 $0x4200, v2;
	_ =	sdelay $0x4  }
0x18e: {  	[tilespmem:v2+s2+$0x0] =	vst.idx.msk $0xffff, v1  }
0x18f: {  	v2 =	vld [tilespmem:$0x18680];
	_ =	sdelay $0x4  }
0x190: {  	v3 =	vshll.u32 v2, $0x3  }
0x191: {  	v2 =	vand.u32 $0x7F, v2;
	v3 =	vand.u32 $0xFFFFFC00, v3  }
0x192: {  	v2 =	vor.u32 v2, v3  }
0x193: {  	v2 =	vadd.s32 $0x4280, v2;
	_ =	sdelay $0x4  }
0x194: {  	[tilespmem:v2+s2+$0x0] =	vst.idx.msk $0xffff, v1  }
0x195: {  	v2 =	vld [tilespmem:$0x18700];
	_ =	sdelay $0x4  }
0x196: {  	v3 =	vshll.u32 v2, $0x3  }
0x197: {  	v2 =	vand.u32 $0x7F, v2;
	v3 =	vand.u32 $0xFFFFFC00, v3  }
0x198: {  	v2 =	vor.u32 v2, v3  }
0x199: {  	v2 =	vadd.s32 $0x4300, v2;
	_ =	sdelay $0x4  }
0x19a: {  	[tilespmem:v2+s2+$0x0] =	vst.idx.msk $0xffff, v1  }
0x19b: {  	v2 =	vld [tilespmem:$0x18780];
	_ =	sdelay $0x4  }
0x19c: {  	v3 =	vshll.u32 v2, $0x3  }
0x19d: {  	v2 =	vand.u32 $0x7F, v2;
	v3 =	vand.u32 $0xFFFFFC00, v3  }
0x19e: {  	v2 =	vor.u32 v2, v3  }
0x19f: {  	v2 =	vadd.s32 $0x4380, v2;
	_ =	sdelay $0x4  }
0x1a0: {  	[tilespmem:v2+s2+$0x0] =	vst.idx.msk $0xffff, v1  }
0x1a1: {  	v2 =	vld [tilespmem:$0x19800];
	_ =	sdelay $0x4  }
0x1a2: {  	v3 =	vshll.u32 v2, $0x3  }
0x1a3: {  	v2 =	vand.u32 $0x7F, v2;
	v3 =	vand.u32 $0xFFFFFC00, v3  }
0x1a4: {  	v2 =	vor.u32 v2, v3;
	_ =	sdelay $0x4  }
0x1a5: {  	[tilespmem:v2+s2+$0x0] =	vst.idx.msk $0xffff, v0  }
0x1a6: {  	v2 =	vld [tilespmem:$0x19880];
	_ =	sdelay $0x4  }
0x1a7: {  	v3 =	vshll.u32 v2, $0x3  }
0x1a8: {  	v2 =	vand.u32 $0x7F, v2;
	v3 =	vand.u32 $0xFFFFFC00, v3  }
0x1a9: {  	v2 =	vor.u32 v3, v2  }
0x1aa: {  	v2 =	vor.u32 $0x80, v2;
	_ =	sdelay $0x4  }
0x1ab: {  	[tilespmem:v2+s2+$0x0] =	vst.idx.msk $0xffff, v0  }
0x1ac: {  	v2 =	vld [tilespmem:$0x19900];
	_ =	sdelay $0x4  }
0x1ad: {  	v3 =	vshll.u32 v2, $0x3  }
0x1ae: {  	v2 =	vand.u32 $0x7F, v2;
	v3 =	vand.u32 $0xFFFFFC00, v3  }
0x1af: {  	v2 =	vor.u32 v3, v2  }
0x1b0: {  	v2 =	vor.u32 $0x100, v2;
	_ =	sdelay $0x4  }
0x1b1: {  	[tilespmem:v2+s2+$0x0] =	vst.idx.msk $0xffff, v0  }
0x1b2: {  	v2 =	vld [tilespmem:$0x19980];
	_ =	sdelay $0x4  }
0x1b3: {  	v3 =	vshll.u32 v2, $0x3  }
0x1b4: {  	v2 =	vand.u32 $0x7F, v2;
	v3 =	vand.u32 $0xFFFFFC00, v3  }
0x1b5: {  	v2 =	vor.u32 v3, v2  }
0x1b6: {  	v2 =	vor.u32 $0x180, v2;
	_ =	sdelay $0x4  }
0x1b7: {  	[tilespmem:v2+s2+$0x0] =	vst.idx.msk $0xffff, v0  }
0x1b8: {  	v2 =	vld [tilespmem:$0x19A00];
	_ =	sdelay $0x4  }
0x1b9: {  	v3 =	vshll.u32 v2, $0x3  }
0x1ba: {  	v2 =	vand.u32 $0x7F, v2;
	v3 =	vand.u32 $0xFFFFFC00, v3  }
0x1bb: {  	v2 =	vor.u32 v3, v2  }
0x1bc: {  	v2 =	vor.u32 $0x200, v2;
	_ =	sdelay $0x4  }
0x1bd: {  	[tilespmem:v2+s2+$0x0] =	vst.idx.msk $0xffff, v0  }
0x1be: {  	v2 =	vld [tilespmem:$0x19A80];
	_ =	sdelay $0x4  }
0x1bf: {  	v3 =	vshll.u32 v2, $0x3  }
0x1c0: {  	v2 =	vand.u32 $0x7F, v2;
	v3 =	vand.u32 $0xFFFFFC00, v3  }
0x1c1: {  	v2 =	vor.u32 v3, v2  }
0x1c2: {  	v2 =	vor.u32 $0x280, v2;
	_ =	sdelay $0x4  }
0x1c3: {  	[tilespmem:v2+s2+$0x0] =	vst.idx.msk $0xffff, v0  }
0x1c4: {  	v2 =	vld [tilespmem:$0x19B00];
	_ =	sdelay $0x4  }
0x1c5: {  	v3 =	vshll.u32 v2, $0x3  }
0x1c6: {  	v2 =	vand.u32 $0x7F, v2;
	v3 =	vand.u32 $0xFFFFFC00, v3  }
0x1c7: {  	v2 =	vor.u32 v3, v2  }
0x1c8: {  	v2 =	vor.u32 $0x300, v2;
	_ =	sdelay $0x4  }
0x1c9: {  	[tilespmem:v2+s2+$0x0] =	vst.idx.msk $0xffff, v0  }
0x1ca: {  	v2 =	vld [tilespmem:$0x19B80];
	_ =	sdelay $0x4  }
0x1cb: {  	v3 =	vshll.u32 v2, $0x3  }
0x1cc: {  	v2 =	vand.u32 $0x7F, v2;
	v3 =	vand.u32 $0xFFFFFC00, v3  }
0x1cd: {  	v2 =	vor.u32 v3, v2  }
0x1ce: {  	v2 =	vor.u32 $0x380, v2;
	_ =	sdelay $0x4  }
0x1cf: {  	[tilespmem:v2+s2+$0x0] =	vst.idx.msk $0xffff, v0  }
0x1d0: {  	v2 =	vld [tilespmem:$0x19C00];
	_ =	sdelay $0x4  }
0x1d1: {  	v3 =	vshll.u32 v2, $0x3  }
0x1d2: {  	v2 =	vand.u32 $0x7F, v2;
	v3 =	vand.u32 $0xFFFFFC00, v3  }
0x1d3: {  	v2 =	vor.u32 v2, v3  }
0x1d4: {  	v2 =	vadd.s32 $0x4000, v2;
	_ =	sdelay $0x4  }
0x1d5: {  	[tilespmem:v2+s2+$0x0] =	vst.idx.msk $0xffff, v0  }
0x1d6: {  	v2 =	vld [tilespmem:$0x19C80];
	_ =	sdelay $0x4  }
0x1d7: {  	v3 =	vshll.u32 v2, $0x3  }
0x1d8: {  	v2 =	vand.u32 $0x7F, v2;
	v3 =	vand.u32 $0xFFFFFC00, v3  }
0x1d9: {  	v2 =	vor.u32 v2, v3  }
0x1da: {  	v2 =	vadd.s32 $0x4080, v2;
	_ =	sdelay $0x4  }
0x1db: {  	[tilespmem:v2+s2+$0x0] =	vst.idx.msk $0xffff, v0  }
0x1dc: {  	v2 =	vld [tilespmem:$0x19D00];
	_ =	sdelay $0x4  }
0x1dd: {  	v3 =	vshll.u32 v2, $0x3  }
0x1de: {  	v2 =	vand.u32 $0x7F, v2;
	v3 =	vand.u32 $0xFFFFFC00, v3  }
0x1df: {  	v2 =	vor.u32 v2, v3  }
0x1e0: {  	v2 =	vadd.s32 $0x4100, v2;
	_ =	sdelay $0x4  }
0x1e1: {  	[tilespmem:v2+s2+$0x0] =	vst.idx.msk $0xffff, v0  }
0x1e2: {  	v2 =	vld [tilespmem:$0x19D80];
	_ =	sdelay $0x4  }
0x1e3: {  	v3 =	vshll.u32 v2, $0x3  }
0x1e4: {  	v2 =	vand.u32 $0x7F, v2;
	v3 =	vand.u32 $0xFFFFFC00, v3  }
0x1e5: {  	v2 =	vor.u32 v2, v3  }
0x1e6: {  	v2 =	vadd.s32 $0x4180, v2;
	_ =	sdelay $0x4  }
0x1e7: {  	[tilespmem:v2+s2+$0x0] =	vst.idx.msk $0xffff, v0  }
0x1e8: {  	v2 =	vld [tilespmem:$0x19E00];
	_ =	sdelay $0x4  }
0x1e9: {  	v3 =	vshll.u32 v2, $0x3  }
0x1ea: {  	v2 =	vand.u32 $0x7F, v2;
	v3 =	vand.u32 $0xFFFFFC00, v3  }
0x1eb: {  	v2 =	vor.u32 v2, v3  }
0x1ec: {  	v2 =	vadd.s32 $0x4200, v2;
	_ =	sdelay $0x4  }
0x1ed: {  	[tilespmem:v2+s2+$0x0] =	vst.idx.msk $0xffff, v0  }
0x1ee: {  	v2 =	vld [tilespmem:$0x19E80];
	_ =	sdelay $0x4  }
0x1ef: {  	v3 =	vshll.u32 v2, $0x3  }
0x1f0: {  	v2 =	vand.u32 $0x7F, v2;
	v3 =	vand.u32 $0xFFFFFC00, v3  }
0x1f1: {  	v2 =	vor.u32 v2, v3  }
0x1f2: {  	v2 =	vadd.s32 $0x4280, v2;
	_ =	sdelay $0x4  }
0x1f3: {  	[tilespmem:v2+s2+$0x0] =	vst.idx.msk $0xffff, v0  }
0x1f4: {  	v2 =	vld [tilespmem:$0x19F00];
	_ =	sdelay $0x4  }
0x1f5: {  	v3 =	vshll.u32 v2, $0x3  }
0x1f6: {  	v2 =	vand.u32 $0x7F, v2;
	v3 =	vand.u32 $0xFFFFFC00, v3  }
0x1f7: {  	v2 =	vor.u32 v2, v3  }
0x1f8: {  	v2 =	vadd.s32 $0x4300, v2;
	_ =	sdelay $0x4  }
0x1f9: {  	[tilespmem:v2+s2+$0x0] =	vst.idx.msk $0xffff, v0  }
0x1fa: {  	v2 =	vld [tilespmem:$0x19F80];
	_ =	sdelay $0x4  }
0x1fb: {  	v3 =	vshll.u32 v2, $0x3  }
0x1fc: {  	v2 =	vand.u32 $0x7F, v2;
	v3 =	vand.u32 $0xFFFFFC00, v3  }
0x1fd: {  	v2 =	vor.u32 v2, v3  }
0x1fe: {  	v2 =	vadd.s32 $0x4380, v2;
	_ =	sdelay $0x4  }
0x1ff: {  	[tilespmem:v2+s2+$0x0] =	vst.idx.msk $0xffff, v0  }
0x200: {  	[hbm4b:s8+s2] =	stream.linear.scatter [tilespmem:s2], [sflag:$0x1], $0x8000, $0x38;
	[tilespmem:$0x1C000] =	vst v63  }
0x201: {  	_ =	swait.ge [sflag:s19], $0x8000  }
0x202: {  	[sflag:s19] =	ssyncset.done $0x0  }
0x203: {  	[sflag:s19] =	ssyncadd.s32 $0xFFFF8000  }
0x204: {  	v2 =	vld [tilespmem:$0x18800];
	_ =	sdelay $0x4  }
0x205: {  	v3 =	vshll.u32 v2, $0x3  }
0x206: {  	v2 =	vand.u32 $0x7F, v2;
	v3 =	vand.u32 $0xFFFFFC00, v3  }
0x207: {  	v2 =	vor.u32 v2, v3;
	_ =	sdelay $0x4  }
0x208: {  	[tilespmem:v2+s16+$0x0] =	vst.idx.msk $0xffff, v1  }
0x209: {  	v2 =	vld [tilespmem:$0x18880];
	_ =	sdelay $0x4  }
0x20a: {  	v3 =	vshll.u32 v2, $0x3  }
0x20b: {  	v2 =	vand.u32 $0x7F, v2;
	v3 =	vand.u32 $0xFFFFFC00, v3  }
0x20c: {  	v2 =	vor.u32 v3, v2  }
0x20d: {  	v2 =	vor.u32 $0x80, v2;
	_ =	sdelay $0x4  }
0x20e: {  	[tilespmem:v2+s16+$0x0] =	vst.idx.msk $0xffff, v1  }
0x20f: {  	v2 =	vld [tilespmem:$0x18900];
	_ =	sdelay $0x4  }
0x210: {  	v3 =	vshll.u32 v2, $0x3  }
0x211: {  	v2 =	vand.u32 $0x7F, v2;
	v3 =	vand.u32 $0xFFFFFC00, v3  }
0x212: {  	v2 =	vor.u32 v3, v2  }
0x213: {  	v2 =	vor.u32 $0x100, v2;
	_ =	sdelay $0x4  }
0x214: {  	[tilespmem:v2+s16+$0x0] =	vst.idx.msk $0xffff, v1  }
0x215: {  	v2 =	vld [tilespmem:$0x18980];
	_ =	sdelay $0x4  }
0x216: {  	v3 =	vshll.u32 v2, $0x3  }
0x217: {  	v2 =	vand.u32 $0x7F, v2;
	v3 =	vand.u32 $0xFFFFFC00, v3  }
0x218: {  	v2 =	vor.u32 v3, v2  }
0x219: {  	v2 =	vor.u32 $0x180, v2;
	_ =	sdelay $0x4  }
0x21a: {  	[tilespmem:v2+s16+$0x0] =	vst.idx.msk $0xffff, v1  }
0x21b: {  	v2 =	vld [tilespmem:$0x18A00];
	_ =	sdelay $0x4  }
0x21c: {  	v3 =	vshll.u32 v2, $0x3  }
0x21d: {  	v2 =	vand.u32 $0x7F, v2;
	v3 =	vand.u32 $0xFFFFFC00, v3  }
0x21e: {  	v2 =	vor.u32 v3, v2  }
0x21f: {  	v2 =	vor.u32 $0x200, v2;
	_ =	sdelay $0x4  }
0x220: {  	[tilespmem:v2+s16+$0x0] =	vst.idx.msk $0xffff, v1  }
0x221: {  	v2 =	vld [tilespmem:$0x18A80];
	_ =	sdelay $0x4  }
0x222: {  	v3 =	vshll.u32 v2, $0x3  }
0x223: {  	v2 =	vand.u32 $0x7F, v2;
	v3 =	vand.u32 $0xFFFFFC00, v3  }
0x224: {  	v2 =	vor.u32 v3, v2  }
0x225: {  	v2 =	vor.u32 $0x280, v2;
	_ =	sdelay $0x4  }
0x226: {  	[tilespmem:v2+s16+$0x0] =	vst.idx.msk $0xffff, v1  }
0x227: {  	v2 =	vld [tilespmem:$0x18B00];
	_ =	sdelay $0x4  }
0x228: {  	v3 =	vshll.u32 v2, $0x3  }
0x229: {  	v2 =	vand.u32 $0x7F, v2;
	v3 =	vand.u32 $0xFFFFFC00, v3  }
0x22a: {  	v2 =	vor.u32 v3, v2  }
0x22b: {  	v2 =	vor.u32 $0x300, v2;
	_ =	sdelay $0x4  }
0x22c: {  	[tilespmem:v2+s16+$0x0] =	vst.idx.msk $0xffff, v1  }
0x22d: {  	v2 =	vld [tilespmem:$0x18B80];
	_ =	sdelay $0x4  }
0x22e: {  	v3 =	vshll.u32 v2, $0x3  }
0x22f: {  	v2 =	vand.u32 $0x7F, v2;
	v3 =	vand.u32 $0xFFFFFC00, v3  }
0x230: {  	v2 =	vor.u32 v3, v2  }
0x231: {  	v2 =	vor.u32 $0x380, v2;
	_ =	sdelay $0x4  }
0x232: {  	[tilespmem:v2+s16+$0x0] =	vst.idx.msk $0xffff, v1  }
0x233: {  	v2 =	vld [tilespmem:$0x18C00];
	_ =	sdelay $0x4  }
0x234: {  	v3 =	vshll.u32 v2, $0x3  }
0x235: {  	v2 =	vand.u32 $0x7F, v2;
	v3 =	vand.u32 $0xFFFFFC00, v3  }
0x236: {  	v2 =	vor.u32 v2, v3  }
0x237: {  	v2 =	vadd.s32 $0x4000, v2;
	_ =	sdelay $0x4  }
0x238: {  	[tilespmem:v2+s16+$0x0] =	vst.idx.msk $0xffff, v1  }
0x239: {  	v2 =	vld [tilespmem:$0x18C80];
	_ =	sdelay $0x4  }
0x23a: {  	v3 =	vshll.u32 v2, $0x3  }
0x23b: {  	v2 =	vand.u32 $0x7F, v2;
	v3 =	vand.u32 $0xFFFFFC00, v3  }
0x23c: {  	v2 =	vor.u32 v2, v3  }
0x23d: {  	v2 =	vadd.s32 $0x4080, v2;
	_ =	sdelay $0x4  }
0x23e: {  	[tilespmem:v2+s16+$0x0] =	vst.idx.msk $0xffff, v1  }
0x23f: {  	v2 =	vld [tilespmem:$0x18D00];
	_ =	sdelay $0x4  }
0x240: {  	v3 =	vshll.u32 v2, $0x3  }
0x241: {  	v2 =	vand.u32 $0x7F, v2;
	v3 =	vand.u32 $0xFFFFFC00, v3  }
0x242: {  	v2 =	vor.u32 v2, v3  }
0x243: {  	v2 =	vadd.s32 $0x4100, v2;
	_ =	sdelay $0x4  }
0x244: {  	[tilespmem:v2+s16+$0x0] =	vst.idx.msk $0xffff, v1  }
0x245: {  	v2 =	vld [tilespmem:$0x18D80];
	_ =	sdelay $0x4  }
0x246: {  	v3 =	vshll.u32 v2, $0x3  }
0x247: {  	v2 =	vand.u32 $0x7F, v2;
	v3 =	vand.u32 $0xFFFFFC00, v3  }
0x248: {  	v2 =	vor.u32 v2, v3  }
0x249: {  	v2 =	vadd.s32 $0x4180, v2;
	_ =	sdelay $0x4  }
0x24a: {  	[tilespmem:v2+s16+$0x0] =	vst.idx.msk $0xffff, v1  }
0x24b: {  	v2 =	vld [tilespmem:$0x18E00];
	_ =	sdelay $0x4  }
0x24c: {  	v3 =	vshll.u32 v2, $0x3  }
0x24d: {  	v2 =	vand.u32 $0x7F, v2;
	v3 =	vand.u32 $0xFFFFFC00, v3  }
0x24e: {  	v2 =	vor.u32 v2, v3  }
0x24f: {  	v2 =	vadd.s32 $0x4200, v2;
	_ =	sdelay $0x4  }
0x250: {  	[tilespmem:v2+s16+$0x0] =	vst.idx.msk $0xffff, v1  }
0x251: {  	v2 =	vld [tilespmem:$0x18E80];
	_ =	sdelay $0x4  }
0x252: {  	v3 =	vshll.u32 v2, $0x3  }
0x253: {  	v2 =	vand.u32 $0x7F, v2;
	v3 =	vand.u32 $0xFFFFFC00, v3  }
0x254: {  	v2 =	vor.u32 v2, v3  }
0x255: {  	v2 =	vadd.s32 $0x4280, v2;
	_ =	sdelay $0x4  }
0x256: {  	[tilespmem:v2+s16+$0x0] =	vst.idx.msk $0xffff, v1  }
0x257: {  	v2 =	vld [tilespmem:$0x18F00];
	_ =	sdelay $0x4  }
0x258: {  	v3 =	vshll.u32 v2, $0x3  }
0x259: {  	v2 =	vand.u32 $0x7F, v2;
	v3 =	vand.u32 $0xFFFFFC00, v3  }
0x25a: {  	v2 =	vor.u32 v2, v3  }
0x25b: {  	v2 =	vadd.s32 $0x4300, v2;
	_ =	sdelay $0x4  }
0x25c: {  	[tilespmem:v2+s16+$0x0] =	vst.idx.msk $0xffff, v1  }
0x25d: {  	v2 =	vld [tilespmem:$0x18F80];
	_ =	sdelay $0x4  }
0x25e: {  	v3 =	vshll.u32 v2, $0x3  }
0x25f: {  	v2 =	vand.u32 $0x7F, v2;
	v3 =	vand.u32 $0xFFFFFC00, v3  }
0x260: {  	v2 =	vor.u32 v2, v3  }
0x261: {  	v2 =	vadd.s32 $0x4380, v2;
	_ =	sdelay $0x4  }
0x262: {  	[tilespmem:v2+s16+$0x0] =	vst.idx.msk $0xffff, v1  }
0x263: {  	v2 =	vld [tilespmem:$0x1A000];
	_ =	sdelay $0x4  }
0x264: {  	v3 =	vshll.u32 v2, $0x3  }
0x265: {  	v2 =	vand.u32 $0x7F, v2;
	v3 =	vand.u32 $0xFFFFFC00, v3  }
0x266: {  	v2 =	vor.u32 v2, v3;
	_ =	sdelay $0x4  }
0x267: {  	[tilespmem:v2+s16+$0x0] =	vst.idx.msk $0xffff, v0  }
0x268: {  	v2 =	vld [tilespmem:$0x1A080];
	_ =	sdelay $0x4  }
0x269: {  	v3 =	vshll.u32 v2, $0x3  }
0x26a: {  	v2 =	vand.u32 $0x7F, v2;
	v3 =	vand.u32 $0xFFFFFC00, v3  }
0x26b: {  	v2 =	vor.u32 v3, v2  }
0x26c: {  	v2 =	vor.u32 $0x80, v2;
	_ =	sdelay $0x4  }
0x26d: {  	[tilespmem:v2+s16+$0x0] =	vst.idx.msk $0xffff, v0  }
0x26e: {  	v2 =	vld [tilespmem:$0x1A100];
	_ =	sdelay $0x4  }
0x26f: {  	v3 =	vshll.u32 v2, $0x3  }
0x270: {  	v2 =	vand.u32 $0x7F, v2;
	v3 =	vand.u32 $0xFFFFFC00, v3  }
0x271: {  	v2 =	vor.u32 v3, v2  }
0x272: {  	v2 =	vor.u32 $0x100, v2;
	_ =	sdelay $0x4  }
0x273: {  	[tilespmem:v2+s16+$0x0] =	vst.idx.msk $0xffff, v0  }
0x274: {  	v2 =	vld [tilespmem:$0x1A180];
	_ =	sdelay $0x4  }
0x275: {  	v3 =	vshll.u32 v2, $0x3  }
0x276: {  	v2 =	vand.u32 $0x7F, v2;
	v3 =	vand.u32 $0xFFFFFC00, v3  }
0x277: {  	v2 =	vor.u32 v3, v2  }
0x278: {  	v2 =	vor.u32 $0x180, v2;
	_ =	sdelay $0x4  }
0x279: {  	[tilespmem:v2+s16+$0x0] =	vst.idx.msk $0xffff, v0  }
0x27a: {  	v2 =	vld [tilespmem:$0x1A200];
	_ =	sdelay $0x4  }
0x27b: {  	v3 =	vshll.u32 v2, $0x3  }
0x27c: {  	v2 =	vand.u32 $0x7F, v2;
	v3 =	vand.u32 $0xFFFFFC00, v3  }
0x27d: {  	v2 =	vor.u32 v3, v2  }
0x27e: {  	v2 =	vor.u32 $0x200, v2;
	_ =	sdelay $0x4  }
0x27f: {  	[tilespmem:v2+s16+$0x0] =	vst.idx.msk $0xffff, v0  }
0x280: {  	v2 =	vld [tilespmem:$0x1A280];
	_ =	sdelay $0x4  }
0x281: {  	v3 =	vshll.u32 v2, $0x3  }
0x282: {  	v2 =	vand.u32 $0x7F, v2;
	v3 =	vand.u32 $0xFFFFFC00, v3  }
0x283: {  	v2 =	vor.u32 v3, v2  }
0x284: {  	v2 =	vor.u32 $0x280, v2;
	_ =	sdelay $0x4  }
0x285: {  	[tilespmem:v2+s16+$0x0] =	vst.idx.msk $0xffff, v0  }
0x286: {  	v2 =	vld [tilespmem:$0x1A300];
	_ =	sdelay $0x4  }
0x287: {  	v3 =	vshll.u32 v2, $0x3  }
0x288: {  	v2 =	vand.u32 $0x7F, v2;
	v3 =	vand.u32 $0xFFFFFC00, v3  }
0x289: {  	v2 =	vor.u32 v3, v2  }
0x28a: {  	v2 =	vor.u32 $0x300, v2;
	_ =	sdelay $0x4  }
0x28b: {  	[tilespmem:v2+s16+$0x0] =	vst.idx.msk $0xffff, v0  }
0x28c: {  	v2 =	vld [tilespmem:$0x1A380];
	_ =	sdelay $0x4  }
0x28d: {  	v3 =	vshll.u32 v2, $0x3  }
0x28e: {  	v2 =	vand.u32 $0x7F, v2;
	v3 =	vand.u32 $0xFFFFFC00, v3  }
0x28f: {  	v2 =	vor.u32 v3, v2  }
0x290: {  	v2 =	vor.u32 $0x380, v2;
	_ =	sdelay $0x4  }
0x291: {  	[tilespmem:v2+s16+$0x0] =	vst.idx.msk $0xffff, v0  }
0x292: {  	v2 =	vld [tilespmem:$0x1A400];
	_ =	sdelay $0x4  }
0x293: {  	v3 =	vshll.u32 v2, $0x3  }
0x294: {  	v2 =	vand.u32 $0x7F, v2;
	v3 =	vand.u32 $0xFFFFFC00, v3  }
0x295: {  	v2 =	vor.u32 v2, v3  }
0x296: {  	v2 =	vadd.s32 $0x4000, v2;
	_ =	sdelay $0x4  }
0x297: {  	[tilespmem:v2+s16+$0x0] =	vst.idx.msk $0xffff, v0  }
0x298: {  	v2 =	vld [tilespmem:$0x1A480];
	_ =	sdelay $0x4  }
0x299: {  	v3 =	vshll.u32 v2, $0x3  }
0x29a: {  	v2 =	vand.u32 $0x7F, v2;
	v3 =	vand.u32 $0xFFFFFC00, v3  }
0x29b: {  	v2 =	vor.u32 v2, v3  }
0x29c: {  	v2 =	vadd.s32 $0x4080, v2;
	_ =	sdelay $0x4  }
0x29d: {  	[tilespmem:v2+s16+$0x0] =	vst.idx.msk $0xffff, v0  }
0x29e: {  	v2 =	vld [tilespmem:$0x1A500];
	_ =	sdelay $0x4  }
0x29f: {  	v3 =	vshll.u32 v2, $0x3  }
0x2a0: {  	v2 =	vand.u32 $0x7F, v2;
	v3 =	vand.u32 $0xFFFFFC00, v3  }
0x2a1: {  	v2 =	vor.u32 v2, v3  }
0x2a2: {  	v2 =	vadd.s32 $0x4100, v2;
	_ =	sdelay $0x4  }
0x2a3: {  	[tilespmem:v2+s16+$0x0] =	vst.idx.msk $0xffff, v0  }
0x2a4: {  	v2 =	vld [tilespmem:$0x1A580];
	_ =	sdelay $0x4  }
0x2a5: {  	v3 =	vshll.u32 v2, $0x3  }
0x2a6: {  	v2 =	vand.u32 $0x7F, v2;
	v3 =	vand.u32 $0xFFFFFC00, v3  }
0x2a7: {  	v2 =	vor.u32 v2, v3  }
0x2a8: {  	v2 =	vadd.s32 $0x4180, v2;
	_ =	sdelay $0x4  }
0x2a9: {  	[tilespmem:v2+s16+$0x0] =	vst.idx.msk $0xffff, v0  }
0x2aa: {  	v2 =	vld [tilespmem:$0x1A600];
	_ =	sdelay $0x4  }
0x2ab: {  	v3 =	vshll.u32 v2, $0x3  }
0x2ac: {  	v2 =	vand.u32 $0x7F, v2;
	v3 =	vand.u32 $0xFFFFFC00, v3  }
0x2ad: {  	v2 =	vor.u32 v2, v3  }
0x2ae: {  	v2 =	vadd.s32 $0x4200, v2;
	_ =	sdelay $0x4  }
0x2af: {  	[tilespmem:v2+s16+$0x0] =	vst.idx.msk $0xffff, v0  }
0x2b0: {  	v2 =	vld [tilespmem:$0x1A680];
	_ =	sdelay $0x4  }
0x2b1: {  	v3 =	vshll.u32 v2, $0x3  }
0x2b2: {  	v2 =	vand.u32 $0x7F, v2;
	v3 =	vand.u32 $0xFFFFFC00, v3  }
0x2b3: {  	v2 =	vor.u32 v2, v3  }
0x2b4: {  	v2 =	vadd.s32 $0x4280, v2;
	_ =	sdelay $0x4  }
0x2b5: {  	[tilespmem:v2+s16+$0x0] =	vst.idx.msk $0xffff, v0  }
0x2b6: {  	v2 =	vld [tilespmem:$0x1A700];
	_ =	sdelay $0x4  }
0x2b7: {  	v3 =	vshll.u32 v2, $0x3  }
0x2b8: {  	v2 =	vand.u32 $0x7F, v2;
	v3 =	vand.u32 $0xFFFFFC00, v3  }
0x2b9: {  	v2 =	vor.u32 v2, v3  }
0x2ba: {  	v2 =	vadd.s32 $0x4300, v2;
	_ =	sdelay $0x4  }
0x2bb: {  	[tilespmem:v2+s16+$0x0] =	vst.idx.msk $0xffff, v0  }
0x2bc: {  	v2 =	vld [tilespmem:$0x1A780];
	_ =	sdelay $0x4  }
0x2bd: {  	v3 =	vshll.u32 v2, $0x3  }
0x2be: {  	v2 =	vand.u32 $0x7F, v2;
	v3 =	vand.u32 $0xFFFFFC00, v3  }
0x2bf: {  	v2 =	vor.u32 v2, v3  }
0x2c0: {  	v2 =	vadd.s32 $0x4380, v2;
	_ =	sdelay $0x4  }
0x2c1: {  	[tilespmem:v2+s16+$0x0] =	vst.idx.msk $0xffff, v0  }
0x2c2: {  	[hbm4b:s9+s2] =	stream.linear.scatter [tilespmem:s16], [sflag:$0x2], $0x8000, $0x38;
	[tilespmem:$0x1C000] =	vst v63  }
0x2c3: {  	_ =	swait.ge [sflag:s20], $0x8000  }
0x2c4: {  	[sflag:s20] =	ssyncset.done $0x0  }
0x2c5: {  	[sflag:s20] =	ssyncadd.s32 $0xFFFF8000  }
0x2c6: {  	v2 =	vld [tilespmem:$0x19000];
	_ =	sdelay $0x4  }
0x2c7: {  	v3 =	vshll.u32 v2, $0x3  }
0x2c8: {  	v2 =	vand.u32 $0x7F, v2;
	v3 =	vand.u32 $0xFFFFFC00, v3  }
0x2c9: {  	v2 =	vor.u32 v2, v3;
	_ =	sdelay $0x4  }
0x2ca: {  	[tilespmem:v2+s17+$0x0] =	vst.idx.msk $0xffff, v1  }
0x2cb: {  	v2 =	vld [tilespmem:$0x19080];
	_ =	sdelay $0x4  }
0x2cc: {  	v3 =	vshll.u32 v2, $0x3  }
0x2cd: {  	v2 =	vand.u32 $0x7F, v2;
	v3 =	vand.u32 $0xFFFFFC00, v3  }
0x2ce: {  	v2 =	vor.u32 v3, v2  }
0x2cf: {  	v2 =	vor.u32 $0x80, v2;
	_ =	sdelay $0x4  }
0x2d0: {  	[tilespmem:v2+s17+$0x0] =	vst.idx.msk $0xffff, v1  }
0x2d1: {  	v2 =	vld [tilespmem:$0x19100];
	_ =	sdelay $0x4  }
0x2d2: {  	v3 =	vshll.u32 v2, $0x3  }
0x2d3: {  	v2 =	vand.u32 $0x7F, v2;
	v3 =	vand.u32 $0xFFFFFC00, v3  }
0x2d4: {  	v2 =	vor.u32 v3, v2  }
0x2d5: {  	v2 =	vor.u32 $0x100, v2;
	_ =	sdelay $0x4  }
0x2d6: {  	[tilespmem:v2+s17+$0x0] =	vst.idx.msk $0xffff, v1  }
0x2d7: {  	v2 =	vld [tilespmem:$0x19180];
	_ =	sdelay $0x4  }
0x2d8: {  	v3 =	vshll.u32 v2, $0x3  }
0x2d9: {  	v2 =	vand.u32 $0x7F, v2;
	v3 =	vand.u32 $0xFFFFFC00, v3  }
0x2da: {  	v2 =	vor.u32 v3, v2  }
0x2db: {  	v2 =	vor.u32 $0x180, v2;
	_ =	sdelay $0x4  }
0x2dc: {  	[tilespmem:v2+s17+$0x0] =	vst.idx.msk $0xffff, v1  }
0x2dd: {  	v2 =	vld [tilespmem:$0x19200];
	_ =	sdelay $0x4  }
0x2de: {  	v3 =	vshll.u32 v2, $0x3  }
0x2df: {  	v2 =	vand.u32 $0x7F, v2;
	v3 =	vand.u32 $0xFFFFFC00, v3  }
0x2e0: {  	v2 =	vor.u32 v3, v2  }
0x2e1: {  	v2 =	vor.u32 $0x200, v2;
	_ =	sdelay $0x4  }
0x2e2: {  	[tilespmem:v2+s17+$0x0] =	vst.idx.msk $0xffff, v1  }
0x2e3: {  	v2 =	vld [tilespmem:$0x19280];
	_ =	sdelay $0x4  }
0x2e4: {  	v3 =	vshll.u32 v2, $0x3  }
0x2e5: {  	v2 =	vand.u32 $0x7F, v2;
	v3 =	vand.u32 $0xFFFFFC00, v3  }
0x2e6: {  	v2 =	vor.u32 v3, v2  }
0x2e7: {  	v2 =	vor.u32 $0x280, v2;
	_ =	sdelay $0x4  }
0x2e8: {  	[tilespmem:v2+s17+$0x0] =	vst.idx.msk $0xffff, v1  }
0x2e9: {  	v2 =	vld [tilespmem:$0x19300];
	_ =	sdelay $0x4  }
0x2ea: {  	v3 =	vshll.u32 v2, $0x3  }
0x2eb: {  	v2 =	vand.u32 $0x7F, v2;
	v3 =	vand.u32 $0xFFFFFC00, v3  }
0x2ec: {  	v2 =	vor.u32 v3, v2  }
0x2ed: {  	v2 =	vor.u32 $0x300, v2;
	_ =	sdelay $0x4  }
0x2ee: {  	[tilespmem:v2+s17+$0x0] =	vst.idx.msk $0xffff, v1  }
0x2ef: {  	v2 =	vld [tilespmem:$0x19380];
	_ =	sdelay $0x4  }
0x2f0: {  	v3 =	vshll.u32 v2, $0x3  }
0x2f1: {  	v2 =	vand.u32 $0x7F, v2;
	v3 =	vand.u32 $0xFFFFFC00, v3  }
0x2f2: {  	v2 =	vor.u32 v3, v2  }
0x2f3: {  	v2 =	vor.u32 $0x380, v2;
	_ =	sdelay $0x4  }
0x2f4: {  	[tilespmem:v2+s17+$0x0] =	vst.idx.msk $0xffff, v1  }
0x2f5: {  	v2 =	vld [tilespmem:$0x19400];
	_ =	sdelay $0x4  }
0x2f6: {  	v3 =	vshll.u32 v2, $0x3  }
0x2f7: {  	v2 =	vand.u32 $0x7F, v2;
	v3 =	vand.u32 $0xFFFFFC00, v3  }
0x2f8: {  	v2 =	vor.u32 v2, v3  }
0x2f9: {  	v2 =	vadd.s32 $0x4000, v2;
	_ =	sdelay $0x4  }
0x2fa: {  	[tilespmem:v2+s17+$0x0] =	vst.idx.msk $0xffff, v1  }
0x2fb: {  	v2 =	vld [tilespmem:$0x19480];
	_ =	sdelay $0x4  }
0x2fc: {  	v3 =	vshll.u32 v2, $0x3  }
0x2fd: {  	v2 =	vand.u32 $0x7F, v2;
	v3 =	vand.u32 $0xFFFFFC00, v3  }
0x2fe: {  	v2 =	vor.u32 v2, v3  }
0x2ff: {  	v2 =	vadd.s32 $0x4080, v2;
	_ =	sdelay $0x4  }
0x300: {  	[tilespmem:v2+s17+$0x0] =	vst.idx.msk $0xffff, v1  }
0x301: {  	v2 =	vld [tilespmem:$0x19500];
	_ =	sdelay $0x4  }
0x302: {  	v3 =	vshll.u32 v2, $0x3  }
0x303: {  	v2 =	vand.u32 $0x7F, v2;
	v3 =	vand.u32 $0xFFFFFC00, v3  }
0x304: {  	v2 =	vor.u32 v2, v3  }
0x305: {  	v2 =	vadd.s32 $0x4100, v2;
	_ =	sdelay $0x4  }
0x306: {  	[tilespmem:v2+s17+$0x0] =	vst.idx.msk $0xffff, v1  }
0x307: {  	v2 =	vld [tilespmem:$0x19580];
	_ =	sdelay $0x4  }
0x308: {  	v3 =	vshll.u32 v2, $0x3  }
0x309: {  	v2 =	vand.u32 $0x7F, v2;
	v3 =	vand.u32 $0xFFFFFC00, v3  }
0x30a: {  	v2 =	vor.u32 v2, v3  }
0x30b: {  	v2 =	vadd.s32 $0x4180, v2;
	_ =	sdelay $0x4  }
0x30c: {  	[tilespmem:v2+s17+$0x0] =	vst.idx.msk $0xffff, v1  }
0x30d: {  	v2 =	vld [tilespmem:$0x19600];
	_ =	sdelay $0x4  }
0x30e: {  	v3 =	vshll.u32 v2, $0x3  }
0x30f: {  	v2 =	vand.u32 $0x7F, v2;
	v3 =	vand.u32 $0xFFFFFC00, v3  }
0x310: {  	v2 =	vor.u32 v2, v3  }
0x311: {  	v2 =	vadd.s32 $0x4200, v2;
	_ =	sdelay $0x4  }
0x312: {  	[tilespmem:v2+s17+$0x0] =	vst.idx.msk $0xffff, v1  }
0x313: {  	v2 =	vld [tilespmem:$0x19680];
	_ =	sdelay $0x4  }
0x314: {  	v3 =	vshll.u32 v2, $0x3  }
0x315: {  	v2 =	vand.u32 $0x7F, v2;
	v3 =	vand.u32 $0xFFFFFC00, v3  }
0x316: {  	v2 =	vor.u32 v2, v3  }
0x317: {  	v2 =	vadd.s32 $0x4280, v2;
	_ =	sdelay $0x4  }
0x318: {  	[tilespmem:v2+s17+$0x0] =	vst.idx.msk $0xffff, v1  }
0x319: {  	v2 =	vld [tilespmem:$0x19700];
	_ =	sdelay $0x4  }
0x31a: {  	v3 =	vshll.u32 v2, $0x3  }
0x31b: {  	v2 =	vand.u32 $0x7F, v2;
	v3 =	vand.u32 $0xFFFFFC00, v3  }
0x31c: {  	v2 =	vor.u32 v2, v3  }
0x31d: {  	v2 =	vadd.s32 $0x4300, v2;
	_ =	sdelay $0x4  }
0x31e: {  	[tilespmem:v2+s17+$0x0] =	vst.idx.msk $0xffff, v1  }
0x31f: {  	v2 =	vld [tilespmem:$0x19780];
	_ =	sdelay $0x4  }
0x320: {  	v3 =	vshll.u32 v2, $0x3  }
0x321: {  	v2 =	vand.u32 $0x7F, v2;
	v3 =	vand.u32 $0xFFFFFC00, v3  }
0x322: {  	v2 =	vor.u32 v2, v3  }
0x323: {  	v2 =	vadd.s32 $0x4380, v2;
	_ =	sdelay $0x4  }
0x324: {  	[tilespmem:v2+s17+$0x0] =	vst.idx.msk $0xffff, v1  }
0x325: {  	v2 =	vld [tilespmem:$0x1A800];
	_ =	sdelay $0x4  }
0x326: {  	v3 =	vshll.u32 v2, $0x3  }
0x327: {  	v2 =	vand.u32 $0x7F, v2;
	v3 =	vand.u32 $0xFFFFFC00, v3  }
0x328: {  	v2 =	vor.u32 v2, v3;
	_ =	sdelay $0x4  }
0x329: {  	[tilespmem:v2+s17+$0x0] =	vst.idx.msk $0xffff, v0  }
0x32a: {  	v2 =	vld [tilespmem:$0x1A880];
	_ =	sdelay $0x4  }
0x32b: {  	v3 =	vshll.u32 v2, $0x3  }
0x32c: {  	v2 =	vand.u32 $0x7F, v2;
	v3 =	vand.u32 $0xFFFFFC00, v3  }
0x32d: {  	v2 =	vor.u32 v3, v2  }
0x32e: {  	v2 =	vor.u32 $0x80, v2;
	_ =	sdelay $0x4  }
0x32f: {  	[tilespmem:v2+s17+$0x0] =	vst.idx.msk $0xffff, v0  }
0x330: {  	v2 =	vld [tilespmem:$0x1A900];
	_ =	sdelay $0x4  }
0x331: {  	v3 =	vshll.u32 v2, $0x3  }
0x332: {  	v2 =	vand.u32 $0x7F, v2;
	v3 =	vand.u32 $0xFFFFFC00, v3  }
0x333: {  	v2 =	vor.u32 v3, v2  }
0x334: {  	v2 =	vor.u32 $0x100, v2;
	_ =	sdelay $0x4  }
0x335: {  	[tilespmem:v2+s17+$0x0] =	vst.idx.msk $0xffff, v0  }
0x336: {  	v2 =	vld [tilespmem:$0x1A980];
	_ =	sdelay $0x4  }
0x337: {  	v3 =	vshll.u32 v2, $0x3  }
0x338: {  	v2 =	vand.u32 $0x7F, v2;
	v3 =	vand.u32 $0xFFFFFC00, v3  }
0x339: {  	v2 =	vor.u32 v3, v2  }
0x33a: {  	v2 =	vor.u32 $0x180, v2;
	_ =	sdelay $0x4  }
0x33b: {  	[tilespmem:v2+s17+$0x0] =	vst.idx.msk $0xffff, v0  }
0x33c: {  	v2 =	vld [tilespmem:$0x1AA00];
	_ =	sdelay $0x4  }
0x33d: {  	v3 =	vshll.u32 v2, $0x3  }
0x33e: {  	v2 =	vand.u32 $0x7F, v2;
	v3 =	vand.u32 $0xFFFFFC00, v3  }
0x33f: {  	v2 =	vor.u32 v3, v2  }
0x340: {  	v2 =	vor.u32 $0x200, v2;
	_ =	sdelay $0x4  }
0x341: {  	[tilespmem:v2+s17+$0x0] =	vst.idx.msk $0xffff, v0  }
0x342: {  	v2 =	vld [tilespmem:$0x1AA80];
	_ =	sdelay $0x4  }
0x343: {  	v3 =	vshll.u32 v2, $0x3  }
0x344: {  	v2 =	vand.u32 $0x7F, v2;
	v3 =	vand.u32 $0xFFFFFC00, v3  }
0x345: {  	v2 =	vor.u32 v3, v2  }
0x346: {  	v2 =	vor.u32 $0x280, v2;
	_ =	sdelay $0x4  }
0x347: {  	[tilespmem:v2+s17+$0x0] =	vst.idx.msk $0xffff, v0  }
0x348: {  	v2 =	vld [tilespmem:$0x1AB00];
	_ =	sdelay $0x4  }
0x349: {  	v3 =	vshll.u32 v2, $0x3  }
0x34a: {  	v2 =	vand.u32 $0x7F, v2;
	v3 =	vand.u32 $0xFFFFFC00, v3  }
0x34b: {  	v2 =	vor.u32 v3, v2  }
0x34c: {  	v2 =	vor.u32 $0x300, v2;
	_ =	sdelay $0x4  }
0x34d: {  	[tilespmem:v2+s17+$0x0] =	vst.idx.msk $0xffff, v0  }
0x34e: {  	v2 =	vld [tilespmem:$0x1AB80];
	_ =	sdelay $0x4  }
0x34f: {  	v3 =	vshll.u32 v2, $0x3  }
0x350: {  	v2 =	vand.u32 $0x7F, v2;
	v3 =	vand.u32 $0xFFFFFC00, v3  }
0x351: {  	v2 =	vor.u32 v3, v2  }
0x352: {  	v2 =	vor.u32 $0x380, v2;
	_ =	sdelay $0x4  }
0x353: {  	[tilespmem:v2+s17+$0x0] =	vst.idx.msk $0xffff, v0  }
0x354: {  	v2 =	vld [tilespmem:$0x1AC00];
	_ =	sdelay $0x4  }
0x355: {  	v3 =	vshll.u32 v2, $0x3  }
0x356: {  	v2 =	vand.u32 $0x7F, v2;
	v3 =	vand.u32 $0xFFFFFC00, v3  }
0x357: {  	v2 =	vor.u32 v2, v3  }
0x358: {  	v2 =	vadd.s32 $0x4000, v2;
	_ =	sdelay $0x4  }
0x359: {  	[tilespmem:v2+s17+$0x0] =	vst.idx.msk $0xffff, v0  }
0x35a: {  	v2 =	vld [tilespmem:$0x1AC80];
	_ =	sdelay $0x4  }
0x35b: {  	v3 =	vshll.u32 v2, $0x3  }
0x35c: {  	v2 =	vand.u32 $0x7F, v2;
	v3 =	vand.u32 $0xFFFFFC00, v3  }
0x35d: {  	v2 =	vor.u32 v2, v3  }
0x35e: {  	v2 =	vadd.s32 $0x4080, v2;
	_ =	sdelay $0x4  }
0x35f: {  	[tilespmem:v2+s17+$0x0] =	vst.idx.msk $0xffff, v0  }
0x360: {  	v2 =	vld [tilespmem:$0x1AD00];
	_ =	sdelay $0x4  }
0x361: {  	v3 =	vshll.u32 v2, $0x3  }
0x362: {  	v2 =	vand.u32 $0x7F, v2;
	v3 =	vand.u32 $0xFFFFFC00, v3  }
0x363: {  	v2 =	vor.u32 v2, v3  }
0x364: {  	v2 =	vadd.s32 $0x4100, v2;
	_ =	sdelay $0x4  }
0x365: {  	[tilespmem:v2+s17+$0x0] =	vst.idx.msk $0xffff, v0  }
0x366: {  	v2 =	vld [tilespmem:$0x1AD80];
	_ =	sdelay $0x4  }
0x367: {  	v3 =	vshll.u32 v2, $0x3  }
0x368: {  	v2 =	vand.u32 $0x7F, v2;
	v3 =	vand.u32 $0xFFFFFC00, v3  }
0x369: {  	v2 =	vor.u32 v2, v3  }
0x36a: {  	v2 =	vadd.s32 $0x4180, v2;
	_ =	sdelay $0x4  }
0x36b: {  	[tilespmem:v2+s17+$0x0] =	vst.idx.msk $0xffff, v0  }
0x36c: {  	v2 =	vld [tilespmem:$0x1AE00];
	_ =	sdelay $0x4  }
0x36d: {  	v3 =	vshll.u32 v2, $0x3  }
0x36e: {  	v2 =	vand.u32 $0x7F, v2;
	v3 =	vand.u32 $0xFFFFFC00, v3  }
0x36f: {  	v2 =	vor.u32 v2, v3  }
0x370: {  	v2 =	vadd.s32 $0x4200, v2;
	_ =	sdelay $0x4  }
0x371: {  	[tilespmem:v2+s17+$0x0] =	vst.idx.msk $0xffff, v0  }
0x372: {  	v2 =	vld [tilespmem:$0x1AE80];
	_ =	sdelay $0x4  }
0x373: {  	v3 =	vshll.u32 v2, $0x3  }
0x374: {  	v2 =	vand.u32 $0x7F, v2;
	v3 =	vand.u32 $0xFFFFFC00, v3  }
0x375: {  	v2 =	vor.u32 v2, v3  }
0x376: {  	v2 =	vadd.s32 $0x4280, v2;
	_ =	sdelay $0x4  }
0x377: {  	[tilespmem:v2+s17+$0x0] =	vst.idx.msk $0xffff, v0  }
0x378: {  	v2 =	vld [tilespmem:$0x1AF00];
	_ =	sdelay $0x4  }
0x379: {  	v3 =	vshll.u32 v2, $0x3  }
0x37a: {  	v2 =	vand.u32 $0x7F, v2;
	v3 =	vand.u32 $0xFFFFFC00, v3  }
0x37b: {  	v2 =	vor.u32 v2, v3  }
0x37c: {  	v2 =	vadd.s32 $0x4300, v2;
	_ =	sdelay $0x4  }
0x37d: {  	[tilespmem:v2+s17+$0x0] =	vst.idx.msk $0xffff, v0  }
0x37e: {  	v2 =	vld [tilespmem:$0x1AF80];
	_ =	sdelay $0x4  }
0x37f: {  	v3 =	vshll.u32 v2, $0x3  }
0x380: {  	v2 =	vand.u32 $0x7F, v2;
	v3 =	vand.u32 $0xFFFFFC00, v3  }
0x381: {  	v2 =	vor.u32 v2, v3  }
0x382: {  	v2 =	vadd.s32 $0x4380, v2;
	_ =	sdelay $0x4  }
0x383: {  	[tilespmem:v2+s17+$0x0] =	vst.idx.msk $0xffff, v0  }
0x384: {  	[hbm4b:s10+s2] =	stream.linear.scatter [tilespmem:s17], [sflag:$0x3], $0x8000, $0x38;
	[tilespmem:$0x1C000] =	vst v63  }
0x385: {  	_ =	swait.ge [sflag:s18], $0x8000  }
0x386: {  	[sflag:s18] =	ssyncset.done $0x0  }
0x387: {  	[sflag:s18] =	ssyncadd.s32 $0xFFFF8000  }
0x388: {  	v2 =	vld [tilespmem:$0x19800];
	_ =	sdelay $0x4  }
0x389: {  	v3 =	vshll.u32 v2, $0x3  }
0x38a: {  	v2 =	vand.u32 $0x7F, v2;
	v3 =	vand.u32 $0xFFFFFC00, v3  }
0x38b: {  	v2 =	vor.u32 v2, v3;
	_ =	sdelay $0x4  }
0x38c: {  	[tilespmem:v2+s2+$0x0] =	vst.idx.msk $0xffff, v1  }
0x38d: {  	v2 =	vld [tilespmem:$0x19880];
	_ =	sdelay $0x4  }
0x38e: {  	v3 =	vshll.u32 v2, $0x3  }
0x38f: {  	v2 =	vand.u32 $0x7F, v2;
	v3 =	vand.u32 $0xFFFFFC00, v3  }
0x390: {  	v2 =	vor.u32 v3, v2  }
0x391: {  	v2 =	vor.u32 $0x80, v2;
	_ =	sdelay $0x4  }
0x392: {  	[tilespmem:v2+s2+$0x0] =	vst.idx.msk $0xffff, v1  }
0x393: {  	v2 =	vld [tilespmem:$0x19900];
	_ =	sdelay $0x4  }
0x394: {  	v3 =	vshll.u32 v2, $0x3  }
0x395: {  	v2 =	vand.u32 $0x7F, v2;
	v3 =	vand.u32 $0xFFFFFC00, v3  }
0x396: {  	v2 =	vor.u32 v3, v2  }
0x397: {  	v2 =	vor.u32 $0x100, v2;
	_ =	sdelay $0x4  }
0x398: {  	[tilespmem:v2+s2+$0x0] =	vst.idx.msk $0xffff, v1  }
0x399: {  	v2 =	vld [tilespmem:$0x19980];
	_ =	sdelay $0x4  }
0x39a: {  	v3 =	vshll.u32 v2, $0x3  }
0x39b: {  	v2 =	vand.u32 $0x7F, v2;
	v3 =	vand.u32 $0xFFFFFC00, v3  }
0x39c: {  	v2 =	vor.u32 v3, v2  }
0x39d: {  	v2 =	vor.u32 $0x180, v2;
	_ =	sdelay $0x4  }
0x39e: {  	[tilespmem:v2+s2+$0x0] =	vst.idx.msk $0xffff, v1  }
0x39f: {  	v2 =	vld [tilespmem:$0x19A00];
	_ =	sdelay $0x4  }
0x3a0: {  	v3 =	vshll.u32 v2, $0x3  }
0x3a1: {  	v2 =	vand.u32 $0x7F, v2;
	v3 =	vand.u32 $0xFFFFFC00, v3  }
0x3a2: {  	v2 =	vor.u32 v3, v2  }
0x3a3: {  	v2 =	vor.u32 $0x200, v2;
	_ =	sdelay $0x4  }
0x3a4: {  	[tilespmem:v2+s2+$0x0] =	vst.idx.msk $0xffff, v1  }
0x3a5: {  	v2 =	vld [tilespmem:$0x19A80];
	_ =	sdelay $0x4  }
0x3a6: {  	v3 =	vshll.u32 v2, $0x3  }
0x3a7: {  	v2 =	vand.u32 $0x7F, v2;
	v3 =	vand.u32 $0xFFFFFC00, v3  }
0x3a8: {  	v2 =	vor.u32 v3, v2  }
0x3a9: {  	v2 =	vor.u32 $0x280, v2;
	_ =	sdelay $0x4  }
0x3aa: {  	[tilespmem:v2+s2+$0x0] =	vst.idx.msk $0xffff, v1  }
0x3ab: {  	v2 =	vld [tilespmem:$0x19B00];
	_ =	sdelay $0x4  }
0x3ac: {  	v3 =	vshll.u32 v2, $0x3  }
0x3ad: {  	v2 =	vand.u32 $0x7F, v2;
	v3 =	vand.u32 $0xFFFFFC00, v3  }
0x3ae: {  	v2 =	vor.u32 v3, v2  }
0x3af: {  	v2 =	vor.u32 $0x300, v2;
	_ =	sdelay $0x4  }
0x3b0: {  	[tilespmem:v2+s2+$0x0] =	vst.idx.msk $0xffff, v1  }
0x3b1: {  	v2 =	vld [tilespmem:$0x19B80];
	_ =	sdelay $0x4  }
0x3b2: {  	v3 =	vshll.u32 v2, $0x3  }
0x3b3: {  	v2 =	vand.u32 $0x7F, v2;
	v3 =	vand.u32 $0xFFFFFC00, v3  }
0x3b4: {  	v2 =	vor.u32 v3, v2  }
0x3b5: {  	v2 =	vor.u32 $0x380, v2;
	_ =	sdelay $0x4  }
0x3b6: {  	[tilespmem:v2+s2+$0x0] =	vst.idx.msk $0xffff, v1  }
0x3b7: {  	v2 =	vld [tilespmem:$0x19C00];
	_ =	sdelay $0x4  }
0x3b8: {  	v3 =	vshll.u32 v2, $0x3  }
0x3b9: {  	v2 =	vand.u32 $0x7F, v2;
	v3 =	vand.u32 $0xFFFFFC00, v3  }
0x3ba: {  	v2 =	vor.u32 v2, v3  }
0x3bb: {  	v2 =	vadd.s32 $0x4000, v2;
	_ =	sdelay $0x4  }
0x3bc: {  	[tilespmem:v2+s2+$0x0] =	vst.idx.msk $0xffff, v1  }
0x3bd: {  	v2 =	vld [tilespmem:$0x19C80];
	_ =	sdelay $0x4  }
0x3be: {  	v3 =	vshll.u32 v2, $0x3  }
0x3bf: {  	v2 =	vand.u32 $0x7F, v2;
	v3 =	vand.u32 $0xFFFFFC00, v3  }
0x3c0: {  	v2 =	vor.u32 v2, v3  }
0x3c1: {  	v2 =	vadd.s32 $0x4080, v2;
	_ =	sdelay $0x4  }
0x3c2: {  	[tilespmem:v2+s2+$0x0] =	vst.idx.msk $0xffff, v1  }
0x3c3: {  	v2 =	vld [tilespmem:$0x19D00];
	_ =	sdelay $0x4  }
0x3c4: {  	v3 =	vshll.u32 v2, $0x3  }
0x3c5: {  	v2 =	vand.u32 $0x7F, v2;
	v3 =	vand.u32 $0xFFFFFC00, v3  }
0x3c6: {  	v2 =	vor.u32 v2, v3  }
0x3c7: {  	v2 =	vadd.s32 $0x4100, v2;
	_ =	sdelay $0x4  }
0x3c8: {  	[tilespmem:v2+s2+$0x0] =	vst.idx.msk $0xffff, v1  }
0x3c9: {  	v2 =	vld [tilespmem:$0x19D80];
	_ =	sdelay $0x4  }
0x3ca: {  	v3 =	vshll.u32 v2, $0x3  }
0x3cb: {  	v2 =	vand.u32 $0x7F, v2;
	v3 =	vand.u32 $0xFFFFFC00, v3  }
0x3cc: {  	v2 =	vor.u32 v2, v3  }
0x3cd: {  	v2 =	vadd.s32 $0x4180, v2;
	_ =	sdelay $0x4  }
0x3ce: {  	[tilespmem:v2+s2+$0x0] =	vst.idx.msk $0xffff, v1  }
0x3cf: {  	v2 =	vld [tilespmem:$0x19E00];
	_ =	sdelay $0x4  }
0x3d0: {  	v3 =	vshll.u32 v2, $0x3  }
0x3d1: {  	v2 =	vand.u32 $0x7F, v2;
	v3 =	vand.u32 $0xFFFFFC00, v3  }
0x3d2: {  	v2 =	vor.u32 v2, v3  }
0x3d3: {  	v2 =	vadd.s32 $0x4200, v2;
	_ =	sdelay $0x4  }
0x3d4: {  	[tilespmem:v2+s2+$0x0] =	vst.idx.msk $0xffff, v1  }
0x3d5: {  	v2 =	vld [tilespmem:$0x19E80];
	_ =	sdelay $0x4  }
0x3d6: {  	v3 =	vshll.u32 v2, $0x3  }
0x3d7: {  	v2 =	vand.u32 $0x7F, v2;
	v3 =	vand.u32 $0xFFFFFC00, v3  }
0x3d8: {  	v2 =	vor.u32 v2, v3  }
0x3d9: {  	v2 =	vadd.s32 $0x4280, v2;
	_ =	sdelay $0x4  }
0x3da: {  	[tilespmem:v2+s2+$0x0] =	vst.idx.msk $0xffff, v1  }
0x3db: {  	v2 =	vld [tilespmem:$0x19F00];
	_ =	sdelay $0x4  }
0x3dc: {  	v3 =	vshll.u32 v2, $0x3  }
0x3dd: {  	v2 =	vand.u32 $0x7F, v2;
	v3 =	vand.u32 $0xFFFFFC00, v3  }
0x3de: {  	v2 =	vor.u32 v2, v3  }
0x3df: {  	v2 =	vadd.s32 $0x4300, v2;
	_ =	sdelay $0x4  }
0x3e0: {  	[tilespmem:v2+s2+$0x0] =	vst.idx.msk $0xffff, v1  }
0x3e1: {  	v2 =	vld [tilespmem:$0x19F80];
	_ =	sdelay $0x4  }
0x3e2: {  	v3 =	vshll.u32 v2, $0x3  }
0x3e3: {  	v2 =	vand.u32 $0x7F, v2;
	v3 =	vand.u32 $0xFFFFFC00, v3  }
0x3e4: {  	v2 =	vor.u32 v2, v3  }
0x3e5: {  	v2 =	vadd.s32 $0x4380, v2;
	_ =	sdelay $0x4  }
0x3e6: {  	[tilespmem:v2+s2+$0x0] =	vst.idx.msk $0xffff, v1  }
0x3e7: {  	v2 =	vld [tilespmem:$0x1B000];
	_ =	sdelay $0x4  }
0x3e8: {  	v3 =	vshll.u32 v2, $0x3  }
0x3e9: {  	v2 =	vand.u32 $0x7F, v2;
	v3 =	vand.u32 $0xFFFFFC00, v3  }
0x3ea: {  	v2 =	vor.u32 v2, v3;
	_ =	sdelay $0x4  }
0x3eb: {  	[tilespmem:v2+s2+$0x0] =	vst.idx.msk $0xffff, v0  }
0x3ec: {  	v2 =	vld [tilespmem:$0x1B080];
	_ =	sdelay $0x4  }
0x3ed: {  	v3 =	vshll.u32 v2, $0x3  }
0x3ee: {  	v2 =	vand.u32 $0x7F, v2;
	v3 =	vand.u32 $0xFFFFFC00, v3  }
0x3ef: {  	v2 =	vor.u32 v3, v2  }
0x3f0: {  	v2 =	vor.u32 $0x80, v2;
	_ =	sdelay $0x4  }
0x3f1: {  	[tilespmem:v2+s2+$0x0] =	vst.idx.msk $0xffff, v0  }
0x3f2: {  	v2 =	vld [tilespmem:$0x1B100];
	_ =	sdelay $0x4  }
0x3f3: {  	v3 =	vshll.u32 v2, $0x3  }
0x3f4: {  	v2 =	vand.u32 $0x7F, v2;
	v3 =	vand.u32 $0xFFFFFC00, v3  }
0x3f5: {  	v2 =	vor.u32 v3, v2  }
0x3f6: {  	v2 =	vor.u32 $0x100, v2;
	_ =	sdelay $0x4  }
0x3f7: {  	[tilespmem:v2+s2+$0x0] =	vst.idx.msk $0xffff, v0  }
0x3f8: {  	v2 =	vld [tilespmem:$0x1B180];
	_ =	sdelay $0x4  }
0x3f9: {  	v3 =	vshll.u32 v2, $0x3  }
0x3fa: {  	v2 =	vand.u32 $0x7F, v2;
	v3 =	vand.u32 $0xFFFFFC00, v3  }
0x3fb: {  	v2 =	vor.u32 v3, v2  }
0x3fc: {  	v2 =	vor.u32 $0x180, v2;
	_ =	sdelay $0x4  }
0x3fd: {  	[tilespmem:v2+s2+$0x0] =	vst.idx.msk $0xffff, v0  }
0x3fe: {  	v2 =	vld [tilespmem:$0x1B200];
	_ =	sdelay $0x4  }
0x3ff: {  	v3 =	vshll.u32 v2, $0x3  }
0x400: {  	v2 =	vand.u32 $0x7F, v2;
	v3 =	vand.u32 $0xFFFFFC00, v3  }
0x401: {  	v2 =	vor.u32 v3, v2  }
0x402: {  	v2 =	vor.u32 $0x200, v2;
	_ =	sdelay $0x4  }
0x403: {  	[tilespmem:v2+s2+$0x0] =	vst.idx.msk $0xffff, v0  }
0x404: {  	v2 =	vld [tilespmem:$0x1B280];
	_ =	sdelay $0x4  }
0x405: {  	v3 =	vshll.u32 v2, $0x3  }
0x406: {  	v2 =	vand.u32 $0x7F, v2;
	v3 =	vand.u32 $0xFFFFFC00, v3  }
0x407: {  	v2 =	vor.u32 v3, v2  }
0x408: {  	v2 =	vor.u32 $0x280, v2;
	_ =	sdelay $0x4  }
0x409: {  	[tilespmem:v2+s2+$0x0] =	vst.idx.msk $0xffff, v0  }
0x40a: {  	v2 =	vld [tilespmem:$0x1B300];
	_ =	sdelay $0x4  }
0x40b: {  	v3 =	vshll.u32 v2, $0x3  }
0x40c: {  	v2 =	vand.u32 $0x7F, v2;
	v3 =	vand.u32 $0xFFFFFC00, v3  }
0x40d: {  	v2 =	vor.u32 v3, v2  }
0x40e: {  	v2 =	vor.u32 $0x300, v2;
	_ =	sdelay $0x4  }
0x40f: {  	[tilespmem:v2+s2+$0x0] =	vst.idx.msk $0xffff, v0  }
0x410: {  	v2 =	vld [tilespmem:$0x1B380];
	_ =	sdelay $0x4  }
0x411: {  	v3 =	vshll.u32 v2, $0x3  }
0x412: {  	v2 =	vand.u32 $0x7F, v2;
	v3 =	vand.u32 $0xFFFFFC00, v3  }
0x413: {  	v2 =	vor.u32 v3, v2  }
0x414: {  	v2 =	vor.u32 $0x380, v2;
	_ =	sdelay $0x4  }
0x415: {  	[tilespmem:v2+s2+$0x0] =	vst.idx.msk $0xffff, v0  }
0x416: {  	v2 =	vld [tilespmem:$0x1B400];
	_ =	sdelay $0x4  }
0x417: {  	v3 =	vshll.u32 v2, $0x3  }
0x418: {  	v2 =	vand.u32 $0x7F, v2;
	v3 =	vand.u32 $0xFFFFFC00, v3  }
0x419: {  	v2 =	vor.u32 v2, v3  }
0x41a: {  	v2 =	vadd.s32 $0x4000, v2;
	_ =	sdelay $0x4  }
0x41b: {  	[tilespmem:v2+s2+$0x0] =	vst.idx.msk $0xffff, v0  }
0x41c: {  	v2 =	vld [tilespmem:$0x1B480];
	_ =	sdelay $0x4  }
0x41d: {  	v3 =	vshll.u32 v2, $0x3  }
0x41e: {  	v2 =	vand.u32 $0x7F, v2;
	v3 =	vand.u32 $0xFFFFFC00, v3  }
0x41f: {  	v2 =	vor.u32 v2, v3  }
0x420: {  	v2 =	vadd.s32 $0x4080, v2;
	_ =	sdelay $0x4  }
0x421: {  	[tilespmem:v2+s2+$0x0] =	vst.idx.msk $0xffff, v0  }
0x422: {  	v2 =	vld [tilespmem:$0x1B500];
	_ =	sdelay $0x4  }
0x423: {  	v3 =	vshll.u32 v2, $0x3  }
0x424: {  	v2 =	vand.u32 $0x7F, v2;
	v3 =	vand.u32 $0xFFFFFC00, v3  }
0x425: {  	v2 =	vor.u32 v2, v3  }
0x426: {  	v2 =	vadd.s32 $0x4100, v2;
	_ =	sdelay $0x4  }
0x427: {  	[tilespmem:v2+s2+$0x0] =	vst.idx.msk $0xffff, v0  }
0x428: {  	v2 =	vld [tilespmem:$0x1B580];
	_ =	sdelay $0x4  }
0x429: {  	v3 =	vshll.u32 v2, $0x3  }
0x42a: {  	v2 =	vand.u32 $0x7F, v2;
	v3 =	vand.u32 $0xFFFFFC00, v3  }
0x42b: {  	v2 =	vor.u32 v2, v3  }
0x42c: {  	v2 =	vadd.s32 $0x4180, v2;
	_ =	sdelay $0x4  }
0x42d: {  	[tilespmem:v2+s2+$0x0] =	vst.idx.msk $0xffff, v0  }
0x42e: {  	v2 =	vld [tilespmem:$0x1B600];
	_ =	sdelay $0x4  }
0x42f: {  	v3 =	vshll.u32 v2, $0x3  }
0x430: {  	v2 =	vand.u32 $0x7F, v2;
	v3 =	vand.u32 $0xFFFFFC00, v3  }
0x431: {  	v2 =	vor.u32 v2, v3  }
0x432: {  	v2 =	vadd.s32 $0x4200, v2;
	_ =	sdelay $0x4  }
0x433: {  	[tilespmem:v2+s2+$0x0] =	vst.idx.msk $0xffff, v0  }
0x434: {  	v2 =	vld [tilespmem:$0x1B680];
	_ =	sdelay $0x4  }
0x435: {  	v3 =	vshll.u32 v2, $0x3  }
0x436: {  	v2 =	vand.u32 $0x7F, v2;
	v3 =	vand.u32 $0xFFFFFC00, v3  }
0x437: {  	v2 =	vor.u32 v2, v3  }
0x438: {  	v2 =	vadd.s32 $0x4280, v2;
	_ =	sdelay $0x4  }
0x439: {  	[tilespmem:v2+s2+$0x0] =	vst.idx.msk $0xffff, v0  }
0x43a: {  	v2 =	vld [tilespmem:$0x1B700];
	_ =	sdelay $0x4  }
0x43b: {  	v3 =	vshll.u32 v2, $0x3  }
0x43c: {  	v2 =	vand.u32 $0x7F, v2;
	v3 =	vand.u32 $0xFFFFFC00, v3  }
0x43d: {  	v2 =	vor.u32 v2, v3  }
0x43e: {  	v2 =	vadd.s32 $0x4300, v2;
	_ =	sdelay $0x4  }
0x43f: {  	[tilespmem:v2+s2+$0x0] =	vst.idx.msk $0xffff, v0  }
0x440: {  	v2 =	vld [tilespmem:$0x1B780];
	_ =	sdelay $0x4  }
0x441: {  	v3 =	vshll.u32 v2, $0x3  }
0x442: {  	v2 =	vand.u32 $0x7F, v2;
	v3 =	vand.u32 $0xFFFFFC00, v3  }
0x443: {  	v2 =	vor.u32 v2, v3  }
0x444: {  	v2 =	vadd.s32 $0x4380, v2;
	_ =	sdelay $0x4  }
0x445: {  	[tilespmem:v2+s2+$0x0] =	vst.idx.msk $0xffff, v0  }
0x446: {  	[hbm4b:s11+s2] =	stream.linear.scatter [tilespmem:s2], [sflag:$0x1], $0x8000, $0x38;
	[tilespmem:$0x1C000] =	vst v63  }
0x447: {  	_ =	swait.ge [sflag:s19], $0x8000  }
0x448: {  	[sflag:s19] =	ssyncset.done $0x0  }
0x449: {  	[sflag:s19] =	ssyncadd.s32 $0xFFFF8000  }
0x44a: {  	v2 =	vld [tilespmem:$0x1A000];
	_ =	sdelay $0x4  }
0x44b: {  	v3 =	vshll.u32 v2, $0x3  }
0x44c: {  	v2 =	vand.u32 $0x7F, v2;
	v3 =	vand.u32 $0xFFFFFC00, v3  }
0x44d: {  	v2 =	vor.u32 v2, v3;
	_ =	sdelay $0x4  }
0x44e: {  	[tilespmem:v2+s16+$0x0] =	vst.idx.msk $0xffff, v1  }
0x44f: {  	v2 =	vld [tilespmem:$0x1A080];
	_ =	sdelay $0x4  }
0x450: {  	v3 =	vshll.u32 v2, $0x3  }
0x451: {  	v2 =	vand.u32 $0x7F, v2;
	v3 =	vand.u32 $0xFFFFFC00, v3  }
0x452: {  	v2 =	vor.u32 v3, v2  }
0x453: {  	v2 =	vor.u32 $0x80, v2;
	_ =	sdelay $0x4  }
0x454: {  	[tilespmem:v2+s16+$0x0] =	vst.idx.msk $0xffff, v1  }
0x455: {  	v2 =	vld [tilespmem:$0x1A100];
	_ =	sdelay $0x4  }
0x456: {  	v3 =	vshll.u32 v2, $0x3  }
0x457: {  	v2 =	vand.u32 $0x7F, v2;
	v3 =	vand.u32 $0xFFFFFC00, v3  }
0x458: {  	v2 =	vor.u32 v3, v2  }
0x459: {  	v2 =	vor.u32 $0x100, v2;
	_ =	sdelay $0x4  }
0x45a: {  	[tilespmem:v2+s16+$0x0] =	vst.idx.msk $0xffff, v1  }
0x45b: {  	v2 =	vld [tilespmem:$0x1A180];
	_ =	sdelay $0x4  }
0x45c: {  	v3 =	vshll.u32 v2, $0x3  }
0x45d: {  	v2 =	vand.u32 $0x7F, v2;
	v3 =	vand.u32 $0xFFFFFC00, v3  }
0x45e: {  	v2 =	vor.u32 v3, v2  }
0x45f: {  	v2 =	vor.u32 $0x180, v2;
	_ =	sdelay $0x4  }
0x460: {  	[tilespmem:v2+s16+$0x0] =	vst.idx.msk $0xffff, v1  }
0x461: {  	v2 =	vld [tilespmem:$0x1A200];
	_ =	sdelay $0x4  }
0x462: {  	v3 =	vshll.u32 v2, $0x3  }
0x463: {  	v2 =	vand.u32 $0x7F, v2;
	v3 =	vand.u32 $0xFFFFFC00, v3  }
0x464: {  	v2 =	vor.u32 v3, v2  }
0x465: {  	v2 =	vor.u32 $0x200, v2;
	_ =	sdelay $0x4  }
0x466: {  	[tilespmem:v2+s16+$0x0] =	vst.idx.msk $0xffff, v1  }
0x467: {  	v2 =	vld [tilespmem:$0x1A280];
	_ =	sdelay $0x4  }
0x468: {  	v3 =	vshll.u32 v2, $0x3  }
0x469: {  	v2 =	vand.u32 $0x7F, v2;
	v3 =	vand.u32 $0xFFFFFC00, v3  }
0x46a: {  	v2 =	vor.u32 v3, v2  }
0x46b: {  	v2 =	vor.u32 $0x280, v2;
	_ =	sdelay $0x4  }
0x46c: {  	[tilespmem:v2+s16+$0x0] =	vst.idx.msk $0xffff, v1  }
0x46d: {  	v2 =	vld [tilespmem:$0x1A300];
	_ =	sdelay $0x4  }
0x46e: {  	v3 =	vshll.u32 v2, $0x3  }
0x46f: {  	v2 =	vand.u32 $0x7F, v2;
	v3 =	vand.u32 $0xFFFFFC00, v3  }
0x470: {  	v2 =	vor.u32 v3, v2  }
0x471: {  	v2 =	vor.u32 $0x300, v2;
	_ =	sdelay $0x4  }
0x472: {  	[tilespmem:v2+s16+$0x0] =	vst.idx.msk $0xffff, v1  }
0x473: {  	v2 =	vld [tilespmem:$0x1A380];
	_ =	sdelay $0x4  }
0x474: {  	v3 =	vshll.u32 v2, $0x3  }
0x475: {  	v2 =	vand.u32 $0x7F, v2;
	v3 =	vand.u32 $0xFFFFFC00, v3  }
0x476: {  	v2 =	vor.u32 v3, v2  }
0x477: {  	v2 =	vor.u32 $0x380, v2;
	_ =	sdelay $0x4  }
0x478: {  	[tilespmem:v2+s16+$0x0] =	vst.idx.msk $0xffff, v1  }
0x479: {  	v2 =	vld [tilespmem:$0x1A400];
	_ =	sdelay $0x4  }
0x47a: {  	v3 =	vshll.u32 v2, $0x3  }
0x47b: {  	v2 =	vand.u32 $0x7F, v2;
	v3 =	vand.u32 $0xFFFFFC00, v3  }
0x47c: {  	v2 =	vor.u32 v2, v3  }
0x47d: {  	v2 =	vadd.s32 $0x4000, v2;
	_ =	sdelay $0x4  }
0x47e: {  	[tilespmem:v2+s16+$0x0] =	vst.idx.msk $0xffff, v1  }
0x47f: {  	v2 =	vld [tilespmem:$0x1A480];
	_ =	sdelay $0x4  }
0x480: {  	v3 =	vshll.u32 v2, $0x3  }
0x481: {  	v2 =	vand.u32 $0x7F, v2;
	v3 =	vand.u32 $0xFFFFFC00, v3  }
0x482: {  	v2 =	vor.u32 v2, v3  }
0x483: {  	v2 =	vadd.s32 $0x4080, v2;
	_ =	sdelay $0x4  }
0x484: {  	[tilespmem:v2+s16+$0x0] =	vst.idx.msk $0xffff, v1  }
0x485: {  	v2 =	vld [tilespmem:$0x1A500];
	_ =	sdelay $0x4  }
0x486: {  	v3 =	vshll.u32 v2, $0x3  }
0x487: {  	v2 =	vand.u32 $0x7F, v2;
	v3 =	vand.u32 $0xFFFFFC00, v3  }
0x488: {  	v2 =	vor.u32 v2, v3  }
0x489: {  	v2 =	vadd.s32 $0x4100, v2;
	_ =	sdelay $0x4  }
0x48a: {  	[tilespmem:v2+s16+$0x0] =	vst.idx.msk $0xffff, v1  }
0x48b: {  	v2 =	vld [tilespmem:$0x1A580];
	_ =	sdelay $0x4  }
0x48c: {  	v3 =	vshll.u32 v2, $0x3  }
0x48d: {  	v2 =	vand.u32 $0x7F, v2;
	v3 =	vand.u32 $0xFFFFFC00, v3  }
0x48e: {  	v2 =	vor.u32 v2, v3  }
0x48f: {  	v2 =	vadd.s32 $0x4180, v2;
	_ =	sdelay $0x4  }
0x490: {  	[tilespmem:v2+s16+$0x0] =	vst.idx.msk $0xffff, v1  }
0x491: {  	v2 =	vld [tilespmem:$0x1A600];
	_ =	sdelay $0x4  }
0x492: {  	v3 =	vshll.u32 v2, $0x3  }
0x493: {  	v2 =	vand.u32 $0x7F, v2;
	v3 =	vand.u32 $0xFFFFFC00, v3  }
0x494: {  	v2 =	vor.u32 v2, v3  }
0x495: {  	v2 =	vadd.s32 $0x4200, v2;
	_ =	sdelay $0x4  }
0x496: {  	[tilespmem:v2+s16+$0x0] =	vst.idx.msk $0xffff, v1  }
0x497: {  	v2 =	vld [tilespmem:$0x1A680];
	_ =	sdelay $0x4  }
0x498: {  	v3 =	vshll.u32 v2, $0x3  }
0x499: {  	v2 =	vand.u32 $0x7F, v2;
	v3 =	vand.u32 $0xFFFFFC00, v3  }
0x49a: {  	v2 =	vor.u32 v2, v3  }
0x49b: {  	v2 =	vadd.s32 $0x4280, v2;
	_ =	sdelay $0x4  }
0x49c: {  	[tilespmem:v2+s16+$0x0] =	vst.idx.msk $0xffff, v1  }
0x49d: {  	v2 =	vld [tilespmem:$0x1A700];
	_ =	sdelay $0x4  }
0x49e: {  	v3 =	vshll.u32 v2, $0x3  }
0x49f: {  	v2 =	vand.u32 $0x7F, v2;
	v3 =	vand.u32 $0xFFFFFC00, v3  }
0x4a0: {  	v2 =	vor.u32 v2, v3  }
0x4a1: {  	v2 =	vadd.s32 $0x4300, v2;
	_ =	sdelay $0x4  }
0x4a2: {  	[tilespmem:v2+s16+$0x0] =	vst.idx.msk $0xffff, v1  }
0x4a3: {  	v2 =	vld [tilespmem:$0x1A780];
	_ =	sdelay $0x4  }
0x4a4: {  	v3 =	vshll.u32 v2, $0x3  }
0x4a5: {  	v2 =	vand.u32 $0x7F, v2;
	v3 =	vand.u32 $0xFFFFFC00, v3  }
0x4a6: {  	v2 =	vor.u32 v2, v3  }
0x4a7: {  	v2 =	vadd.s32 $0x4380, v2;
	_ =	sdelay $0x4  }
0x4a8: {  	[tilespmem:v2+s16+$0x0] =	vst.idx.msk $0xffff, v1  }
0x4a9: {  	v2 =	vld [tilespmem:$0x1B800];
	_ =	sdelay $0x4  }
0x4aa: {  	v3 =	vshll.u32 v2, $0x3  }
0x4ab: {  	v2 =	vand.u32 $0x7F, v2;
	v3 =	vand.u32 $0xFFFFFC00, v3  }
0x4ac: {  	v2 =	vor.u32 v2, v3;
	_ =	sdelay $0x4  }
0x4ad: {  	[tilespmem:v2+s16+$0x0] =	vst.idx.msk $0xffff, v0  }
0x4ae: {  	v2 =	vld [tilespmem:$0x1B880];
	_ =	sdelay $0x4  }
0x4af: {  	v3 =	vshll.u32 v2, $0x3  }
0x4b0: {  	v2 =	vand.u32 $0x7F, v2;
	v3 =	vand.u32 $0xFFFFFC00, v3  }
0x4b1: {  	v2 =	vor.u32 v3, v2  }
0x4b2: {  	v2 =	vor.u32 $0x80, v2;
	_ =	sdelay $0x4  }
0x4b3: {  	[tilespmem:v2+s16+$0x0] =	vst.idx.msk $0xffff, v0  }
0x4b4: {  	v2 =	vld [tilespmem:$0x1B900];
	_ =	sdelay $0x4  }
0x4b5: {  	v3 =	vshll.u32 v2, $0x3  }
0x4b6: {  	v2 =	vand.u32 $0x7F, v2;
	v3 =	vand.u32 $0xFFFFFC00, v3  }
0x4b7: {  	v2 =	vor.u32 v3, v2  }
0x4b8: {  	v2 =	vor.u32 $0x100, v2;
	_ =	sdelay $0x4  }
0x4b9: {  	[tilespmem:v2+s16+$0x0] =	vst.idx.msk $0xffff, v0  }
0x4ba: {  	v2 =	vld [tilespmem:$0x1B980];
	_ =	sdelay $0x4  }
0x4bb: {  	v3 =	vshll.u32 v2, $0x3  }
0x4bc: {  	v2 =	vand.u32 $0x7F, v2;
	v3 =	vand.u32 $0xFFFFFC00, v3  }
0x4bd: {  	v2 =	vor.u32 v3, v2  }
0x4be: {  	v2 =	vor.u32 $0x180, v2;
	_ =	sdelay $0x4  }
0x4bf: {  	[tilespmem:v2+s16+$0x0] =	vst.idx.msk $0xffff, v0  }
0x4c0: {  	v2 =	vld [tilespmem:$0x1BA00];
	_ =	sdelay $0x4  }
0x4c1: {  	v3 =	vshll.u32 v2, $0x3  }
0x4c2: {  	v2 =	vand.u32 $0x7F, v2;
	v3 =	vand.u32 $0xFFFFFC00, v3  }
0x4c3: {  	v2 =	vor.u32 v3, v2  }
0x4c4: {  	v2 =	vor.u32 $0x200, v2;
	_ =	sdelay $0x4  }
0x4c5: {  	[tilespmem:v2+s16+$0x0] =	vst.idx.msk $0xffff, v0  }
0x4c6: {  	v2 =	vld [tilespmem:$0x1BA80];
	_ =	sdelay $0x4  }
0x4c7: {  	v3 =	vshll.u32 v2, $0x3  }
0x4c8: {  	v2 =	vand.u32 $0x7F, v2;
	v3 =	vand.u32 $0xFFFFFC00, v3  }
0x4c9: {  	v2 =	vor.u32 v3, v2  }
0x4ca: {  	v2 =	vor.u32 $0x280, v2;
	_ =	sdelay $0x4  }
0x4cb: {  	[tilespmem:v2+s16+$0x0] =	vst.idx.msk $0xffff, v0  }
0x4cc: {  	v2 =	vld [tilespmem:$0x1BB00];
	_ =	sdelay $0x4  }
0x4cd: {  	v3 =	vshll.u32 v2, $0x3  }
0x4ce: {  	v2 =	vand.u32 $0x7F, v2;
	v3 =	vand.u32 $0xFFFFFC00, v3  }
0x4cf: {  	v2 =	vor.u32 v3, v2  }
0x4d0: {  	v2 =	vor.u32 $0x300, v2;
	_ =	sdelay $0x4  }
0x4d1: {  	[tilespmem:v2+s16+$0x0] =	vst.idx.msk $0xffff, v0  }
0x4d2: {  	v2 =	vld [tilespmem:$0x1BB80];
	_ =	sdelay $0x4  }
0x4d3: {  	v3 =	vshll.u32 v2, $0x3  }
0x4d4: {  	v2 =	vand.u32 $0x7F, v2;
	v3 =	vand.u32 $0xFFFFFC00, v3  }
0x4d5: {  	v2 =	vor.u32 v3, v2  }
0x4d6: {  	v2 =	vor.u32 $0x380, v2;
	_ =	sdelay $0x4  }
0x4d7: {  	[tilespmem:v2+s16+$0x0] =	vst.idx.msk $0xffff, v0  }
0x4d8: {  	v2 =	vld [tilespmem:$0x1BC00];
	_ =	sdelay $0x4  }
0x4d9: {  	v3 =	vshll.u32 v2, $0x3  }
0x4da: {  	v2 =	vand.u32 $0x7F, v2;
	v3 =	vand.u32 $0xFFFFFC00, v3  }
0x4db: {  	v2 =	vor.u32 v2, v3  }
0x4dc: {  	v2 =	vadd.s32 $0x4000, v2;
	_ =	sdelay $0x4  }
0x4dd: {  	[tilespmem:v2+s16+$0x0] =	vst.idx.msk $0xffff, v0  }
0x4de: {  	v2 =	vld [tilespmem:$0x1BC80];
	_ =	sdelay $0x4  }
0x4df: {  	v3 =	vshll.u32 v2, $0x3  }
0x4e0: {  	v2 =	vand.u32 $0x7F, v2;
	v3 =	vand.u32 $0xFFFFFC00, v3  }
0x4e1: {  	v2 =	vor.u32 v2, v3  }
0x4e2: {  	v2 =	vadd.s32 $0x4080, v2;
	_ =	sdelay $0x4  }
0x4e3: {  	[tilespmem:v2+s16+$0x0] =	vst.idx.msk $0xffff, v0  }
0x4e4: {  	v2 =	vld [tilespmem:$0x1BD00];
	_ =	sdelay $0x4  }
0x4e5: {  	v3 =	vshll.u32 v2, $0x3  }
0x4e6: {  	v2 =	vand.u32 $0x7F, v2;
	v3 =	vand.u32 $0xFFFFFC00, v3  }
0x4e7: {  	v2 =	vor.u32 v2, v3  }
0x4e8: {  	v2 =	vadd.s32 $0x4100, v2;
	_ =	sdelay $0x4  }
0x4e9: {  	[tilespmem:v2+s16+$0x0] =	vst.idx.msk $0xffff, v0  }
0x4ea: {  	v2 =	vld [tilespmem:$0x1BD80];
	_ =	sdelay $0x4  }
0x4eb: {  	v3 =	vshll.u32 v2, $0x3  }
0x4ec: {  	v2 =	vand.u32 $0x7F, v2;
	v3 =	vand.u32 $0xFFFFFC00, v3  }
0x4ed: {  	v2 =	vor.u32 v2, v3  }
0x4ee: {  	v2 =	vadd.s32 $0x4180, v2;
	_ =	sdelay $0x4  }
0x4ef: {  	[tilespmem:v2+s16+$0x0] =	vst.idx.msk $0xffff, v0  }
0x4f0: {  	v2 =	vld [tilespmem:$0x1BE00];
	_ =	sdelay $0x4  }
0x4f1: {  	v3 =	vshll.u32 v2, $0x3  }
0x4f2: {  	v2 =	vand.u32 $0x7F, v2;
	v3 =	vand.u32 $0xFFFFFC00, v3  }
0x4f3: {  	v2 =	vor.u32 v2, v3  }
0x4f4: {  	v2 =	vadd.s32 $0x4200, v2;
	_ =	sdelay $0x4  }
0x4f5: {  	[tilespmem:v2+s16+$0x0] =	vst.idx.msk $0xffff, v0  }
0x4f6: {  	v2 =	vld [tilespmem:$0x1BE80];
	_ =	sdelay $0x4  }
0x4f7: {  	v3 =	vshll.u32 v2, $0x3  }
0x4f8: {  	v2 =	vand.u32 $0x7F, v2;
	v3 =	vand.u32 $0xFFFFFC00, v3  }
0x4f9: {  	v2 =	vor.u32 v2, v3  }
0x4fa: {  	v2 =	vadd.s32 $0x4280, v2;
	_ =	sdelay $0x4  }
0x4fb: {  	[tilespmem:v2+s16+$0x0] =	vst.idx.msk $0xffff, v0  }
0x4fc: {  	v2 =	vld [tilespmem:$0x1BF00];
	_ =	sdelay $0x4  }
0x4fd: {  	v3 =	vshll.u32 v2, $0x3  }
0x4fe: {  	v2 =	vand.u32 $0x7F, v2;
	v3 =	vand.u32 $0xFFFFFC00, v3  }
0x4ff: {  	v2 =	vor.u32 v2, v3  }
0x500: {  	v2 =	vadd.s32 $0x4300, v2;
	_ =	sdelay $0x4  }
0x501: {  	[tilespmem:v2+s16+$0x0] =	vst.idx.msk $0xffff, v0  }
0x502: {  	v2 =	vld [tilespmem:$0x1BF80];
	_ =	sdelay $0x4  }
0x503: {  	v3 =	vshll.u32 v2, $0x3  }
0x504: {  	v2 =	vand.u32 $0x7F, v2;
	v3 =	vand.u32 $0xFFFFFC00, v3  }
0x505: {  	v2 =	vor.u32 v2, v3  }
0x506: {  	v2 =	vadd.s32 $0x4380, v2;
	_ =	sdelay $0x4  }
0x507: {  	[tilespmem:v2+s16+$0x0] =	vst.idx.msk $0xffff, v0  }
0x508: {  	[hbm4b:s12+s2] =	stream.linear.scatter [tilespmem:s16], [sflag:$0x2], $0x8000, $0x38;
	[tilespmem:$0x1C000] =	vst v63  }
0x509: {  	_ =	swait.ge [sflag:s20], $0x8000  }
0x50a: {  	[sflag:s20] =	ssyncset.done $0x0  }
0x50b: {  	[sflag:s20] =	ssyncadd.s32 $0xFFFF8000  }
0x50c: {  	p0 =	sne.s32 s13, $0x1;
	_ =	swait.ge [sflag:s18], $0x8000  }
.Ltmp0:
0x50d: {  	[sflag:s18] =	ssyncset.done $0x0;
	(pc) =	sbr.rel @p0 .LBB2_1-.Ltmp0, $4  }
0x50e: {  	[sflag:s18] =	ssyncadd.s32 $0xFFFF8000  }
0x50f: {  	_ =	swait.ge [sflag:s19], $0x8000  }
0x510: {  	[sflag:s19] =	ssyncset.done $0x0  }
0x511: {  	s13 =	sadd.s32 $0xFFFFFFFF, s13;
	[sflag:s19] =	ssyncadd.s32 $0xFFFF8000  }
0x512: {  	_ =	sfence.sel $0x180000  }
0x513: {  	[bflag:$0x0] =	sbarrier.arrive $0xFFFF  }
0x514: {  	p0 =	sne.s32 s1, $0x0;
	_ =	strace $0x90000047  }
0x515: {  	s0 =	sadd.s32 @!p0 $0x100000, s0;
	[bflag:$0x2] =	sbarrier.arrive $0xFFFF  }
0x516: {  	[sflag:s0] =	ssyncadd.tile.s32 @!p0 $0x1;
	_ =	shalt  }
.Lfunc_end2:
_tile_overlayer_lowered:
.L_overlay_start_2:
0x517: {  	(tag) =	ssettag $0x2  }
0x518: {  	s0 =	rddreg [dreg:$0x0];
	s2 =	stileid.u32  }
0x519: {  	s1 =	rddreg [dreg:$0x1];
	p0 =	sne.s32 s2, $0x0  }
0x51a: {  	s3 =	rddreg [dreg:$0x2];
	[bflag:$0x3] =	sbarrier.arrive $0xFFFF;
	s2 =	simm.s32 @!p0 $0x1C04  }
0x51b: {  	[timem:s3], [sflag:s2] =	dma.local @!p0 [hbm:s0], s1  }
0x51c: {  	s0 =	simm.s32 @!p0 $0x4  }
0x51d: {  	_ =	swait.ge @!p0 [sflag:s0], s1  }
0x51e: {  	s1 =	ssub.s32 @!p0 $0x0, s1;
	[sflag:s0] =	ssyncset.done @!p0 $0x0  }
0x51f: {  	[sflag:s0] =	ssyncadd.s32 @!p0 s1  }
0x520: {  	[bflag:$0x3] =	sbarrier.arrive $0xFFFF  }
0x521: {  	_ =	shalt  }

</sc_bundles>
